<compile_context>
chip_gen: v7x
topology: tpu7x:2x2x1
jax: 0.10.2.dev20260603
libtpu: 0.0.44.dev20260713+nightly
codegen_flags: <defaults>
</compile_context>

<pallas_src>
import jax
import jax.numpy as jnp
from jax import lax
from jax.experimental import pallas as pl
from jax.experimental.pallas import tpu as pltpu
from jax.experimental.pallas import tpu_sc as plsc

_NC = 2
_NS = 16
_NW = _NC * _NS
_L = 16

_K = 10
_ALPHA = 0.5


def _mesh():
    return plsc.VectorSubcoreMesh(core_axis_name="c", subcore_axis_name="s")


def _wid():
    return lax.axis_index("s") * _NC + lax.axis_index("c")


def _make_deg_pack(N, E):
    ept = E // _NW

    def body(row_hbm, col_hbm, ew_hbm, parts_hbm, packed_hbm, rowb, colb, wb, degb, pkb):
        w = _wid()
        base = w * ept
        pltpu.sync_copy(row_hbm.at[pl.ds(base, ept)], rowb)
        pltpu.sync_copy(col_hbm.at[pl.ds(base, ept)], colb)
        pltpu.sync_copy(ew_hbm.at[pl.ds(base, ept)], wb)

        zeros = jnp.zeros((_L,), jnp.float32)

        @plsc.parallel_loop(0, N, step=_L, unroll=4)
        def _zero(i):
            degb[pl.ds(i, _L)] = zeros

        @plsc.parallel_loop(0, ept, step=_L, unroll=4)
        def _edges(i):
            sl = pl.ds(i, _L)
            r = rowb[sl]
            c = colb[sl]
            wv = wb[sl]
            plsc.addupdate_scatter(degb, [c], wv)
            pkb[sl] = r | (c << 16)

        pltpu.sync_copy(degb, parts_hbm.at[pl.ds(w * N, N)])
        pltpu.sync_copy(pkb, packed_hbm.at[pl.ds(base, ept)])

    return pl.kernel(
        body,
        out_type=(
            jax.ShapeDtypeStruct((_NW * N,), jnp.float32),
            jax.ShapeDtypeStruct((E,), jnp.int32),
        ),
        mesh=_mesh(),
        compiler_params=pltpu.CompilerParams(needs_layout_passes=False),
        scratch_types=[
            pltpu.VMEM((ept,), jnp.int32),
            pltpu.VMEM((ept,), jnp.int32),
            pltpu.VMEM((ept,), jnp.float32),
            pltpu.VMEM((N,), jnp.float32),
            pltpu.VMEM((ept,), jnp.int32),
        ],
    )


def _tc_matmul(x, W):
    N, _ = x.shape
    D = W.shape[1]

    def body(x_ref, w_ref, h0t_ref):
        h0 = jnp.dot(x_ref[...], w_ref[...], preferred_element_type=jnp.float32)
        h0t_ref[...] = h0.T

    return pl.pallas_call(
        body,
        out_shape=jax.ShapeDtypeStruct((D, N), jnp.float32),
    )(x, W)


def _tc_dis(parts, N):

    def body(parts_ref, dis_ref):
        deg = jnp.sum(parts_ref[...], axis=0)
        dis = jnp.where(deg > 0, lax.rsqrt(deg), 0.0)
        dis_ref[...] = dis.reshape(1, N)

    return pl.pallas_call(
        body,
        out_shape=jax.ShapeDtypeStruct((1, N), jnp.float32),
    )(parts)


def _make_norm(N, E):
    half = E // 2
    pept = half // _NW
    scale = 1.0 - _ALPHA

    pad = (-pept) % _L
    peptp = pept + pad

    def body(packed_hbm, ew_hbm, dis_hbm, nrm_hbm,
             disb, pkb1, pkb2, wb1, wb2, nvb):
        w = _wid()
        base = w * pept
        pltpu.sync_copy(dis_hbm, disb)
        if pad:
            zeros = jnp.zeros((_L,), jnp.int32)
            pkb1[pl.ds(peptp - _L, _L)] = zeros
            pkb2[pl.ds(peptp - _L, _L)] = zeros
        pltpu.sync_copy(packed_hbm.at[pl.ds(base, pept)], pkb1.at[pl.ds(0, pept)])
        pltpu.sync_copy(packed_hbm.at[pl.ds(half + base, pept)], pkb2.at[pl.ds(0, pept)])
        pltpu.sync_copy(ew_hbm.at[pl.ds(base, pept)], wb1.at[pl.ds(0, pept)])
        pltpu.sync_copy(ew_hbm.at[pl.ds(half + base, pept)], wb2.at[pl.ds(0, pept)])

        def one(pkb, wb, sl):
            pk = pkb[sl]
            r = pk & 0xFFFF
            c = pk >> 16
            dr = plsc.load_gather(disb, [r])
            dc = plsc.load_gather(disb, [c])
            return (dr * wb[sl]) * (dc * scale)

        @plsc.parallel_loop(0, peptp, step=_L, unroll=2)
        def _edges(i):
            sl = pl.ds(i, _L)
            pw = plsc.pack(one(pkb1, wb1, sl), one(pkb2, wb2, sl),
                           format=plsc.PackFormat.INTERLEAVED)
            nvb[sl] = plsc.bitcast(pw, jnp.float32)

        pltpu.sync_copy(nvb.at[pl.ds(0, pept)], nrm_hbm.at[pl.ds(base, pept)])

    return pl.kernel(
        body,
        out_type=jax.ShapeDtypeStruct((half,), jnp.float32),
        mesh=_mesh(),
        compiler_params=pltpu.CompilerParams(needs_layout_passes=False),
        scratch_types=[
            pltpu.VMEM((N,), jnp.float32),
            pltpu.VMEM((peptp,), jnp.int32),
            pltpu.VMEM((peptp,), jnp.int32),
            pltpu.VMEM((peptp,), jnp.float32),
            pltpu.VMEM((peptp,), jnp.float32),
            pltpu.VMEM((peptp,), jnp.float32),
        ],
    )


def _make_prop(N, E, D, cw):
    F = D // _NW
    half = E // 2
    nchunks = half // cw
    assert nchunks % 2 == 0 and cw % _L == 0

    P = F // 2

    def body(h0t_hbm, packed_hbm, nrm_hbm, ht_hbm, *refs):
        acc = refs[0:F]
        h0p = refs[F:F + P]
        sp = refs[F + P:F + 2 * P]
        pk0, nv0, pk1, nv1, sem0, sem1 = refs[F + 2 * P:]
        w = _wid()
        f0 = w * F

        for f in range(F):
            pltpu.sync_copy(h0t_hbm.at[pl.ds((f0 + f) * N, N)], acc[f])

        @plsc.parallel_loop(0, N, step=_L, unroll=2)
        def _prep(i):
            sl = pl.ds(i, _L)
            for p in range(P):
                a = acc[2 * p][sl]
                b = acc[2 * p + 1][sl]
                pw = plsc.pack(a, b, format=plsc.PackFormat.INTERLEAVED)
                sp[p][sl] = plsc.bitcast(pw, jnp.float32)
                ah = a * _ALPHA
                bh = b * _ALPHA
                hw = plsc.pack(ah, bh, format=plsc.PackFormat.INTERLEAVED)
                h0p[p][sl] = plsc.bitcast(hw, jnp.float32)
                acc[2 * p][sl] = ah
                acc[2 * p + 1][sl] = bh

        def start_chunk(j, pkb, nvb, sem):
            off = pl.multiple_of(j * cw, 8)
            pltpu.async_copy(packed_hbm.at[pl.ds(off, cw)], pkb.at[pl.ds(0, cw)], sem)
            pltpu.async_copy(packed_hbm.at[pl.ds(half + off, cw)],
                             pkb.at[pl.ds(cw, cw)], sem)
            pltpu.async_copy(nrm_hbm.at[pl.ds(off, cw)], nvb, sem)

        def wait_chunk(pkb, nvb, sem):
            pltpu.make_async_copy(packed_hbm.at[pl.ds(0, cw)],
                                  pkb.at[pl.ds(0, cw)], sem).wait()
            pltpu.make_async_copy(packed_hbm.at[pl.ds(0, cw)],
                                  pkb.at[pl.ds(cw, cw)], sem).wait()
            pltpu.make_async_copy(nrm_hbm.at[pl.ds(0, cw)], nvb, sem).wait()

        start_chunk(0, pk0, nv0, sem0)

        def process_chunk(j, pkb, nvb, sem, pko, nvo, semo):
            wait_chunk(pkb, nvb, sem)
            jn = j + 1
            jn = jnp.where(jn == nchunks, 0, jn)
            start_chunk(jn, pko, nvo, semo)

            @plsc.parallel_loop(0, cw, step=_L, unroll=2)
            def _grp(i):
                nvw = nvb[pl.ds(i, _L)]
                nva, nvb_ = plsc.unpack(plsc.bitcast(nvw, jnp.bfloat16),
                                        format=plsc.PackFormat.INTERLEAVED)
                for pk, nv in ((pkb[pl.ds(i, _L)], nva),
                               (pkb[pl.ds(cw + i, _L)], nvb_)):
                    r = pk & 0xFFFF
                    c = pk >> 16
                    for p in range(P):
                        g = plsc.load_gather(sp[p], [r])
                        a, b = plsc.unpack(plsc.bitcast(g, jnp.bfloat16),
                                           format=plsc.PackFormat.INTERLEAVED)
                        plsc.addupdate_scatter(acc[2 * p], [c], a * nv)
                        plsc.addupdate_scatter(acc[2 * p + 1], [c], b * nv)

        def run_chunks():
            @pl.loop(0, nchunks, step=2)
            def _chunks(g):
                process_chunk(g, pk0, nv0, sem0, pk1, nv1, sem1)
                process_chunk(g + 1, pk1, nv1, sem1, pk0, nv0, sem0)

        @pl.loop(0, _K - 1)
        def _step(k):
            run_chunks()

            @plsc.parallel_loop(0, N, step=_L, unroll=2)
            def _repack(i):
                sl = pl.ds(i, _L)
                for p in range(P):
                    pw = plsc.pack(acc[2 * p][sl], acc[2 * p + 1][sl],
                                   format=plsc.PackFormat.INTERLEAVED)
                    sp[p][sl] = plsc.bitcast(pw, jnp.float32)
                    a, b = plsc.unpack(plsc.bitcast(h0p[p][sl], jnp.bfloat16),
                                       format=plsc.PackFormat.INTERLEAVED)
                    acc[2 * p][sl] = a
                    acc[2 * p + 1][sl] = b

        run_chunks()

        wait_chunk(pk0, nv0, sem0)

        for f in range(F):
            pltpu.sync_copy(acc[f], ht_hbm.at[pl.ds((f0 + f) * N, N)])

    return pl.kernel(
        body,
        out_type=jax.ShapeDtypeStruct((D * N,), jnp.float32),
        mesh=_mesh(),
        compiler_params=pltpu.CompilerParams(needs_layout_passes=False),
        scratch_types=(
            [pltpu.VMEM((N,), jnp.float32)] * (F + 2 * P)
            + [
                pltpu.VMEM((2 * cw,), jnp.int32),
                pltpu.VMEM((cw,), jnp.float32),
                pltpu.VMEM((2 * cw,), jnp.int32),
                pltpu.VMEM((cw,), jnp.float32),
                pltpu.SemaphoreType.DMA,
                pltpu.SemaphoreType.DMA,
            ]
        ),
    )


@jax.jit
def kernel(x, edge_index, edge_weight, W):
    N, _ = x.shape
    D = W.shape[1]
    E = edge_weight.shape[0]

    parts, packed = _make_deg_pack(N, E)(edge_index[0], edge_index[1], edge_weight)
    h0t = _tc_matmul(x, W)
    dis = _tc_dis(parts.reshape(_NW, N), N)
    nrm = _make_norm(N, E)(packed, edge_weight, dis.reshape(N))
    ht = _make_prop(N, E, D, cw=8000)(h0t.reshape(D * N), packed, nrm)
    return ht.reshape(D, N).T

# --- scband reference (transcript-rebuilt; emitter-appended) ---
"""Pipeline reference for scband-gcn-55362128445547 (READ-ONLY COPY).

The authoritative reference and input builder live on the scoring server;
editing this copy changes nothing except your own understanding.
"""

import jax, jax.numpy as jnp
import numpy as np

N = 10000
E = 320000
D_IN = 128
D_OUT = 128
K = 10
ALPHA = 0.5


def setup_inputs(seed: int = 0) -> dict:
    key = jax.random.key(seed)
    k1, k2, k3, k4 = jax.random.split(key, 4)
    x = jax.random.normal(k1, (N, D_IN), dtype=jnp.float32)
    edge_index = jax.random.randint(k2, (2, E), 0, N, dtype=jnp.int32)
    edge_weight = jax.random.uniform(k3, (E,), dtype=jnp.float32)
    bound = float(D_OUT) ** 0.5
    W = jax.random.uniform(k4, (D_IN, D_OUT), minval=-bound, maxval=bound, dtype=jnp.float32)
    return {"x": x, "edge_index": edge_index, "edge_weight": edge_weight, "W": W}


def reference(x, edge_index, edge_weight, W):
    # Linear transform: x = x @ W
    h0 = x @ W
    row = edge_index[0]
    col = edge_index[1]
    # gcn_norm with add_self_loops=False: deg over dst (col)
    deg = jax.ops.segment_sum(edge_weight, col, num_segments=N)
    deg_inv_sqrt = jnp.where(deg > 0, 1.0 / jnp.sqrt(deg), 0.0)
    norm = deg_inv_sqrt[row] * edge_weight * deg_inv_sqrt[col]
    # APPNP propagation: h = (1-alpha) * A_hat h + alpha * h0, K iterations
    h = h0
    for _ in range(K):
        msgs = norm[:, None] * h[row]
        agg = jax.ops.segment_sum(msgs, col, num_segments=N)
        h = (1.0 - ALPHA) * agg + ALPHA * h0
    return h

if __name__ == "__main__":
    import jax
    _d = setup_inputs()
    print(jax.jit(kernel)(*tuple(_d.values())))

</pallas_src>

<mosaic_0001>
#map = affine_map<(d0, d1) -> (0)>
module attributes {stable_mosaic.version = 14 : i64} {
  func.func @body(%arg0: i32, %arg1: i32, %arg2: memref<320000xi32, #tpu.memory_space<hbm>>, %arg3: memref<320000xi32, #tpu.memory_space<hbm>>, %arg4: memref<320000xf32, #tpu.memory_space<hbm>>, %arg5: memref<320000xf32, #tpu.memory_space<hbm>>, %arg6: memref<320000xi32, #tpu.memory_space<hbm>>, %arg7: memref<10000xi32, #tpu.memory_space<vmem>>, %arg8: memref<10000xi32, #tpu.memory_space<vmem>>, %arg9: memref<10000xf32, #tpu.memory_space<vmem>>, %arg10: memref<10000xf32, #tpu.memory_space<vmem>>, %arg11: memref<10000xi32, #tpu.memory_space<vmem>>) attributes {dimension_semantics = [#tpu.dimension_semantics<core_parallel>, #tpu.dimension_semantics<subcore_parallel>], iteration_bounds = array<i64: 2, 16>, scalar_prefetch = 0 : i64, scratch_operands = 5 : i64, tpu.core_type = #tpu.core_type<sc_vector_subcore>, window_params = [{transform_indices = #map}, {transform_indices = #map}, {transform_indices = #map}, {transform_indices = #map}, {transform_indices = #map}]} {
    %mul3A = arith.constant 2 : i32
    %mul3A_0 = arith.muli %arg1, %mul3A : i32
    %add3A = arith.addi %mul3A_0, %arg0 : i32
    %mul3A_1 = arith.constant 10000 : i32
    %mul3A_2 = arith.muli %add3A, %mul3A_1 : i32
    "tpu.region"() ({
      %run_scoped3A = tpu.sem_alloc : memref<!tpu.dma_semaphore, #tpu.memory_space<semaphore_mem>>
      %dma_start3A = tpu.memref_slice %arg2[%mul3A_2] : memref<320000xi32, #tpu.memory_space<hbm>> -> memref<10000xi32, #tpu.memory_space<hbm>>
      %dma_start3A_11 = tpu.memref_slice %arg2[%mul3A_2] : memref<320000xi32, #tpu.memory_space<hbm>> -> memref<10000xi32, #tpu.memory_space<hbm>>
      tpu.enqueue_dma source(%dma_start3A_11 : memref<10000xi32, #tpu.memory_space<hbm>>) target(%arg7 : memref<10000xi32, #tpu.memory_space<vmem>>) target_semaphore(%run_scoped3A : memref<!tpu.dma_semaphore, #tpu.memory_space<semaphore_mem>>)
      %dma_wait3A = tpu.memref_slice %arg2[%mul3A_2] : memref<320000xi32, #tpu.memory_space<hbm>> -> memref<10000xi32, #tpu.memory_space<hbm>>
      %dma_wait3A_12 = tpu.memref_slice %arg2[%mul3A_2] : memref<320000xi32, #tpu.memory_space<hbm>> -> memref<10000xi32, #tpu.memory_space<hbm>>
      tpu.wait_dma2 semaphore(%run_scoped3A : memref<!tpu.dma_semaphore, #tpu.memory_space<semaphore_mem>>) src(%dma_wait3A_12 : memref<10000xi32, #tpu.memory_space<hbm>>) dst(%arg7 : memref<10000xi32, #tpu.memory_space<vmem>>)
      tpu.yield
    }) : () -> ()
    "tpu.region"() ({
      %run_scoped3A = tpu.sem_alloc : memref<!tpu.dma_semaphore, #tpu.memory_space<semaphore_mem>>
      %dma_start3A = tpu.memref_slice %arg3[%mul3A_2] : memref<320000xi32, #tpu.memory_space<hbm>> -> memref<10000xi32, #tpu.memory_space<hbm>>
      %dma_start3A_11 = tpu.memref_slice %arg3[%mul3A_2] : memref<320000xi32, #tpu.memory_space<hbm>> -> memref<10000xi32, #tpu.memory_space<hbm>>
      tpu.enqueue_dma source(%dma_start3A_11 : memref<10000xi32, #tpu.memory_space<hbm>>) target(%arg8 : memref<10000xi32, #tpu.memory_space<vmem>>) target_semaphore(%run_scoped3A : memref<!tpu.dma_semaphore, #tpu.memory_space<semaphore_mem>>)
      %dma_wait3A = tpu.memref_slice %arg3[%mul3A_2] : memref<320000xi32, #tpu.memory_space<hbm>> -> memref<10000xi32, #tpu.memory_space<hbm>>
      %dma_wait3A_12 = tpu.memref_slice %arg3[%mul3A_2] : memref<320000xi32, #tpu.memory_space<hbm>> -> memref<10000xi32, #tpu.memory_space<hbm>>
      tpu.wait_dma2 semaphore(%run_scoped3A : memref<!tpu.dma_semaphore, #tpu.memory_space<semaphore_mem>>) src(%dma_wait3A_12 : memref<10000xi32, #tpu.memory_space<hbm>>) dst(%arg8 : memref<10000xi32, #tpu.memory_space<vmem>>)
      tpu.yield
    }) : () -> ()
    "tpu.region"() ({
      %run_scoped3A = tpu.sem_alloc : memref<!tpu.dma_semaphore, #tpu.memory_space<semaphore_mem>>
      %dma_start3A = tpu.memref_slice %arg4[%mul3A_2] : memref<320000xf32, #tpu.memory_space<hbm>> -> memref<10000xf32, #tpu.memory_space<hbm>>
      %dma_start3A_11 = tpu.memref_slice %arg4[%mul3A_2] : memref<320000xf32, #tpu.memory_space<hbm>> -> memref<10000xf32, #tpu.memory_space<hbm>>
      tpu.enqueue_dma source(%dma_start3A_11 : memref<10000xf32, #tpu.memory_space<hbm>>) target(%arg9 : memref<10000xf32, #tpu.memory_space<vmem>>) target_semaphore(%run_scoped3A : memref<!tpu.dma_semaphore, #tpu.memory_space<semaphore_mem>>)
      %dma_wait3A = tpu.memref_slice %arg4[%mul3A_2] : memref<320000xf32, #tpu.memory_space<hbm>> -> memref<10000xf32, #tpu.memory_space<hbm>>
      %dma_wait3A_12 = tpu.memref_slice %arg4[%mul3A_2] : memref<320000xf32, #tpu.memory_space<hbm>> -> memref<10000xf32, #tpu.memory_space<hbm>>
      tpu.wait_dma2 semaphore(%run_scoped3A : memref<!tpu.dma_semaphore, #tpu.memory_space<semaphore_mem>>) src(%dma_wait3A_12 : memref<10000xf32, #tpu.memory_space<hbm>>) dst(%arg9 : memref<10000xf32, #tpu.memory_space<vmem>>)
      tpu.yield
    }) : () -> ()
    %broadcast_in_dim3A = arith.constant 0.000000e+00 : f32
    %broadcast_in_dim3A_3 = vector.broadcast %broadcast_in_dim3A : f32 to vector<16xf32>
    %parallel_loop3A = arith.constant 0 : i32
    %parallel_loop3A_4 = arith.constant 10000 : i32
    %parallel_loop3A_5 = arith.constant 16 : i32
    scf.for %parallel_loop3A_11 = %parallel_loop3A to %parallel_loop3A_4 step %parallel_loop3A_5  : i32 {
      %parallel_loop3A_12 = arith.index_cast %parallel_loop3A_11 : i32 to index
      %parallel_loop3A_13 = tpu.vector_load %arg10[%parallel_loop3A_12] {strides = array<i32>} : memref<10000xf32, #tpu.memory_space<vmem>>, vector<16xf32>,
      tpu.vector_store %arg10[%parallel_loop3A_12], %broadcast_in_dim3A_3 {strides = array<i32>} : memref<10000xf32, #tpu.memory_space<vmem>>, vector<16xf32>,
    } {sc.loop_unroll_factor = 4 : i64, sc.parallel_access}
    %parallel_loop3A_6 = arith.constant 0 : i32
    %parallel_loop3A_7 = arith.constant 10000 : i32
    %parallel_loop3A_8 = arith.constant 16 : i32
    scf.for %parallel_loop3A_11 = %parallel_loop3A_6 to %parallel_loop3A_7 step %parallel_loop3A_8  : i32 {
      %parallel_loop3A_12 = arith.index_cast %parallel_loop3A_11 : i32 to index
      %parallel_loop3A_13 = tpu.vector_load %arg7[%parallel_loop3A_12] {strides = array<i32>} : memref<10000xi32, #tpu.memory_space<vmem>>, vector<16xi32>,
      %parallel_loop3A_14 = arith.index_cast %parallel_loop3A_11 : i32 to index
      %parallel_loop3A_15 = tpu.vector_load %arg8[%parallel_loop3A_14] {strides = array<i32>} : memref<10000xi32, #tpu.memory_space<vmem>>, vector<16xi32>,
      %parallel_loop3A_16 = arith.index_cast %parallel_loop3A_11 : i32 to index
      %parallel_loop3A_17 = tpu.vector_load %arg9[%parallel_loop3A_16] {strides = array<i32>} : memref<10000xf32, #tpu.memory_space<vmem>>, vector<16xf32>,
      tpu.vector_store_idx %arg10[%parallel_loop3A_15], %parallel_loop3A_17 {add = true} : memref<10000xf32, #tpu.memory_space<vmem>>[vector<16xi32>], vector<16xf32>,
      %parallel_loop3A_18 = arith.constant 16 : i32
      %parallel_loop3A_19 = vector.broadcast %parallel_loop3A_18 : i32 to vector<16xi32>
      %parallel_loop3A_20 = arith.shli %parallel_loop3A_15, %parallel_loop3A_19 : vector<16xi32>
      %parallel_loop3A_21 = arith.ori %parallel_loop3A_13, %parallel_loop3A_20 : vector<16xi32>
      %parallel_loop3A_22 = arith.index_cast %parallel_loop3A_11 : i32 to index
      %parallel_loop3A_23 = tpu.vector_load %arg11[%parallel_loop3A_22] {strides = array<i32>} : memref<10000xi32, #tpu.memory_space<vmem>>, vector<16xi32>,
      tpu.vector_store %arg11[%parallel_loop3A_22], %parallel_loop3A_21 {strides = array<i32>} : memref<10000xi32, #tpu.memory_space<vmem>>, vector<16xi32>,
    } {sc.loop_unroll_factor = 4 : i64, sc.parallel_access}
    %mul3A_9 = arith.constant 10000 : i32
    %mul3A_10 = arith.muli %add3A, %mul3A_9 : i32
    "tpu.region"() ({
      %run_scoped3A = tpu.sem_alloc : memref<!tpu.dma_semaphore, #tpu.memory_space<semaphore_mem>>
      %dma_start3A = tpu.memref_slice %arg5[%mul3A_10] : memref<320000xf32, #tpu.memory_space<hbm>> -> memref<10000xf32, #tpu.memory_space<hbm>>
      %dma_start3A_11 = tpu.memref_slice %arg5[%mul3A_10] : memref<320000xf32, #tpu.memory_space<hbm>> -> memref<10000xf32, #tpu.memory_space<hbm>>
      tpu.enqueue_dma source(%arg10 : memref<10000xf32, #tpu.memory_space<vmem>>) target(%dma_start3A_11 : memref<10000xf32, #tpu.memory_space<hbm>>) target_semaphore(%run_scoped3A : memref<!tpu.dma_semaphore, #tpu.memory_space<semaphore_mem>>)
      %dma_wait3A = tpu.memref_slice %arg5[%mul3A_10] : memref<320000xf32, #tpu.memory_space<hbm>> -> memref<10000xf32, #tpu.memory_space<hbm>>
      %dma_wait3A_12 = tpu.memref_slice %arg5[%mul3A_10] : memref<320000xf32, #tpu.memory_space<hbm>> -> memref<10000xf32, #tpu.memory_space<hbm>>
      tpu.wait_dma2 semaphore(%run_scoped3A : memref<!tpu.dma_semaphore, #tpu.memory_space<semaphore_mem>>) src(%arg10 : memref<10000xf32, #tpu.memory_space<vmem>>) dst(%dma_wait3A_12 : memref<10000xf32, #tpu.memory_space<hbm>>)
      tpu.yield
    }) : () -> ()
    "tpu.region"() ({
      %run_scoped3A = tpu.sem_alloc : memref<!tpu.dma_semaphore, #tpu.memory_space<semaphore_mem>>
      %dma_start3A = tpu.memref_slice %arg6[%mul3A_2] : memref<320000xi32, #tpu.memory_space<hbm>> -> memref<10000xi32, #tpu.memory_space<hbm>>
      %dma_start3A_11 = tpu.memref_slice %arg6[%mul3A_2] : memref<320000xi32, #tpu.memory_space<hbm>> -> memref<10000xi32, #tpu.memory_space<hbm>>
      tpu.enqueue_dma source(%arg11 : memref<10000xi32, #tpu.memory_space<vmem>>) target(%dma_start3A_11 : memref<10000xi32, #tpu.memory_space<hbm>>) target_semaphore(%run_scoped3A : memref<!tpu.dma_semaphore, #tpu.memory_space<semaphore_mem>>)
      %dma_wait3A = tpu.memref_slice %arg6[%mul3A_2] : memref<320000xi32, #tpu.memory_space<hbm>> -> memref<10000xi32, #tpu.memory_space<hbm>>
      %dma_wait3A_12 = tpu.memref_slice %arg6[%mul3A_2] : memref<320000xi32, #tpu.memory_space<hbm>> -> memref<10000xi32, #tpu.memory_space<hbm>>
      tpu.wait_dma2 semaphore(%run_scoped3A : memref<!tpu.dma_semaphore, #tpu.memory_space<semaphore_mem>>) src(%arg11 : memref<10000xi32, #tpu.memory_space<vmem>>) dst(%dma_wait3A_12 : memref<10000xi32, #tpu.memory_space<hbm>>)
      tpu.yield
    }) : () -> ()
    return
  }
}

#map = affine_map<(d0, d1) -> (0)>
module attributes {stable_mosaic.version = 14 : i64} {
  func.func @body(%arg0: i32, %arg1: i32, %arg2: memref<1280000xf32, #tpu.memory_space<hbm>>, %arg3: memref<320000xi32, #tpu.memory_space<hbm>>, %arg4: memref<160000xf32, #tpu.memory_space<hbm>>, %arg5: memref<1280000xf32, #tpu.memory_space<hbm>>, %arg6: memref<10000xf32, #tpu.memory_space<vmem>>, %arg7: memref<10000xf32, #tpu.memory_space<vmem>>, %arg8: memref<10000xf32, #tpu.memory_space<vmem>>, %arg9: memref<10000xf32, #tpu.memory_space<vmem>>, %arg10: memref<10000xf32, #tpu.memory_space<vmem>>, %arg11: memref<10000xf32, #tpu.memory_space<vmem>>, %arg12: memref<10000xf32, #tpu.memory_space<vmem>>, %arg13: memref<10000xf32, #tpu.memory_space<vmem>>, %arg14: memref<16000xi32, #tpu.memory_space<vmem>>, %arg15: memref<8000xf32, #tpu.memory_space<vmem>>, %arg16: memref<16000xi32, #tpu.memory_space<vmem>>, %arg17: memref<8000xf32, #tpu.memory_space<vmem>>, %arg18: memref<!tpu.dma_semaphore, #tpu.memory_space<semaphore_mem>>, %arg19: memref<!tpu.dma_semaphore, #tpu.memory_space<semaphore_mem>>) attributes {dimension_semantics = [#tpu.dimension_semantics<core_parallel>, #tpu.dimension_semantics<subcore_parallel>], iteration_bounds = array<i64: 2, 16>, scalar_prefetch = 0 : i64, scratch_operands = 14 : i64, tpu.core_type = #tpu.core_type<sc_vector_subcore>, window_params = [{transform_indices = #map}, {transform_indices = #map}, {transform_indices = #map}, {transform_indices = #map}]} {
    %mul3A = arith.constant 2 : i32
    %mul3A_0 = arith.muli %arg1, %mul3A : i32
    %add3A = arith.addi %mul3A_0, %arg0 : i32
    %mul3A_1 = arith.constant 4 : i32
    %mul3A_2 = arith.muli %add3A, %mul3A_1 : i32
    %add3A_3 = arith.constant 0 : i32
    %add3A_4 = arith.addi %mul3A_2, %add3A_3 : i32
    %mul3A_5 = arith.constant 10000 : i32
    %mul3A_6 = arith.muli %add3A_4, %mul3A_5 : i32
    "tpu.region"() ({
      %run_scoped3A = tpu.sem_alloc : memref<!tpu.dma_semaphore, #tpu.memory_space<semaphore_mem>>
      %dma_start3A_81 = tpu.memref_slice %arg2[%mul3A_6] : memref<1280000xf32, #tpu.memory_space<hbm>> -> memref<10000xf32, #tpu.memory_space<hbm>>
      %dma_start3A_82 = tpu.memref_slice %arg2[%mul3A_6] : memref<1280000xf32, #tpu.memory_space<hbm>> -> memref<10000xf32, #tpu.memory_space<hbm>>
      tpu.enqueue_dma source(%dma_start3A_82 : memref<10000xf32, #tpu.memory_space<hbm>>) target(%arg6 : memref<10000xf32, #tpu.memory_space<vmem>>) target_semaphore(%run_scoped3A : memref<!tpu.dma_semaphore, #tpu.memory_space<semaphore_mem>>)
      %dma_wait3A_83 = tpu.memref_slice %arg2[%mul3A_6] : memref<1280000xf32, #tpu.memory_space<hbm>> -> memref<10000xf32, #tpu.memory_space<hbm>>
      %dma_wait3A_84 = tpu.memref_slice %arg2[%mul3A_6] : memref<1280000xf32, #tpu.memory_space<hbm>> -> memref<10000xf32, #tpu.memory_space<hbm>>
      tpu.wait_dma2 semaphore(%run_scoped3A : memref<!tpu.dma_semaphore, #tpu.memory_space<semaphore_mem>>) src(%dma_wait3A_84 : memref<10000xf32, #tpu.memory_space<hbm>>) dst(%arg6 : memref<10000xf32, #tpu.memory_space<vmem>>)
      tpu.yield
    }) : () -> ()
    %add3A_7 = arith.constant 1 : i32
    %add3A_8 = arith.addi %mul3A_2, %add3A_7 : i32
    %mul3A_9 = arith.constant 10000 : i32
    %mul3A_10 = arith.muli %add3A_8, %mul3A_9 : i32
    "tpu.region"() ({
      %run_scoped3A = tpu.sem_alloc : memref<!tpu.dma_semaphore, #tpu.memory_space<semaphore_mem>>
      %dma_start3A_81 = tpu.memref_slice %arg2[%mul3A_10] : memref<1280000xf32, #tpu.memory_space<hbm>> -> memref<10000xf32, #tpu.memory_space<hbm>>
      %dma_start3A_82 = tpu.memref_slice %arg2[%mul3A_10] : memref<1280000xf32, #tpu.memory_space<hbm>> -> memref<10000xf32, #tpu.memory_space<hbm>>
      tpu.enqueue_dma source(%dma_start3A_82 : memref<10000xf32, #tpu.memory_space<hbm>>) target(%arg7 : memref<10000xf32, #tpu.memory_space<vmem>>) target_semaphore(%run_scoped3A : memref<!tpu.dma_semaphore, #tpu.memory_space<semaphore_mem>>)
      %dma_wait3A_83 = tpu.memref_slice %arg2[%mul3A_10] : memref<1280000xf32, #tpu.memory_space<hbm>> -> memref<10000xf32, #tpu.memory_space<hbm>>
      %dma_wait3A_84 = tpu.memref_slice %arg2[%mul3A_10] : memref<1280000xf32, #tpu.memory_space<hbm>> -> memref<10000xf32, #tpu.memory_space<hbm>>
      tpu.wait_dma2 semaphore(%run_scoped3A : memref<!tpu.dma_semaphore, #tpu.memory_space<semaphore_mem>>) src(%dma_wait3A_84 : memref<10000xf32, #tpu.memory_space<hbm>>) dst(%arg7 : memref<10000xf32, #tpu.memory_space<vmem>>)
      tpu.yield
    }) : () -> ()
    %add3A_11 = arith.constant 2 : i32
    %add3A_12 = arith.addi %mul3A_2, %add3A_11 : i32
    %mul3A_13 = arith.constant 10000 : i32
    %mul3A_14 = arith.muli %add3A_12, %mul3A_13 : i32
    "tpu.region"() ({
      %run_scoped3A = tpu.sem_alloc : memref<!tpu.dma_semaphore, #tpu.memory_space<semaphore_mem>>
      %dma_start3A_81 = tpu.memref_slice %arg2[%mul3A_14] : memref<1280000xf32, #tpu.memory_space<hbm>> -> memref<10000xf32, #tpu.memory_space<hbm>>
      %dma_start3A_82 = tpu.memref_slice %arg2[%mul3A_14] : memref<1280000xf32, #tpu.memory_space<hbm>> -> memref<10000xf32, #tpu.memory_space<hbm>>
      tpu.enqueue_dma source(%dma_start3A_82 : memref<10000xf32, #tpu.memory_space<hbm>>) target(%arg8 : memref<10000xf32, #tpu.memory_space<vmem>>) target_semaphore(%run_scoped3A : memref<!tpu.dma_semaphore, #tpu.memory_space<semaphore_mem>>)
      %dma_wait3A_83 = tpu.memref_slice %arg2[%mul3A_14] : memref<1280000xf32, #tpu.memory_space<hbm>> -> memref<10000xf32, #tpu.memory_space<hbm>>
      %dma_wait3A_84 = tpu.memref_slice %arg2[%mul3A_14] : memref<1280000xf32, #tpu.memory_space<hbm>> -> memref<10000xf32, #tpu.memory_space<hbm>>
      tpu.wait_dma2 semaphore(%run_scoped3A : memref<!tpu.dma_semaphore, #tpu.memory_space<semaphore_mem>>) src(%dma_wait3A_84 : memref<10000xf32, #tpu.memory_space<hbm>>) dst(%arg8 : memref<10000xf32, #tpu.memory_space<vmem>>)
      tpu.yield
    }) : () -> ()
    %add3A_15 = arith.constant 3 : i32
    %add3A_16 = arith.addi %mul3A_2, %add3A_15 : i32
    %mul3A_17 = arith.constant 10000 : i32
    %mul3A_18 = arith.muli %add3A_16, %mul3A_17 : i32
    "tpu.region"() ({
      %run_scoped3A = tpu.sem_alloc : memref<!tpu.dma_semaphore, #tpu.memory_space<semaphore_mem>>
      %dma_start3A_81 = tpu.memref_slice %arg2[%mul3A_18] : memref<1280000xf32, #tpu.memory_space<hbm>> -> memref<10000xf32, #tpu.memory_space<hbm>>
      %dma_start3A_82 = tpu.memref_slice %arg2[%mul3A_18] : memref<1280000xf32, #tpu.memory_space<hbm>> -> memref<10000xf32, #tpu.memory_space<hbm>>
      tpu.enqueue_dma source(%dma_start3A_82 : memref<10000xf32, #tpu.memory_space<hbm>>) target(%arg9 : memref<10000xf32, #tpu.memory_space<vmem>>) target_semaphore(%run_scoped3A : memref<!tpu.dma_semaphore, #tpu.memory_space<semaphore_mem>>)
      %dma_wait3A_83 = tpu.memref_slice %arg2[%mul3A_18] : memref<1280000xf32, #tpu.memory_space<hbm>> -> memref<10000xf32, #tpu.memory_space<hbm>>
      %dma_wait3A_84 = tpu.memref_slice %arg2[%mul3A_18] : memref<1280000xf32, #tpu.memory_space<hbm>> -> memref<10000xf32, #tpu.memory_space<hbm>>
      tpu.wait_dma2 semaphore(%run_scoped3A : memref<!tpu.dma_semaphore, #tpu.memory_space<semaphore_mem>>) src(%dma_wait3A_84 : memref<10000xf32, #tpu.memory_space<hbm>>) dst(%arg9 : memref<10000xf32, #tpu.memory_space<vmem>>)
      tpu.yield
    }) : () -> ()
    %parallel_loop3A = arith.constant 0 : i32
    %parallel_loop3A_19 = arith.constant 10000 : i32
    %parallel_loop3A_20 = arith.constant 16 : i32
    scf.for %parallel_loop3A_81 = %parallel_loop3A to %parallel_loop3A_19 step %parallel_loop3A_20  : i32 {
      %parallel_loop3A_82 = arith.index_cast %parallel_loop3A_81 : i32 to index
      %parallel_loop3A_83 = tpu.vector_load %arg6[%parallel_loop3A_82] {strides = array<i32>} : memref<10000xf32, #tpu.memory_space<vmem>>, vector<16xf32>,
      %parallel_loop3A_84 = arith.index_cast %parallel_loop3A_81 : i32 to index
      %parallel_loop3A_85 = tpu.vector_load %arg7[%parallel_loop3A_84] {strides = array<i32>} : memref<10000xf32, #tpu.memory_space<vmem>>, vector<16xf32>,
      %parallel_loop3A_86 = tpu.pack_subelements %parallel_loop3A_83, %parallel_loop3A_85 {pack_format = #tpu.pack_format<interleaved>, positions = array<i32: 0, 1>} : vector<16xf32>, vector<16xf32> -> vector<32xbf16>
      %parallel_loop3A_87 = vector.bitcast %parallel_loop3A_86 : vector<32xbf16> to vector<16xf32>
      %parallel_loop3A_88 = arith.index_cast %parallel_loop3A_81 : i32 to index
      %parallel_loop3A_89 = tpu.vector_load %arg12[%parallel_loop3A_88] {strides = array<i32>} : memref<10000xf32, #tpu.memory_space<vmem>>, vector<16xf32>,
      tpu.vector_store %arg12[%parallel_loop3A_88], %parallel_loop3A_87 {strides = array<i32>} : memref<10000xf32, #tpu.memory_space<vmem>>, vector<16xf32>,
      %parallel_loop3A_90 = arith.constant 5.000000e-01 : f32
      %parallel_loop3A_91 = vector.broadcast %parallel_loop3A_90 : f32 to vector<16xf32>
      %parallel_loop3A_92 = arith.mulf %parallel_loop3A_83, %parallel_loop3A_91 : vector<16xf32>
      %parallel_loop3A_93 = arith.constant 5.000000e-01 : f32
      %parallel_loop3A_94 = vector.broadcast %parallel_loop3A_93 : f32 to vector<16xf32>
      %parallel_loop3A_95 = arith.mulf %parallel_loop3A_85, %parallel_loop3A_94 : vector<16xf32>
      %parallel_loop3A_96 = tpu.pack_subelements %parallel_loop3A_92, %parallel_loop3A_95 {pack_format = #tpu.pack_format<interleaved>, positions = array<i32: 0, 1>} : vector<16xf32>, vector<16xf32> -> vector<32xbf16>
      %parallel_loop3A_97 = vector.bitcast %parallel_loop3A_96 : vector<32xbf16> to vector<16xf32>
      %parallel_loop3A_98 = arith.index_cast %parallel_loop3A_81 : i32 to index
      %parallel_loop3A_99 = tpu.vector_load %arg10[%parallel_loop3A_98] {strides = array<i32>} : memref<10000xf32, #tpu.memory_space<vmem>>, vector<16xf32>,
      tpu.vector_store %arg10[%parallel_loop3A_98], %parallel_loop3A_97 {strides = array<i32>} : memref<10000xf32, #tpu.memory_space<vmem>>, vector<16xf32>,
      %parallel_loop3A_100 = arith.index_cast %parallel_loop3A_81 : i32 to index
      %parallel_loop3A_101 = tpu.vector_load %arg6[%parallel_loop3A_100] {strides = array<i32>} : memref<10000xf32, #tpu.memory_space<vmem>>, vector<16xf32>,
      tpu.vector_store %arg6[%parallel_loop3A_100], %parallel_loop3A_92 {strides = array<i32>} : memref<10000xf32, #tpu.memory_space<vmem>>, vector<16xf32>,
      %parallel_loop3A_102 = arith.index_cast %parallel_loop3A_81 : i32 to index
      %parallel_loop3A_103 = tpu.vector_load %arg7[%parallel_loop3A_102] {strides = array<i32>} : memref<10000xf32, #tpu.memory_space<vmem>>, vector<16xf32>,
      tpu.vector_store %arg7[%parallel_loop3A_102], %parallel_loop3A_95 {strides = array<i32>} : memref<10000xf32, #tpu.memory_space<vmem>>, vector<16xf32>,
      %parallel_loop3A_104 = arith.index_cast %parallel_loop3A_81 : i32 to index
      %parallel_loop3A_105 = tpu.vector_load %arg8[%parallel_loop3A_104] {strides = array<i32>} : memref<10000xf32, #tpu.memory_space<vmem>>, vector<16xf32>,
      %parallel_loop3A_106 = arith.index_cast %parallel_loop3A_81 : i32 to index
      %parallel_loop3A_107 = tpu.vector_load %arg9[%parallel_loop3A_106] {strides = array<i32>} : memref<10000xf32, #tpu.memory_space<vmem>>, vector<16xf32>,
      %parallel_loop3A_108 = tpu.pack_subelements %parallel_loop3A_105, %parallel_loop3A_107 {pack_format = #tpu.pack_format<interleaved>, positions = array<i32: 0, 1>} : vector<16xf32>, vector<16xf32> -> vector<32xbf16>
      %parallel_loop3A_109 = vector.bitcast %parallel_loop3A_108 : vector<32xbf16> to vector<16xf32>
      %parallel_loop3A_110 = arith.index_cast %parallel_loop3A_81 : i32 to index
      %parallel_loop3A_111 = tpu.vector_load %arg13[%parallel_loop3A_110] {strides = array<i32>} : memref<10000xf32, #tpu.memory_space<vmem>>, vector<16xf32>,
      tpu.vector_store %arg13[%parallel_loop3A_110], %parallel_loop3A_109 {strides = array<i32>} : memref<10000xf32, #tpu.memory_space<vmem>>, vector<16xf32>,
      %parallel_loop3A_112 = arith.constant 5.000000e-01 : f32
      %parallel_loop3A_113 = vector.broadcast %parallel_loop3A_112 : f32 to vector<16xf32>
      %parallel_loop3A_114 = arith.mulf %parallel_loop3A_105, %parallel_loop3A_113 : vector<16xf32>
      %parallel_loop3A_115 = arith.constant 5.000000e-01 : f32
      %parallel_loop3A_116 = vector.broadcast %parallel_loop3A_115 : f32 to vector<16xf32>
      %parallel_loop3A_117 = arith.mulf %parallel_loop3A_107, %parallel_loop3A_116 : vector<16xf32>
      %parallel_loop3A_118 = tpu.pack_subelements %parallel_loop3A_114, %parallel_loop3A_117 {pack_format = #tpu.pack_format<interleaved>, positions = array<i32: 0, 1>} : vector<16xf32>, vector<16xf32> -> vector<32xbf16>
      %parallel_loop3A_119 = vector.bitcast %parallel_loop3A_118 : vector<32xbf16> to vector<16xf32>
      %parallel_loop3A_120 = arith.index_cast %parallel_loop3A_81 : i32 to index
      %parallel_loop3A_121 = tpu.vector_load %arg11[%parallel_loop3A_120] {strides = array<i32>} : memref<10000xf32, #tpu.memory_space<vmem>>, vector<16xf32>,
      tpu.vector_store %arg11[%parallel_loop3A_120], %parallel_loop3A_119 {strides = array<i32>} : memref<10000xf32, #tpu.memory_space<vmem>>, vector<16xf32>,
      %parallel_loop3A_122 = arith.index_cast %parallel_loop3A_81 : i32 to index
      %parallel_loop3A_123 = tpu.vector_load %arg8[%parallel_loop3A_122] {strides = array<i32>} : memref<10000xf32, #tpu.memory_space<vmem>>, vector<16xf32>,
      tpu.vector_store %arg8[%parallel_loop3A_122], %parallel_loop3A_114 {strides = array<i32>} : memref<10000xf32, #tpu.memory_space<vmem>>, vector<16xf32>,
      %parallel_loop3A_124 = arith.index_cast %parallel_loop3A_81 : i32 to index
      %parallel_loop3A_125 = tpu.vector_load %arg9[%parallel_loop3A_124] {strides = array<i32>} : memref<10000xf32, #tpu.memory_space<vmem>>, vector<16xf32>,
      tpu.vector_store %arg9[%parallel_loop3A_124], %parallel_loop3A_117 {strides = array<i32>} : memref<10000xf32, #tpu.memory_space<vmem>>, vector<16xf32>,
    } {sc.loop_unroll_factor = 2 : i64, sc.parallel_access}
    %multiple_of3A = arith.constant 0 : i32
    %multiple_of3A_21 = tpu.assume_multiple %multiple_of3A, 8 : i32
    %dma_start3A = arith.constant 0 : i32
    %dma_start3A_22 = tpu.memref_slice %arg14[%dma_start3A] : memref<16000xi32, #tpu.memory_space<vmem>> -> memref<8000xi32, #tpu.memory_space<vmem>>
    %dma_start3A_23 = tpu.memref_slice %arg3[%multiple_of3A_21] : memref<320000xi32, #tpu.memory_space<hbm>> -> memref<8000xi32, #tpu.memory_space<hbm>>
    %dma_start3A_24 = arith.constant 0 : i32
    %dma_start3A_25 = tpu.memref_slice %arg14[%dma_start3A_24] : memref<16000xi32, #tpu.memory_space<vmem>> -> memref<8000xi32, #tpu.memory_space<vmem>>
    %dma_start3A_26 = tpu.memref_slice %arg3[%multiple_of3A_21] : memref<320000xi32, #tpu.memory_space<hbm>> -> memref<8000xi32, #tpu.memory_space<hbm>>
    tpu.enqueue_dma source(%dma_start3A_26 : memref<8000xi32, #tpu.memory_space<hbm>>) target(%dma_start3A_25 : memref<8000xi32, #tpu.memory_space<vmem>>) target_semaphore(%arg18 : memref<!tpu.dma_semaphore, #tpu.memory_space<semaphore_mem>>)
    %add3A_27 = arith.constant 160000 : i32
    %add3A_28 = arith.addi %add3A_27, %multiple_of3A_21 : i32
    %dma_start3A_29 = arith.constant 8000 : i32
    %dma_start3A_30 = tpu.memref_slice %arg14[%dma_start3A_29] : memref<16000xi32, #tpu.memory_space<vmem>> -> memref<8000xi32, #tpu.memory_space<vmem>>
    %dma_start3A_31 = tpu.memref_slice %arg3[%add3A_28] : memref<320000xi32, #tpu.memory_space<hbm>> -> memref<8000xi32, #tpu.memory_space<hbm>>
    %dma_start3A_32 = arith.constant 8000 : i32
    %dma_start3A_33 = tpu.memref_slice %arg14[%dma_start3A_32] : memref<16000xi32, #tpu.memory_space<vmem>> -> memref<8000xi32, #tpu.memory_space<vmem>>
    %dma_start3A_34 = tpu.memref_slice %arg3[%add3A_28] : memref<320000xi32, #tpu.memory_space<hbm>> -> memref<8000xi32, #tpu.memory_space<hbm>>
    tpu.enqueue_dma source(%dma_start3A_34 : memref<8000xi32, #tpu.memory_space<hbm>>) target(%dma_start3A_33 : memref<8000xi32, #tpu.memory_space<vmem>>) target_semaphore(%arg18 : memref<!tpu.dma_semaphore, #tpu.memory_space<semaphore_mem>>)
    %dma_start3A_35 = tpu.memref_slice %arg4[%multiple_of3A_21] : memref<160000xf32, #tpu.memory_space<hbm>> -> memref<8000xf32, #tpu.memory_space<hbm>>
    %dma_start3A_36 = tpu.memref_slice %arg4[%multiple_of3A_21] : memref<160000xf32, #tpu.memory_space<hbm>> -> memref<8000xf32, #tpu.memory_space<hbm>>
    tpu.enqueue_dma source(%dma_start3A_36 : memref<8000xf32, #tpu.memory_space<hbm>>) target(%arg15 : memref<8000xf32, #tpu.memory_space<vmem>>) target_semaphore(%arg18 : memref<!tpu.dma_semaphore, #tpu.memory_space<semaphore_mem>>)
    %scan3A = arith.constant 0 : i32
    %scan3A_37 = arith.constant 9 : i32
    %scan3A_38 = arith.addi %scan3A, %scan3A_37 : i32
    %scan3A_39 = arith.constant 1 : i32
    scf.for %scan3A_81 = %scan3A to %scan3A_38 step %scan3A_39  : i32 {
      %mul3A_82 = arith.constant 1 : i32
      %mul3A_83 = arith.muli %scan3A_81, %mul3A_82 : i32
      %add3A_84 = arith.constant 0 : i32
      %add3A_85 = arith.addi %add3A_84, %mul3A_83 : i32
      %scan3A_86 = arith.constant 0 : i32
      %scan3A_87 = arith.constant 10 : i32
      %scan3A_88 = arith.addi %scan3A_86, %scan3A_87 : i32
      %scan3A_89 = arith.constant 1 : i32
      scf.for %scan3A_94 = %scan3A_86 to %scan3A_88 step %scan3A_89  : i32 {
        %mul3A_95 = arith.constant 2 : i32
        %mul3A_96 = arith.muli %scan3A_94, %mul3A_95 : i32
        %add3A_97 = arith.constant 0 : i32
        %add3A_98 = arith.addi %add3A_97, %mul3A_96 : i32
        %dma_wait3A_99 = arith.constant 0 : i32
        %dma_wait3A_100 = tpu.memref_slice %arg14[%dma_wait3A_99] : memref<16000xi32, #tpu.memory_space<vmem>> -> memref<8000xi32, #tpu.memory_space<vmem>>
        %dma_wait3A_101 = arith.constant 0 : i32
        %dma_wait3A_102 = tpu.memref_slice %arg3[%dma_wait3A_101] : memref<320000xi32, #tpu.memory_space<hbm>> -> memref<8000xi32, #tpu.memory_space<hbm>>
        %dma_wait3A_103 = arith.constant 0 : i32
        %dma_wait3A_104 = tpu.memref_slice %arg14[%dma_wait3A_103] : memref<16000xi32, #tpu.memory_space<vmem>> -> memref<8000xi32, #tpu.memory_space<vmem>>
        %dma_wait3A_105 = arith.constant 0 : i32
        %dma_wait3A_106 = tpu.memref_slice %arg3[%dma_wait3A_105] : memref<320000xi32, #tpu.memory_space<hbm>> -> memref<8000xi32, #tpu.memory_space<hbm>>
        tpu.wait_dma2 semaphore(%arg18 : memref<!tpu.dma_semaphore, #tpu.memory_space<semaphore_mem>>) src(%dma_wait3A_106 : memref<8000xi32, #tpu.memory_space<hbm>>) dst(%dma_wait3A_104 : memref<8000xi32, #tpu.memory_space<vmem>>)
        %dma_wait3A_107 = arith.constant 8000 : i32
        %dma_wait3A_108 = tpu.memref_slice %arg14[%dma_wait3A_107] : memref<16000xi32, #tpu.memory_space<vmem>> -> memref<8000xi32, #tpu.memory_space<vmem>>
        %dma_wait3A_109 = arith.constant 0 : i32
        %dma_wait3A_110 = tpu.memref_slice %arg3[%dma_wait3A_109] : memref<320000xi32, #tpu.memory_space<hbm>> -> memref<8000xi32, #tpu.memory_space<hbm>>
        %dma_wait3A_111 = arith.constant 8000 : i32
        %dma_wait3A_112 = tpu.memref_slice %arg14[%dma_wait3A_111] : memref<16000xi32, #tpu.memory_space<vmem>> -> memref<8000xi32, #tpu.memory_space<vmem>>
        %dma_wait3A_113 = arith.constant 0 : i32
        %dma_wait3A_114 = tpu.memref_slice %arg3[%dma_wait3A_113] : memref<320000xi32, #tpu.memory_space<hbm>> -> memref<8000xi32, #tpu.memory_space<hbm>>
        tpu.wait_dma2 semaphore(%arg18 : memref<!tpu.dma_semaphore, #tpu.memory_space<semaphore_mem>>) src(%dma_wait3A_114 : memref<8000xi32, #tpu.memory_space<hbm>>) dst(%dma_wait3A_112 : memref<8000xi32, #tpu.memory_space<vmem>>)
        %dma_wait3A_115 = arith.constant 0 : i32
        %dma_wait3A_116 = tpu.memref_slice %arg4[%dma_wait3A_115] : memref<160000xf32, #tpu.memory_space<hbm>> -> memref<8000xf32, #tpu.memory_space<hbm>>
        %dma_wait3A_117 = arith.constant 0 : i32
        %dma_wait3A_118 = tpu.memref_slice %arg4[%dma_wait3A_117] : memref<160000xf32, #tpu.memory_space<hbm>> -> memref<8000xf32, #tpu.memory_space<hbm>>
        tpu.wait_dma2 semaphore(%arg18 : memref<!tpu.dma_semaphore, #tpu.memory_space<semaphore_mem>>) src(%dma_wait3A_118 : memref<8000xf32, #tpu.memory_space<hbm>>) dst(%arg15 : memref<8000xf32, #tpu.memory_space<vmem>>)
        %add3A_119 = arith.constant 1 : i32
        %add3A_120 = arith.addi %add3A_98, %add3A_119 : i32
        %eq3A = arith.constant 20 : i32
        %eq3A_121 = arith.cmpi eq, %add3A_120, %eq3A : i32
        %jit3A = arith.constant 0 : i32
        %select_n3A = arith.select %eq3A_121, %jit3A, %add3A_120 : i32
        %mul3A_122 = arith.constant 8000 : i32
        %mul3A_123 = arith.muli %select_n3A, %mul3A_122 : i32
        %multiple_of3A_124 = tpu.assume_multiple %mul3A_123, 8 : i32
        %dma_start3A_125 = arith.constant 0 : i32
        %dma_start3A_126 = tpu.memref_slice %arg16[%dma_start3A_125] : memref<16000xi32, #tpu.memory_space<vmem>> -> memref<8000xi32, #tpu.memory_space<vmem>>
        %dma_start3A_127 = tpu.memref_slice %arg3[%multiple_of3A_124] : memref<320000xi32, #tpu.memory_space<hbm>> -> memref<8000xi32, #tpu.memory_space<hbm>>
        %dma_start3A_128 = arith.constant 0 : i32
        %dma_start3A_129 = tpu.memref_slice %arg16[%dma_start3A_128] : memref<16000xi32, #tpu.memory_space<vmem>> -> memref<8000xi32, #tpu.memory_space<vmem>>
        %dma_start3A_130 = tpu.memref_slice %arg3[%multiple_of3A_124] : memref<320000xi32, #tpu.memory_space<hbm>> -> memref<8000xi32, #tpu.memory_space<hbm>>
        tpu.enqueue_dma source(%dma_start3A_130 : memref<8000xi32, #tpu.memory_space<hbm>>) target(%dma_start3A_129 : memref<8000xi32, #tpu.memory_space<vmem>>) target_semaphore(%arg19 : memref<!tpu.dma_semaphore, #tpu.memory_space<semaphore_mem>>)
        %add3A_131 = arith.constant 160000 : i32
        %add3A_132 = arith.addi %add3A_131, %multiple_of3A_124 : i32
        %dma_start3A_133 = arith.constant 8000 : i32
        %dma_start3A_134 = tpu.memref_slice %arg16[%dma_start3A_133] : memref<16000xi32, #tpu.memory_space<vmem>> -> memref<8000xi32, #tpu.memory_space<vmem>>
        %dma_start3A_135 = tpu.memref_slice %arg3[%add3A_132] : memref<320000xi32, #tpu.memory_space<hbm>> -> memref<8000xi32, #tpu.memory_space<hbm>>
        %dma_start3A_136 = arith.constant 8000 : i32
        %dma_start3A_137 = tpu.memref_slice %arg16[%dma_start3A_136] : memref<16000xi32, #tpu.memory_space<vmem>> -> memref<8000xi32, #tpu.memory_space<vmem>>
        %dma_start3A_138 = tpu.memref_slice %arg3[%add3A_132] : memref<320000xi32, #tpu.memory_space<hbm>> -> memref<8000xi32, #tpu.memory_space<hbm>>
        tpu.enqueue_dma source(%dma_start3A_138 : memref<8000xi32, #tpu.memory_space<hbm>>) target(%dma_start3A_137 : memref<8000xi32, #tpu.memory_space<vmem>>) target_semaphore(%arg19 : memref<!tpu.dma_semaphore, #tpu.memory_space<semaphore_mem>>)
        %dma_start3A_139 = tpu.memref_slice %arg4[%multiple_of3A_124] : memref<160000xf32, #tpu.memory_space<hbm>> -> memref<8000xf32, #tpu.memory_space<hbm>>
        %dma_start3A_140 = tpu.memref_slice %arg4[%multiple_of3A_124] : memref<160000xf32, #tpu.memory_space<hbm>> -> memref<8000xf32, #tpu.memory_space<hbm>>
        tpu.enqueue_dma source(%dma_start3A_140 : memref<8000xf32, #tpu.memory_space<hbm>>) target(%arg17 : memref<8000xf32, #tpu.memory_space<vmem>>) target_semaphore(%arg19 : memref<!tpu.dma_semaphore, #tpu.memory_space<semaphore_mem>>)
        %parallel_loop3A_141 = arith.constant 0 : i32
        %parallel_loop3A_142 = arith.constant 8000 : i32
        %parallel_loop3A_143 = arith.constant 16 : i32
        scf.for %parallel_loop3A_194 = %parallel_loop3A_141 to %parallel_loop3A_142 step %parallel_loop3A_143  : i32 {
          %parallel_loop3A_195 = arith.index_cast %parallel_loop3A_194 : i32 to index
          %parallel_loop3A_196 = tpu.vector_load %arg15[%parallel_loop3A_195] {strides = array<i32>} : memref<8000xf32, #tpu.memory_space<vmem>>, vector<16xf32>,
          %parallel_loop3A_197 = vector.bitcast %parallel_loop3A_196 : vector<16xf32> to vector<32xbf16>
          %parallel_loop3A_198 = tpu.unpack_subelements %parallel_loop3A_197, 0 {pack_format = #tpu.pack_format<interleaved>} : vector<32xbf16> -> vector<16xf32>
          %parallel_loop3A_199 = tpu.unpack_subelements %parallel_loop3A_197, 1 {pack_format = #tpu.pack_format<interleaved>} : vector<32xbf16> -> vector<16xf32>
          %parallel_loop3A_200 = arith.index_cast %parallel_loop3A_194 : i32 to index
          %parallel_loop3A_201 = tpu.vector_load %arg14[%parallel_loop3A_200] {strides = array<i32>} : memref<16000xi32, #tpu.memory_space<vmem>>, vector<16xi32>,
          %parallel_loop3A_202 = arith.constant 8000 : i32
          %parallel_loop3A_203 = arith.addi %parallel_loop3A_202, %parallel_loop3A_194 : i32
          %parallel_loop3A_204 = arith.index_cast %parallel_loop3A_203 : i32 to index
          %parallel_loop3A_205 = tpu.vector_load %arg14[%parallel_loop3A_204] {strides = array<i32>} : memref<16000xi32, #tpu.memory_space<vmem>>, vector<16xi32>,
          %parallel_loop3A_206 = arith.constant 65535 : i32
          %parallel_loop3A_207 = vector.broadcast %parallel_loop3A_206 : i32 to vector<16xi32>
          %parallel_loop3A_208 = arith.andi %parallel_loop3A_201, %parallel_loop3A_207 : vector<16xi32>
          %parallel_loop3A_209 = arith.constant 16 : i32
          %parallel_loop3A_210 = vector.broadcast %parallel_loop3A_209 : i32 to vector<16xi32>
          %parallel_loop3A_211 = arith.shrsi %parallel_loop3A_201, %parallel_loop3A_210 : vector<16xi32>
          %parallel_loop3A_212 = tpu.vector_load_idx %arg12[%parallel_loop3A_208] : memref<10000xf32, #tpu.memory_space<vmem>>[vector<16xi32>], vector<16xf32>,
          %parallel_loop3A_213 = vector.bitcast %parallel_loop3A_212 : vector<16xf32> to vector<32xbf16>
          %parallel_loop3A_214 = tpu.unpack_subelements %parallel_loop3A_213, 0 {pack_format = #tpu.pack_format<interleaved>} : vector<32xbf16> -> vector<16xf32>
          %parallel_loop3A_215 = tpu.unpack_subelements %parallel_loop3A_213, 1 {pack_format = #tpu.pack_format<interleaved>} : vector<32xbf16> -> vector<16xf32>
          %parallel_loop3A_216 = arith.mulf %parallel_loop3A_214, %parallel_loop3A_198 : vector<16xf32>
          tpu.vector_store_idx %arg6[%parallel_loop3A_211], %parallel_loop3A_216 {add = true} : memref<10000xf32, #tpu.memory_space<vmem>>[vector<16xi32>], vector<16xf32>,
          %parallel_loop3A_217 = arith.mulf %parallel_loop3A_215, %parallel_loop3A_198 : vector<16xf32>
          tpu.vector_store_idx %arg7[%parallel_loop3A_211], %parallel_loop3A_217 {add = true} : memref<10000xf32, #tpu.memory_space<vmem>>[vector<16xi32>], vector<16xf32>,
          %parallel_loop3A_218 = tpu.vector_load_idx %arg13[%parallel_loop3A_208] : memref<10000xf32, #tpu.memory_space<vmem>>[vector<16xi32>], vector<16xf32>,
          %parallel_loop3A_219 = vector.bitcast %parallel_loop3A_218 : vector<16xf32> to vector<32xbf16>
          %parallel_loop3A_220 = tpu.unpack_subelements %parallel_loop3A_219, 0 {pack_format = #tpu.pack_format<interleaved>} : vector<32xbf16> -> vector<16xf32>
          %parallel_loop3A_221 = tpu.unpack_subelements %parallel_loop3A_219, 1 {pack_format = #tpu.pack_format<interleaved>} : vector<32xbf16> -> vector<16xf32>
          %parallel_loop3A_222 = arith.mulf %parallel_loop3A_220, %parallel_loop3A_198 : vector<16xf32>
          tpu.vector_store_idx %arg8[%parallel_loop3A_211], %parallel_loop3A_222 {add = true} : memref<10000xf32, #tpu.memory_space<vmem>>[vector<16xi32>], vector<16xf32>,
          %parallel_loop3A_223 = arith.mulf %parallel_loop3A_221, %parallel_loop3A_198 : vector<16xf32>
          tpu.vector_store_idx %arg9[%parallel_loop3A_211], %parallel_loop3A_223 {add = true} : memref<10000xf32, #tpu.memory_space<vmem>>[vector<16xi32>], vector<16xf32>,
          %parallel_loop3A_224 = arith.constant 65535 : i32
          %parallel_loop3A_225 = vector.broadcast %parallel_loop3A_224 : i32 to vector<16xi32>
          %parallel_loop3A_226 = arith.andi %parallel_loop3A_205, %parallel_loop3A_225 : vector<16xi32>
          %parallel_loop3A_227 = arith.constant 16 : i32
          %parallel_loop3A_228 = vector.broadcast %parallel_loop3A_227 : i32 to vector<16xi32>
          %parallel_loop3A_229 = arith.shrsi %parallel_loop3A_205, %parallel_loop3A_228 : vector<16xi32>
          %parallel_loop3A_230 = tpu.vector_load_idx %arg12[%parallel_loop3A_226] : memref<10000xf32, #tpu.memory_space<vmem>>[vector<16xi32>], vector<16xf32>,
          %parallel_loop3A_231 = vector.bitcast %parallel_loop3A_230 : vector<16xf32> to vector<32xbf16>
          %parallel_loop3A_232 = tpu.unpack_subelements %parallel_loop3A_231, 0 {pack_format = #tpu.pack_format<interleaved>} : vector<32xbf16> -> vector<16xf32>
          %parallel_loop3A_233 = tpu.unpack_subelements %parallel_loop3A_231, 1 {pack_format = #tpu.pack_format<interleaved>} : vector<32xbf16> -> vector<16xf32>
          %parallel_loop3A_234 = arith.mulf %parallel_loop3A_232, %parallel_loop3A_199 : vector<16xf32>
          tpu.vector_store_idx %arg6[%parallel_loop3A_229], %parallel_loop3A_234 {add = true} : memref<10000xf32, #tpu.memory_space<vmem>>[vector<16xi32>], vector<16xf32>,
          %parallel_loop3A_235 = arith.mulf %parallel_loop3A_233, %parallel_loop3A_199 : vector<16xf32>
          tpu.vector_store_idx %arg7[%parallel_loop3A_229], %parallel_loop3A_235 {add = true} : memref<10000xf32, #tpu.memory_space<vmem>>[vector<16xi32>], vector<16xf32>,
          %parallel_loop3A_236 = tpu.vector_load_idx %arg13[%parallel_loop3A_226] : memref<10000xf32, #tpu.memory_space<vmem>>[vector<16xi32>], vector<16xf32>,
          %parallel_loop3A_237 = vector.bitcast %parallel_loop3A_236 : vector<16xf32> to vector<32xbf16>
          %parallel_loop3A_238 = tpu.unpack_subelements %parallel_loop3A_237, 0 {pack_format = #tpu.pack_format<interleaved>} : vector<32xbf16> -> vector<16xf32>
          %parallel_loop3A_239 = tpu.unpack_subelements %parallel_loop3A_237, 1 {pack_format = #tpu.pack_format<interleaved>} : vector<32xbf16> -> vector<16xf32>
          %parallel_loop3A_240 = arith.mulf %parallel_loop3A_238, %parallel_loop3A_199 : vector<16xf32>
          tpu.vector_store_idx %arg8[%parallel_loop3A_229], %parallel_loop3A_240 {add = true} : memref<10000xf32, #tpu.memory_space<vmem>>[vector<16xi32>], vector<16xf32>,
          %parallel_loop3A_241 = arith.mulf %parallel_loop3A_239, %parallel_loop3A_199 : vector<16xf32>
          tpu.vector_store_idx %arg9[%parallel_loop3A_229], %parallel_loop3A_241 {add = true} : memref<10000xf32, #tpu.memory_space<vmem>>[vector<16xi32>], vector<16xf32>,
        } {sc.loop_unroll_factor = 2 : i64, sc.parallel_access}
        %add3A_144 = arith.constant 1 : i32
        %add3A_145 = arith.addi %add3A_98, %add3A_144 : i32
        %dma_wait3A_146 = arith.constant 0 : i32
        %dma_wait3A_147 = tpu.memref_slice %arg16[%dma_wait3A_146] : memref<16000xi32, #tpu.memory_space<vmem>> -> memref<8000xi32, #tpu.memory_space<vmem>>
        %dma_wait3A_148 = arith.constant 0 : i32
        %dma_wait3A_149 = tpu.memref_slice %arg3[%dma_wait3A_148] : memref<320000xi32, #tpu.memory_space<hbm>> -> memref<8000xi32, #tpu.memory_space<hbm>>
        %dma_wait3A_150 = arith.constant 0 : i32
        %dma_wait3A_151 = tpu.memref_slice %arg16[%dma_wait3A_150] : memref<16000xi32, #tpu.memory_space<vmem>> -> memref<8000xi32, #tpu.memory_space<vmem>>
        %dma_wait3A_152 = arith.constant 0 : i32
        %dma_wait3A_153 = tpu.memref_slice %arg3[%dma_wait3A_152] : memref<320000xi32, #tpu.memory_space<hbm>> -> memref<8000xi32, #tpu.memory_space<hbm>>
        tpu.wait_dma2 semaphore(%arg19 : memref<!tpu.dma_semaphore, #tpu.memory_space<semaphore_mem>>) src(%dma_wait3A_153 : memref<8000xi32, #tpu.memory_space<hbm>>) dst(%dma_wait3A_151 : memref<8000xi32, #tpu.memory_space<vmem>>)
        %dma_wait3A_154 = arith.constant 8000 : i32
        %dma_wait3A_155 = tpu.memref_slice %arg16[%dma_wait3A_154] : memref<16000xi32, #tpu.memory_space<vmem>> -> memref<8000xi32, #tpu.memory_space<vmem>>
        %dma_wait3A_156 = arith.constant 0 : i32
        %dma_wait3A_157 = tpu.memref_slice %arg3[%dma_wait3A_156] : memref<320000xi32, #tpu.memory_space<hbm>> -> memref<8000xi32, #tpu.memory_space<hbm>>
        %dma_wait3A_158 = arith.constant 8000 : i32
        %dma_wait3A_159 = tpu.memref_slice %arg16[%dma_wait3A_158] : memref<16000xi32, #tpu.memory_space<vmem>> -> memref<8000xi32, #tpu.memory_space<vmem>>
        %dma_wait3A_160 = arith.constant 0 : i32
        %dma_wait3A_161 = tpu.memref_slice %arg3[%dma_wait3A_160] : memref<320000xi32, #tpu.memory_space<hbm>> -> memref<8000xi32, #tpu.memory_space<hbm>>
        tpu.wait_dma2 semaphore(%arg19 : memref<!tpu.dma_semaphore, #tpu.memory_space<semaphore_mem>>) src(%dma_wait3A_161 : memref<8000xi32, #tpu.memory_space<hbm>>) dst(%dma_wait3A_159 : memref<8000xi32, #tpu.memory_space<vmem>>)
        %dma_wait3A_162 = arith.constant 0 : i32
        %dma_wait3A_163 = tpu.memref_slice %arg4[%dma_wait3A_162] : memref<160000xf32, #tpu.memory_space<hbm>> -> memref<8000xf32, #tpu.memory_space<hbm>>
        %dma_wait3A_164 = arith.constant 0 : i32
        %dma_wait3A_165 = tpu.memref_slice %arg4[%dma_wait3A_164] : memref<160000xf32, #tpu.memory_space<hbm>> -> memref<8000xf32, #tpu.memory_space<hbm>>
        tpu.wait_dma2 semaphore(%arg19 : memref<!tpu.dma_semaphore, #tpu.memory_space<semaphore_mem>>) src(%dma_wait3A_165 : memref<8000xf32, #tpu.memory_space<hbm>>) dst(%arg17 : memref<8000xf32, #tpu.memory_space<vmem>>)
        %add3A_166 = arith.constant 1 : i32
        %add3A_167 = arith.addi %add3A_145, %add3A_166 : i32
        %eq3A_168 = arith.constant 20 : i32
        %eq3A_169 = arith.cmpi eq, %add3A_167, %eq3A_168 : i32
        %jit3A_170 = arith.constant 0 : i32
        %select_n3A_171 = arith.select %eq3A_169, %jit3A_170, %add3A_167 : i32
        %mul3A_172 = arith.constant 8000 : i32
        %mul3A_173 = arith.muli %select_n3A_171, %mul3A_172 : i32
        %multiple_of3A_174 = tpu.assume_multiple %mul3A_173, 8 : i32
        %dma_start3A_175 = arith.constant 0 : i32
        %dma_start3A_176 = tpu.memref_slice %arg14[%dma_start3A_175] : memref<16000xi32, #tpu.memory_space<vmem>> -> memref<8000xi32, #tpu.memory_space<vmem>>
        %dma_start3A_177 = tpu.memref_slice %arg3[%multiple_of3A_174] : memref<320000xi32, #tpu.memory_space<hbm>> -> memref<8000xi32, #tpu.memory_space<hbm>>
        %dma_start3A_178 = arith.constant 0 : i32
        %dma_start3A_179 = tpu.memref_slice %arg14[%dma_start3A_178] : memref<16000xi32, #tpu.memory_space<vmem>> -> memref<8000xi32, #tpu.memory_space<vmem>>
        %dma_start3A_180 = tpu.memref_slice %arg3[%multiple_of3A_174] : memref<320000xi32, #tpu.memory_space<hbm>> -> memref<8000xi32, #tpu.memory_space<hbm>>
        tpu.enqueue_dma source(%dma_start3A_180 : memref<8000xi32, #tpu.memory_space<hbm>>) target(%dma_start3A_179 : memref<8000xi32, #tpu.memory_space<vmem>>) target_semaphore(%arg18 : memref<!tpu.dma_semaphore, #tpu.memory_space<semaphore_mem>>)
        %add3A_181 = arith.constant 160000 : i32
        %add3A_182 = arith.addi %add3A_181, %multiple_of3A_174 : i32
        %dma_start3A_183 = arith.constant 8000 : i32
        %dma_start3A_184 = tpu.memref_slice %arg14[%dma_start3A_183] : memref<16000xi32, #tpu.memory_space<vmem>> -> memref<8000xi32, #tpu.memory_space<vmem>>
        %dma_start3A_185 = tpu.memref_slice %arg3[%add3A_182] : memref<320000xi32, #tpu.memory_space<hbm>> -> memref<8000xi32, #tpu.memory_space<hbm>>
        %dma_start3A_186 = arith.constant 8000 : i32
        %dma_start3A_187 = tpu.memref_slice %arg14[%dma_start3A_186] : memref<16000xi32, #tpu.memory_space<vmem>> -> memref<8000xi32, #tpu.memory_space<vmem>>
        %dma_start3A_188 = tpu.memref_slice %arg3[%add3A_182] : memref<320000xi32, #tpu.memory_space<hbm>> -> memref<8000xi32, #tpu.memory_space<hbm>>
        tpu.enqueue_dma source(%dma_start3A_188 : memref<8000xi32, #tpu.memory_space<hbm>>) target(%dma_start3A_187 : memref<8000xi32, #tpu.memory_space<vmem>>) target_semaphore(%arg18 : memref<!tpu.dma_semaphore, #tpu.memory_space<semaphore_mem>>)
        %dma_start3A_189 = tpu.memref_slice %arg4[%multiple_of3A_174] : memref<160000xf32, #tpu.memory_space<hbm>> -> memref<8000xf32, #tpu.memory_space<hbm>>
        %dma_start3A_190 = tpu.memref_slice %arg4[%multiple_of3A_174] : memref<160000xf32, #tpu.memory_space<hbm>> -> memref<8000xf32, #tpu.memory_space<hbm>>
        tpu.enqueue_dma source(%dma_start3A_190 : memref<8000xf32, #tpu.memory_space<hbm>>) target(%arg15 : memref<8000xf32, #tpu.memory_space<vmem>>) target_semaphore(%arg18 : memref<!tpu.dma_semaphore, #tpu.memory_space<semaphore_mem>>)
        %parallel_loop3A_191 = arith.constant 0 : i32
        %parallel_loop3A_192 = arith.constant 8000 : i32
        %parallel_loop3A_193 = arith.constant 16 : i32
        scf.for %parallel_loop3A_194 = %parallel_loop3A_191 to %parallel_loop3A_192 step %parallel_loop3A_193  : i32 {
          %parallel_loop3A_195 = arith.index_cast %parallel_loop3A_194 : i32 to index
          %parallel_loop3A_196 = tpu.vector_load %arg17[%parallel_loop3A_195] {strides = array<i32>} : memref<8000xf32, #tpu.memory_space<vmem>>, vector<16xf32>,
          %parallel_loop3A_197 = vector.bitcast %parallel_loop3A_196 : vector<16xf32> to vector<32xbf16>
          %parallel_loop3A_198 = tpu.unpack_subelements %parallel_loop3A_197, 0 {pack_format = #tpu.pack_format<interleaved>} : vector<32xbf16> -> vector<16xf32>
          %parallel_loop3A_199 = tpu.unpack_subelements %parallel_loop3A_197, 1 {pack_format = #tpu.pack_format<interleaved>} : vector<32xbf16> -> vector<16xf32>
          %parallel_loop3A_200 = arith.index_cast %parallel_loop3A_194 : i32 to index
          %parallel_loop3A_201 = tpu.vector_load %arg16[%parallel_loop3A_200] {strides = array<i32>} : memref<16000xi32, #tpu.memory_space<vmem>>, vector<16xi32>,
          %parallel_loop3A_202 = arith.constant 8000 : i32
          %parallel_loop3A_203 = arith.addi %parallel_loop3A_202, %parallel_loop3A_194 : i32
          %parallel_loop3A_204 = arith.index_cast %parallel_loop3A_203 : i32 to index
          %parallel_loop3A_205 = tpu.vector_load %arg16[%parallel_loop3A_204] {strides = array<i32>} : memref<16000xi32, #tpu.memory_space<vmem>>, vector<16xi32>,
          %parallel_loop3A_206 = arith.constant 65535 : i32
          %parallel_loop3A_207 = vector.broadcast %parallel_loop3A_206 : i32 to vector<16xi32>
          %parallel_loop3A_208 = arith.andi %parallel_loop3A_201, %parallel_loop3A_207 : vector<16xi32>
          %parallel_loop3A_209 = arith.constant 16 : i32
          %parallel_loop3A_210 = vector.broadcast %parallel_loop3A_209 : i32 to vector<16xi32>
          %parallel_loop3A_211 = arith.shrsi %parallel_loop3A_201, %parallel_loop3A_210 : vector<16xi32>
          %parallel_loop3A_212 = tpu.vector_load_idx %arg12[%parallel_loop3A_208] : memref<10000xf32, #tpu.memory_space<vmem>>[vector<16xi32>], vector<16xf32>,
          %parallel_loop3A_213 = vector.bitcast %parallel_loop3A_212 : vector<16xf32> to vector<32xbf16>
          %parallel_loop3A_214 = tpu.unpack_subelements %parallel_loop3A_213, 0 {pack_format = #tpu.pack_format<interleaved>} : vector<32xbf16> -> vector<16xf32>
          %parallel_loop3A_215 = tpu.unpack_subelements %parallel_loop3A_213, 1 {pack_format = #tpu.pack_format<interleaved>} : vector<32xbf16> -> vector<16xf32>
          %parallel_loop3A_216 = arith.mulf %parallel_loop3A_214, %parallel_loop3A_198 : vector<16xf32>
          tpu.vector_store_idx %arg6[%parallel_loop3A_211], %parallel_loop3A_216 {add = true} : memref<10000xf32, #tpu.memory_space<vmem>>[vector<16xi32>], vector<16xf32>,
          %parallel_loop3A_217 = arith.mulf %parallel_loop3A_215, %parallel_loop3A_198 : vector<16xf32>
          tpu.vector_store_idx %arg7[%parallel_loop3A_211], %parallel_loop3A_217 {add = true} : memref<10000xf32, #tpu.memory_space<vmem>>[vector<16xi32>], vector<16xf32>,
          %parallel_loop3A_218 = tpu.vector_load_idx %arg13[%parallel_loop3A_208] : memref<10000xf32, #tpu.memory_space<vmem>>[vector<16xi32>], vector<16xf32>,
          %parallel_loop3A_219 = vector.bitcast %parallel_loop3A_218 : vector<16xf32> to vector<32xbf16>
          %parallel_loop3A_220 = tpu.unpack_subelements %parallel_loop3A_219, 0 {pack_format = #tpu.pack_format<interleaved>} : vector<32xbf16> -> vector<16xf32>
          %parallel_loop3A_221 = tpu.unpack_subelements %parallel_loop3A_219, 1 {pack_format = #tpu.pack_format<interleaved>} : vector<32xbf16> -> vector<16xf32>
          %parallel_loop3A_222 = arith.mulf %parallel_loop3A_220, %parallel_loop3A_198 : vector<16xf32>
          tpu.vector_store_idx %arg8[%parallel_loop3A_211], %parallel_loop3A_222 {add = true} : memref<10000xf32, #tpu.memory_space<vmem>>[vector<16xi32>], vector<16xf32>,
          %parallel_loop3A_223 = arith.mulf %parallel_loop3A_221, %parallel_loop3A_198 : vector<16xf32>
          tpu.vector_store_idx %arg9[%parallel_loop3A_211], %parallel_loop3A_223 {add = true} : memref<10000xf32, #tpu.memory_space<vmem>>[vector<16xi32>], vector<16xf32>,
          %parallel_loop3A_224 = arith.constant 65535 : i32
          %parallel_loop3A_225 = vector.broadcast %parallel_loop3A_224 : i32 to vector<16xi32>
          %parallel_loop3A_226 = arith.andi %parallel_loop3A_205, %parallel_loop3A_225 : vector<16xi32>
          %parallel_loop3A_227 = arith.constant 16 : i32
          %parallel_loop3A_228 = vector.broadcast %parallel_loop3A_227 : i32 to vector<16xi32>
          %parallel_loop3A_229 = arith.shrsi %parallel_loop3A_205, %parallel_loop3A_228 : vector<16xi32>
          %parallel_loop3A_230 = tpu.vector_load_idx %arg12[%parallel_loop3A_226] : memref<10000xf32, #tpu.memory_space<vmem>>[vector<16xi32>], vector<16xf32>,
          %parallel_loop3A_231 = vector.bitcast %parallel_loop3A_230 : vector<16xf32> to vector<32xbf16>
          %parallel_loop3A_232 = tpu.unpack_subelements %parallel_loop3A_231, 0 {pack_format = #tpu.pack_format<interleaved>} : vector<32xbf16> -> vector<16xf32>
          %parallel_loop3A_233 = tpu.unpack_subelements %parallel_loop3A_231, 1 {pack_format = #tpu.pack_format<interleaved>} : vector<32xbf16> -> vector<16xf32>
          %parallel_loop3A_234 = arith.mulf %parallel_loop3A_232, %parallel_loop3A_199 : vector<16xf32>
          tpu.vector_store_idx %arg6[%parallel_loop3A_229], %parallel_loop3A_234 {add = true} : memref<10000xf32, #tpu.memory_space<vmem>>[vector<16xi32>], vector<16xf32>,
          %parallel_loop3A_235 = arith.mulf %parallel_loop3A_233, %parallel_loop3A_199 : vector<16xf32>
          tpu.vector_store_idx %arg7[%parallel_loop3A_229], %parallel_loop3A_235 {add = true} : memref<10000xf32, #tpu.memory_space<vmem>>[vector<16xi32>], vector<16xf32>,
          %parallel_loop3A_236 = tpu.vector_load_idx %arg13[%parallel_loop3A_226] : memref<10000xf32, #tpu.memory_space<vmem>>[vector<16xi32>], vector<16xf32>,
          %parallel_loop3A_237 = vector.bitcast %parallel_loop3A_236 : vector<16xf32> to vector<32xbf16>
          %parallel_loop3A_238 = tpu.unpack_subelements %parallel_loop3A_237, 0 {pack_format = #tpu.pack_format<interleaved>} : vector<32xbf16> -> vector<16xf32>
          %parallel_loop3A_239 = tpu.unpack_subelements %parallel_loop3A_237, 1 {pack_format = #tpu.pack_format<interleaved>} : vector<32xbf16> -> vector<16xf32>
          %parallel_loop3A_240 = arith.mulf %parallel_loop3A_238, %parallel_loop3A_199 : vector<16xf32>
          tpu.vector_store_idx %arg8[%parallel_loop3A_229], %parallel_loop3A_240 {add = true} : memref<10000xf32, #tpu.memory_space<vmem>>[vector<16xi32>], vector<16xf32>,
          %parallel_loop3A_241 = arith.mulf %parallel_loop3A_239, %parallel_loop3A_199 : vector<16xf32>
          tpu.vector_store_idx %arg9[%parallel_loop3A_229], %parallel_loop3A_241 {add = true} : memref<10000xf32, #tpu.memory_space<vmem>>[vector<16xi32>], vector<16xf32>,
        } {sc.loop_unroll_factor = 2 : i64, sc.parallel_access}
      }
      %scan3A_90 = arith.constant 10 : i32
      %parallel_loop3A_91 = arith.constant 0 : i32
      %parallel_loop3A_92 = arith.constant 10000 : i32
      %parallel_loop3A_93 = arith.constant 16 : i32
      scf.for %parallel_loop3A_94 = %parallel_loop3A_91 to %parallel_loop3A_92 step %parallel_loop3A_93  : i32 {
        %parallel_loop3A_95 = arith.index_cast %parallel_loop3A_94 : i32 to index
        %parallel_loop3A_96 = tpu.vector_load %arg6[%parallel_loop3A_95] {strides = array<i32>} : memref<10000xf32, #tpu.memory_space<vmem>>, vector<16xf32>,
        %parallel_loop3A_97 = arith.index_cast %parallel_loop3A_94 : i32 to index
        %parallel_loop3A_98 = tpu.vector_load %arg7[%parallel_loop3A_97] {strides = array<i32>} : memref<10000xf32, #tpu.memory_space<vmem>>, vector<16xf32>,
        %parallel_loop3A_99 = tpu.pack_subelements %parallel_loop3A_96, %parallel_loop3A_98 {pack_format = #tpu.pack_format<interleaved>, positions = array<i32: 0, 1>} : vector<16xf32>, vector<16xf32> -> vector<32xbf16>
        %parallel_loop3A_100 = vector.bitcast %parallel_loop3A_99 : vector<32xbf16> to vector<16xf32>
        %parallel_loop3A_101 = arith.index_cast %parallel_loop3A_94 : i32 to index
        %parallel_loop3A_102 = tpu.vector_load %arg12[%parallel_loop3A_101] {strides = array<i32>} : memref<10000xf32, #tpu.memory_space<vmem>>, vector<16xf32>,
        tpu.vector_store %arg12[%parallel_loop3A_101], %parallel_loop3A_100 {strides = array<i32>} : memref<10000xf32, #tpu.memory_space<vmem>>, vector<16xf32>,
        %parallel_loop3A_103 = arith.index_cast %parallel_loop3A_94 : i32 to index
        %parallel_loop3A_104 = tpu.vector_load %arg10[%parallel_loop3A_103] {strides = array<i32>} : memref<10000xf32, #tpu.memory_space<vmem>>, vector<16xf32>,
        %parallel_loop3A_105 = vector.bitcast %parallel_loop3A_104 : vector<16xf32> to vector<32xbf16>
        %parallel_loop3A_106 = tpu.unpack_subelements %parallel_loop3A_105, 0 {pack_format = #tpu.pack_format<interleaved>} : vector<32xbf16> -> vector<16xf32>
        %parallel_loop3A_107 = tpu.unpack_subelements %parallel_loop3A_105, 1 {pack_format = #tpu.pack_format<interleaved>} : vector<32xbf16> -> vector<16xf32>
        %parallel_loop3A_108 = arith.index_cast %parallel_loop3A_94 : i32 to index
        %parallel_loop3A_109 = tpu.vector_load %arg6[%parallel_loop3A_108] {strides = array<i32>} : memref<10000xf32, #tpu.memory_space<vmem>>, vector<16xf32>,
        tpu.vector_store %arg6[%parallel_loop3A_108], %parallel_loop3A_106 {strides = array<i32>} : memref<10000xf32, #tpu.memory_space<vmem>>, vector<16xf32>,
        %parallel_loop3A_110 = arith.index_cast %parallel_loop3A_94 : i32 to index
        %parallel_loop3A_111 = tpu.vector_load %arg7[%parallel_loop3A_110] {strides = array<i32>} : memref<10000xf32, #tpu.memory_space<vmem>>, vector<16xf32>,
        tpu.vector_store %arg7[%parallel_loop3A_110], %parallel_loop3A_107 {strides = array<i32>} : memref<10000xf32, #tpu.memory_space<vmem>>, vector<16xf32>,
        %parallel_loop3A_112 = arith.index_cast %parallel_loop3A_94 : i32 to index
        %parallel_loop3A_113 = tpu.vector_load %arg8[%parallel_loop3A_112] {strides = array<i32>} : memref<10000xf32, #tpu.memory_space<vmem>>, vector<16xf32>,
        %parallel_loop3A_114 = arith.index_cast %parallel_loop3A_94 : i32 to index
        %parallel_loop3A_115 = tpu.vector_load %arg9[%parallel_loop3A_114] {strides = array<i32>} : memref<10000xf32, #tpu.memory_space<vmem>>, vector<16xf32>,
        %parallel_loop3A_116 = tpu.pack_subelements %parallel_loop3A_113, %parallel_loop3A_115 {pack_format = #tpu.pack_format<interleaved>, positions = array<i32: 0, 1>} : vector<16xf32>, vector<16xf32> -> vector<32xbf16>
        %parallel_loop3A_117 = vector.bitcast %parallel_loop3A_116 : vector<32xbf16> to vector<16xf32>
        %parallel_loop3A_118 = arith.index_cast %parallel_loop3A_94 : i32 to index
        %parallel_loop3A_119 = tpu.vector_load %arg13[%parallel_loop3A_118] {strides = array<i32>} : memref<10000xf32, #tpu.memory_space<vmem>>, vector<16xf32>,
        tpu.vector_store %arg13[%parallel_loop3A_118], %parallel_loop3A_117 {strides = array<i32>} : memref<10000xf32, #tpu.memory_space<vmem>>, vector<16xf32>,
        %parallel_loop3A_120 = arith.index_cast %parallel_loop3A_94 : i32 to index
        %parallel_loop3A_121 = tpu.vector_load %arg11[%parallel_loop3A_120] {strides = array<i32>} : memref<10000xf32, #tpu.memory_space<vmem>>, vector<16xf32>,
        %parallel_loop3A_122 = vector.bitcast %parallel_loop3A_121 : vector<16xf32> to vector<32xbf16>
        %parallel_loop3A_123 = tpu.unpack_subelements %parallel_loop3A_122, 0 {pack_format = #tpu.pack_format<interleaved>} : vector<32xbf16> -> vector<16xf32>
        %parallel_loop3A_124 = tpu.unpack_subelements %parallel_loop3A_122, 1 {pack_format = #tpu.pack_format<interleaved>} : vector<32xbf16> -> vector<16xf32>
        %parallel_loop3A_125 = arith.index_cast %parallel_loop3A_94 : i32 to index
        %parallel_loop3A_126 = tpu.vector_load %arg8[%parallel_loop3A_125] {strides = array<i32>} : memref<10000xf32, #tpu.memory_space<vmem>>, vector<16xf32>,
        tpu.vector_store %arg8[%parallel_loop3A_125], %parallel_loop3A_123 {strides = array<i32>} : memref<10000xf32, #tpu.memory_space<vmem>>, vector<16xf32>,
        %parallel_loop3A_127 = arith.index_cast %parallel_loop3A_94 : i32 to index
        %parallel_loop3A_128 = tpu.vector_load %arg9[%parallel_loop3A_127] {strides = array<i32>} : memref<10000xf32, #tpu.memory_space<vmem>>, vector<16xf32>,
        tpu.vector_store %arg9[%parallel_loop3A_127], %parallel_loop3A_124 {strides = array<i32>} : memref<10000xf32, #tpu.memory_space<vmem>>, vector<16xf32>,
      } {sc.loop_unroll_factor = 2 : i64, sc.parallel_access}
    }
    %scan3A_40 = arith.constant 9 : i32
    %scan3A_41 = arith.constant 0 : i32
    %scan3A_42 = arith.constant 10 : i32
    %scan3A_43 = arith.addi %scan3A_41, %scan3A_42 : i32
    %scan3A_44 = arith.constant 1 : i32
    scf.for %scan3A_81 = %scan3A_41 to %scan3A_43 step %scan3A_44  : i32 {
      %mul3A_82 = arith.constant 2 : i32
      %mul3A_83 = arith.muli %scan3A_81, %mul3A_82 : i32
      %add3A_84 = arith.constant 0 : i32
      %add3A_85 = arith.addi %add3A_84, %mul3A_83 : i32
      %dma_wait3A_86 = arith.constant 0 : i32
      %dma_wait3A_87 = tpu.memref_slice %arg14[%dma_wait3A_86] : memref<16000xi32, #tpu.memory_space<vmem>> -> memref<8000xi32, #tpu.memory_space<vmem>>
      %dma_wait3A_88 = arith.constant 0 : i32
      %dma_wait3A_89 = tpu.memref_slice %arg3[%dma_wait3A_88] : memref<320000xi32, #tpu.memory_space<hbm>> -> memref<8000xi32, #tpu.memory_space<hbm>>
      %dma_wait3A_90 = arith.constant 0 : i32
      %dma_wait3A_91 = tpu.memref_slice %arg14[%dma_wait3A_90] : memref<16000xi32, #tpu.memory_space<vmem>> -> memref<8000xi32, #tpu.memory_space<vmem>>
      %dma_wait3A_92 = arith.constant 0 : i32
      %dma_wait3A_93 = tpu.memref_slice %arg3[%dma_wait3A_92] : memref<320000xi32, #tpu.memory_space<hbm>> -> memref<8000xi32, #tpu.memory_space<hbm>>
      tpu.wait_dma2 semaphore(%arg18 : memref<!tpu.dma_semaphore, #tpu.memory_space<semaphore_mem>>) src(%dma_wait3A_93 : memref<8000xi32, #tpu.memory_space<hbm>>) dst(%dma_wait3A_91 : memref<8000xi32, #tpu.memory_space<vmem>>)
      %dma_wait3A_94 = arith.constant 8000 : i32
      %dma_wait3A_95 = tpu.memref_slice %arg14[%dma_wait3A_94] : memref<16000xi32, #tpu.memory_space<vmem>> -> memref<8000xi32, #tpu.memory_space<vmem>>
      %dma_wait3A_96 = arith.constant 0 : i32
      %dma_wait3A_97 = tpu.memref_slice %arg3[%dma_wait3A_96] : memref<320000xi32, #tpu.memory_space<hbm>> -> memref<8000xi32, #tpu.memory_space<hbm>>
      %dma_wait3A_98 = arith.constant 8000 : i32
      %dma_wait3A_99 = tpu.memref_slice %arg14[%dma_wait3A_98] : memref<16000xi32, #tpu.memory_space<vmem>> -> memref<8000xi32, #tpu.memory_space<vmem>>
      %dma_wait3A_100 = arith.constant 0 : i32
      %dma_wait3A_101 = tpu.memref_slice %arg3[%dma_wait3A_100] : memref<320000xi32, #tpu.memory_space<hbm>> -> memref<8000xi32, #tpu.memory_space<hbm>>
      tpu.wait_dma2 semaphore(%arg18 : memref<!tpu.dma_semaphore, #tpu.memory_space<semaphore_mem>>) src(%dma_wait3A_101 : memref<8000xi32, #tpu.memory_space<hbm>>) dst(%dma_wait3A_99 : memref<8000xi32, #tpu.memory_space<vmem>>)
      %dma_wait3A_102 = arith.constant 0 : i32
      %dma_wait3A_103 = tpu.memref_slice %arg4[%dma_wait3A_102] : memref<160000xf32, #tpu.memory_space<hbm>> -> memref<8000xf32, #tpu.memory_space<hbm>>
      %dma_wait3A_104 = arith.constant 0 : i32
      %dma_wait3A_105 = tpu.memref_slice %arg4[%dma_wait3A_104] : memref<160000xf32, #tpu.memory_space<hbm>> -> memref<8000xf32, #tpu.memory_space<hbm>>
      tpu.wait_dma2 semaphore(%arg18 : memref<!tpu.dma_semaphore, #tpu.memory_space<semaphore_mem>>) src(%dma_wait3A_105 : memref<8000xf32, #tpu.memory_space<hbm>>) dst(%arg15 : memref<8000xf32, #tpu.memory_space<vmem>>)
      %add3A_106 = arith.constant 1 : i32
      %add3A_107 = arith.addi %add3A_85, %add3A_106 : i32
      %eq3A = arith.constant 20 : i32
      %eq3A_108 = arith.cmpi eq, %add3A_107, %eq3A : i32
      %jit3A = arith.constant 0 : i32
      %select_n3A = arith.select %eq3A_108, %jit3A, %add3A_107 : i32
      %mul3A_109 = arith.constant 8000 : i32
      %mul3A_110 = arith.muli %select_n3A, %mul3A_109 : i32
      %multiple_of3A_111 = tpu.assume_multiple %mul3A_110, 8 : i32
      %dma_start3A_112 = arith.constant 0 : i32
      %dma_start3A_113 = tpu.memref_slice %arg16[%dma_start3A_112] : memref<16000xi32, #tpu.memory_space<vmem>> -> memref<8000xi32, #tpu.memory_space<vmem>>
      %dma_start3A_114 = tpu.memref_slice %arg3[%multiple_of3A_111] : memref<320000xi32, #tpu.memory_space<hbm>> -> memref<8000xi32, #tpu.memory_space<hbm>>
      %dma_start3A_115 = arith.constant 0 : i32
      %dma_start3A_116 = tpu.memref_slice %arg16[%dma_start3A_115] : memref<16000xi32, #tpu.memory_space<vmem>> -> memref<8000xi32, #tpu.memory_space<vmem>>
      %dma_start3A_117 = tpu.memref_slice %arg3[%multiple_of3A_111] : memref<320000xi32, #tpu.memory_space<hbm>> -> memref<8000xi32, #tpu.memory_space<hbm>>
      tpu.enqueue_dma source(%dma_start3A_117 : memref<8000xi32, #tpu.memory_space<hbm>>) target(%dma_start3A_116 : memref<8000xi32, #tpu.memory_space<vmem>>) target_semaphore(%arg19 : memref<!tpu.dma_semaphore, #tpu.memory_space<semaphore_mem>>)
      %add3A_118 = arith.constant 160000 : i32
      %add3A_119 = arith.addi %add3A_118, %multiple_of3A_111 : i32
      %dma_start3A_120 = arith.constant 8000 : i32
      %dma_start3A_121 = tpu.memref_slice %arg16[%dma_start3A_120] : memref<16000xi32, #tpu.memory_space<vmem>> -> memref<8000xi32, #tpu.memory_space<vmem>>
      %dma_start3A_122 = tpu.memref_slice %arg3[%add3A_119] : memref<320000xi32, #tpu.memory_space<hbm>> -> memref<8000xi32, #tpu.memory_space<hbm>>
      %dma_start3A_123 = arith.constant 8000 : i32
      %dma_start3A_124 = tpu.memref_slice %arg16[%dma_start3A_123] : memref<16000xi32, #tpu.memory_space<vmem>> -> memref<8000xi32, #tpu.memory_space<vmem>>
      %dma_start3A_125 = tpu.memref_slice %arg3[%add3A_119] : memref<320000xi32, #tpu.memory_space<hbm>> -> memref<8000xi32, #tpu.memory_space<hbm>>
      tpu.enqueue_dma source(%dma_start3A_125 : memref<8000xi32, #tpu.memory_space<hbm>>) target(%dma_start3A_124 : memref<8000xi32, #tpu.memory_space<vmem>>) target_semaphore(%arg19 : memref<!tpu.dma_semaphore, #tpu.memory_space<semaphore_mem>>)
      %dma_start3A_126 = tpu.memref_slice %arg4[%multiple_of3A_111] : memref<160000xf32, #tpu.memory_space<hbm>> -> memref<8000xf32, #tpu.memory_space<hbm>>
      %dma_start3A_127 = tpu.memref_slice %arg4[%multiple_of3A_111] : memref<160000xf32, #tpu.memory_space<hbm>> -> memref<8000xf32, #tpu.memory_space<hbm>>
      tpu.enqueue_dma source(%dma_start3A_127 : memref<8000xf32, #tpu.memory_space<hbm>>) target(%arg17 : memref<8000xf32, #tpu.memory_space<vmem>>) target_semaphore(%arg19 : memref<!tpu.dma_semaphore, #tpu.memory_space<semaphore_mem>>)
      %parallel_loop3A_128 = arith.constant 0 : i32
      %parallel_loop3A_129 = arith.constant 8000 : i32
      %parallel_loop3A_130 = arith.constant 16 : i32
      scf.for %parallel_loop3A_181 = %parallel_loop3A_128 to %parallel_loop3A_129 step %parallel_loop3A_130  : i32 {
        %parallel_loop3A_182 = arith.index_cast %parallel_loop3A_181 : i32 to index
        %parallel_loop3A_183 = tpu.vector_load %arg15[%parallel_loop3A_182] {strides = array<i32>} : memref<8000xf32, #tpu.memory_space<vmem>>, vector<16xf32>,
        %parallel_loop3A_184 = vector.bitcast %parallel_loop3A_183 : vector<16xf32> to vector<32xbf16>
        %parallel_loop3A_185 = tpu.unpack_subelements %parallel_loop3A_184, 0 {pack_format = #tpu.pack_format<interleaved>} : vector<32xbf16> -> vector<16xf32>
        %parallel_loop3A_186 = tpu.unpack_subelements %parallel_loop3A_184, 1 {pack_format = #tpu.pack_format<interleaved>} : vector<32xbf16> -> vector<16xf32>
        %parallel_loop3A_187 = arith.index_cast %parallel_loop3A_181 : i32 to index
        %parallel_loop3A_188 = tpu.vector_load %arg14[%parallel_loop3A_187] {strides = array<i32>} : memref<16000xi32, #tpu.memory_space<vmem>>, vector<16xi32>,
        %parallel_loop3A_189 = arith.constant 8000 : i32
        %parallel_loop3A_190 = arith.addi %parallel_loop3A_189, %parallel_loop3A_181 : i32
        %parallel_loop3A_191 = arith.index_cast %parallel_loop3A_190 : i32 to index
        %parallel_loop3A_192 = tpu.vector_load %arg14[%parallel_loop3A_191] {strides = array<i32>} : memref<16000xi32, #tpu.memory_space<vmem>>, vector<16xi32>,
        %parallel_loop3A_193 = arith.constant 65535 : i32
        %parallel_loop3A_194 = vector.broadcast %parallel_loop3A_193 : i32 to vector<16xi32>
        %parallel_loop3A_195 = arith.andi %parallel_loop3A_188, %parallel_loop3A_194 : vector<16xi32>
        %parallel_loop3A_196 = arith.constant 16 : i32
        %parallel_loop3A_197 = vector.broadcast %parallel_loop3A_196 : i32 to vector<16xi32>
        %parallel_loop3A_198 = arith.shrsi %parallel_loop3A_188, %parallel_loop3A_197 : vector<16xi32>
        %parallel_loop3A_199 = tpu.vector_load_idx %arg12[%parallel_loop3A_195] : memref<10000xf32, #tpu.memory_space<vmem>>[vector<16xi32>], vector<16xf32>,
        %parallel_loop3A_200 = vector.bitcast %parallel_loop3A_199 : vector<16xf32> to vector<32xbf16>
        %parallel_loop3A_201 = tpu.unpack_subelements %parallel_loop3A_200, 0 {pack_format = #tpu.pack_format<interleaved>} : vector<32xbf16> -> vector<16xf32>
        %parallel_loop3A_202 = tpu.unpack_subelements %parallel_loop3A_200, 1 {pack_format = #tpu.pack_format<interleaved>} : vector<32xbf16> -> vector<16xf32>
        %parallel_loop3A_203 = arith.mulf %parallel_loop3A_201, %parallel_loop3A_185 : vector<16xf32>
        tpu.vector_store_idx %arg6[%parallel_loop3A_198], %parallel_loop3A_203 {add = true} : memref<10000xf32, #tpu.memory_space<vmem>>[vector<16xi32>], vector<16xf32>,
        %parallel_loop3A_204 = arith.mulf %parallel_loop3A_202, %parallel_loop3A_185 : vector<16xf32>
        tpu.vector_store_idx %arg7[%parallel_loop3A_198], %parallel_loop3A_204 {add = true} : memref<10000xf32, #tpu.memory_space<vmem>>[vector<16xi32>], vector<16xf32>,
        %parallel_loop3A_205 = tpu.vector_load_idx %arg13[%parallel_loop3A_195] : memref<10000xf32, #tpu.memory_space<vmem>>[vector<16xi32>], vector<16xf32>,
        %parallel_loop3A_206 = vector.bitcast %parallel_loop3A_205 : vector<16xf32> to vector<32xbf16>
        %parallel_loop3A_207 = tpu.unpack_subelements %parallel_loop3A_206, 0 {pack_format = #tpu.pack_format<interleaved>} : vector<32xbf16> -> vector<16xf32>
        %parallel_loop3A_208 = tpu.unpack_subelements %parallel_loop3A_206, 1 {pack_format = #tpu.pack_format<interleaved>} : vector<32xbf16> -> vector<16xf32>
        %parallel_loop3A_209 = arith.mulf %parallel_loop3A_207, %parallel_loop3A_185 : vector<16xf32>
        tpu.vector_store_idx %arg8[%parallel_loop3A_198], %parallel_loop3A_209 {add = true} : memref<10000xf32, #tpu.memory_space<vmem>>[vector<16xi32>], vector<16xf32>,
        %parallel_loop3A_210 = arith.mulf %parallel_loop3A_208, %parallel_loop3A_185 : vector<16xf32>
        tpu.vector_store_idx %arg9[%parallel_loop3A_198], %parallel_loop3A_210 {add = true} : memref<10000xf32, #tpu.memory_space<vmem>>[vector<16xi32>], vector<16xf32>,
        %parallel_loop3A_211 = arith.constant 65535 : i32
        %parallel_loop3A_212 = vector.broadcast %parallel_loop3A_211 : i32 to vector<16xi32>
        %parallel_loop3A_213 = arith.andi %parallel_loop3A_192, %parallel_loop3A_212 : vector<16xi32>
        %parallel_loop3A_214 = arith.constant 16 : i32
        %parallel_loop3A_215 = vector.broadcast %parallel_loop3A_214 : i32 to vector<16xi32>
        %parallel_loop3A_216 = arith.shrsi %parallel_loop3A_192, %parallel_loop3A_215 : vector<16xi32>
        %parallel_loop3A_217 = tpu.vector_load_idx %arg12[%parallel_loop3A_213] : memref<10000xf32, #tpu.memory_space<vmem>>[vector<16xi32>], vector<16xf32>,
        %parallel_loop3A_218 = vector.bitcast %parallel_loop3A_217 : vector<16xf32> to vector<32xbf16>
        %parallel_loop3A_219 = tpu.unpack_subelements %parallel_loop3A_218, 0 {pack_format = #tpu.pack_format<interleaved>} : vector<32xbf16> -> vector<16xf32>
        %parallel_loop3A_220 = tpu.unpack_subelements %parallel_loop3A_218, 1 {pack_format = #tpu.pack_format<interleaved>} : vector<32xbf16> -> vector<16xf32>
        %parallel_loop3A_221 = arith.mulf %parallel_loop3A_219, %parallel_loop3A_186 : vector<16xf32>
        tpu.vector_store_idx %arg6[%parallel_loop3A_216], %parallel_loop3A_221 {add = true} : memref<10000xf32, #tpu.memory_space<vmem>>[vector<16xi32>], vector<16xf32>,
        %parallel_loop3A_222 = arith.mulf %parallel_loop3A_220, %parallel_loop3A_186 : vector<16xf32>
        tpu.vector_store_idx %arg7[%parallel_loop3A_216], %parallel_loop3A_222 {add = true} : memref<10000xf32, #tpu.memory_space<vmem>>[vector<16xi32>], vector<16xf32>,
        %parallel_loop3A_223 = tpu.vector_load_idx %arg13[%parallel_loop3A_213] : memref<10000xf32, #tpu.memory_space<vmem>>[vector<16xi32>], vector<16xf32>,
        %parallel_loop3A_224 = vector.bitcast %parallel_loop3A_223 : vector<16xf32> to vector<32xbf16>
        %parallel_loop3A_225 = tpu.unpack_subelements %parallel_loop3A_224, 0 {pack_format = #tpu.pack_format<interleaved>} : vector<32xbf16> -> vector<16xf32>
        %parallel_loop3A_226 = tpu.unpack_subelements %parallel_loop3A_224, 1 {pack_format = #tpu.pack_format<interleaved>} : vector<32xbf16> -> vector<16xf32>
        %parallel_loop3A_227 = arith.mulf %parallel_loop3A_225, %parallel_loop3A_186 : vector<16xf32>
        tpu.vector_store_idx %arg8[%parallel_loop3A_216], %parallel_loop3A_227 {add = true} : memref<10000xf32, #tpu.memory_space<vmem>>[vector<16xi32>], vector<16xf32>,
        %parallel_loop3A_228 = arith.mulf %parallel_loop3A_226, %parallel_loop3A_186 : vector<16xf32>
        tpu.vector_store_idx %arg9[%parallel_loop3A_216], %parallel_loop3A_228 {add = true} : memref<10000xf32, #tpu.memory_space<vmem>>[vector<16xi32>], vector<16xf32>,
      } {sc.loop_unroll_factor = 2 : i64, sc.parallel_access}
      %add3A_131 = arith.constant 1 : i32
      %add3A_132 = arith.addi %add3A_85, %add3A_131 : i32
      %dma_wait3A_133 = arith.constant 0 : i32
      %dma_wait3A_134 = tpu.memref_slice %arg16[%dma_wait3A_133] : memref<16000xi32, #tpu.memory_space<vmem>> -> memref<8000xi32, #tpu.memory_space<vmem>>
      %dma_wait3A_135 = arith.constant 0 : i32
      %dma_wait3A_136 = tpu.memref_slice %arg3[%dma_wait3A_135] : memref<320000xi32, #tpu.memory_space<hbm>> -> memref<8000xi32, #tpu.memory_space<hbm>>
      %dma_wait3A_137 = arith.constant 0 : i32
      %dma_wait3A_138 = tpu.memref_slice %arg16[%dma_wait3A_137] : memref<16000xi32, #tpu.memory_space<vmem>> -> memref<8000xi32, #tpu.memory_space<vmem>>
      %dma_wait3A_139 = arith.constant 0 : i32
      %dma_wait3A_140 = tpu.memref_slice %arg3[%dma_wait3A_139] : memref<320000xi32, #tpu.memory_space<hbm>> -> memref<8000xi32, #tpu.memory_space<hbm>>
      tpu.wait_dma2 semaphore(%arg19 : memref<!tpu.dma_semaphore, #tpu.memory_space<semaphore_mem>>) src(%dma_wait3A_140 : memref<8000xi32, #tpu.memory_space<hbm>>) dst(%dma_wait3A_138 : memref<8000xi32, #tpu.memory_space<vmem>>)
      %dma_wait3A_141 = arith.constant 8000 : i32
      %dma_wait3A_142 = tpu.memref_slice %arg16[%dma_wait3A_141] : memref<16000xi32, #tpu.memory_space<vmem>> -> memref<8000xi32, #tpu.memory_space<vmem>>
      %dma_wait3A_143 = arith.constant 0 : i32
      %dma_wait3A_144 = tpu.memref_slice %arg3[%dma_wait3A_143] : memref<320000xi32, #tpu.memory_space<hbm>> -> memref<8000xi32, #tpu.memory_space<hbm>>
      %dma_wait3A_145 = arith.constant 8000 : i32
      %dma_wait3A_146 = tpu.memref_slice %arg16[%dma_wait3A_145] : memref<16000xi32, #tpu.memory_space<vmem>> -> memref<8000xi32, #tpu.memory_space<vmem>>
      %dma_wait3A_147 = arith.constant 0 : i32
      %dma_wait3A_148 = tpu.memref_slice %arg3[%dma_wait3A_147] : memref<320000xi32, #tpu.memory_space<hbm>> -> memref<8000xi32, #tpu.memory_space<hbm>>
      tpu.wait_dma2 semaphore(%arg19 : memref<!tpu.dma_semaphore, #tpu.memory_space<semaphore_mem>>) src(%dma_wait3A_148 : memref<8000xi32, #tpu.memory_space<hbm>>) dst(%dma_wait3A_146 : memref<8000xi32, #tpu.memory_space<vmem>>)
      %dma_wait3A_149 = arith.constant 0 : i32
      %dma_wait3A_150 = tpu.memref_slice %arg4[%dma_wait3A_149] : memref<160000xf32, #tpu.memory_space<hbm>> -> memref<8000xf32, #tpu.memory_space<hbm>>
      %dma_wait3A_151 = arith.constant 0 : i32
      %dma_wait3A_152 = tpu.memref_slice %arg4[%dma_wait3A_151] : memref<160000xf32, #tpu.memory_space<hbm>> -> memref<8000xf32, #tpu.memory_space<hbm>>
      tpu.wait_dma2 semaphore(%arg19 : memref<!tpu.dma_semaphore, #tpu.memory_space<semaphore_mem>>) src(%dma_wait3A_152 : memref<8000xf32, #tpu.memory_space<hbm>>) dst(%arg17 : memref<8000xf32, #tpu.memory_space<vmem>>)
      %add3A_153 = arith.constant 1 : i32
      %add3A_154 = arith.addi %add3A_132, %add3A_153 : i32
      %eq3A_155 = arith.constant 20 : i32
      %eq3A_156 = arith.cmpi eq, %add3A_154, %eq3A_155 : i32
      %jit3A_157 = arith.constant 0 : i32
      %select_n3A_158 = arith.select %eq3A_156, %jit3A_157, %add3A_154 : i32
      %mul3A_159 = arith.constant 8000 : i32
      %mul3A_160 = arith.muli %select_n3A_158, %mul3A_159 : i32
      %multiple_of3A_161 = tpu.assume_multiple %mul3A_160, 8 : i32
      %dma_start3A_162 = arith.constant 0 : i32
      %dma_start3A_163 = tpu.memref_slice %arg14[%dma_start3A_162] : memref<16000xi32, #tpu.memory_space<vmem>> -> memref<8000xi32, #tpu.memory_space<vmem>>
      %dma_start3A_164 = tpu.memref_slice %arg3[%multiple_of3A_161] : memref<320000xi32, #tpu.memory_space<hbm>> -> memref<8000xi32, #tpu.memory_space<hbm>>
      %dma_start3A_165 = arith.constant 0 : i32
      %dma_start3A_166 = tpu.memref_slice %arg14[%dma_start3A_165] : memref<16000xi32, #tpu.memory_space<vmem>> -> memref<8000xi32, #tpu.memory_space<vmem>>
      %dma_start3A_167 = tpu.memref_slice %arg3[%multiple_of3A_161] : memref<320000xi32, #tpu.memory_space<hbm>> -> memref<8000xi32, #tpu.memory_space<hbm>>
      tpu.enqueue_dma source(%dma_start3A_167 : memref<8000xi32, #tpu.memory_space<hbm>>) target(%dma_start3A_166 : memref<8000xi32, #tpu.memory_space<vmem>>) target_semaphore(%arg18 : memref<!tpu.dma_semaphore, #tpu.memory_space<semaphore_mem>>)
      %add3A_168 = arith.constant 160000 : i32
      %add3A_169 = arith.addi %add3A_168, %multiple_of3A_161 : i32
      %dma_start3A_170 = arith.constant 8000 : i32
      %dma_start3A_171 = tpu.memref_slice %arg14[%dma_start3A_170] : memref<16000xi32, #tpu.memory_space<vmem>> -> memref<8000xi32, #tpu.memory_space<vmem>>
      %dma_start3A_172 = tpu.memref_slice %arg3[%add3A_169] : memref<320000xi32, #tpu.memory_space<hbm>> -> memref<8000xi32, #tpu.memory_space<hbm>>
      %dma_start3A_173 = arith.constant 8000 : i32
      %dma_start3A_174 = tpu.memref_slice %arg14[%dma_start3A_173] : memref<16000xi32, #tpu.memory_space<vmem>> -> memref<8000xi32, #tpu.memory_space<vmem>>
      %dma_start3A_175 = tpu.memref_slice %arg3[%add3A_169] : memref<320000xi32, #tpu.memory_space<hbm>> -> memref<8000xi32, #tpu.memory_space<hbm>>
      tpu.enqueue_dma source(%dma_start3A_175 : memref<8000xi32, #tpu.memory_space<hbm>>) target(%dma_start3A_174 : memref<8000xi32, #tpu.memory_space<vmem>>) target_semaphore(%arg18 : memref<!tpu.dma_semaphore, #tpu.memory_space<semaphore_mem>>)
      %dma_start3A_176 = tpu.memref_slice %arg4[%multiple_of3A_161] : memref<160000xf32, #tpu.memory_space<hbm>> -> memref<8000xf32, #tpu.memory_space<hbm>>
      %dma_start3A_177 = tpu.memref_slice %arg4[%multiple_of3A_161] : memref<160000xf32, #tpu.memory_space<hbm>> -> memref<8000xf32, #tpu.memory_space<hbm>>
      tpu.enqueue_dma source(%dma_start3A_177 : memref<8000xf32, #tpu.memory_space<hbm>>) target(%arg15 : memref<8000xf32, #tpu.memory_space<vmem>>) target_semaphore(%arg18 : memref<!tpu.dma_semaphore, #tpu.memory_space<semaphore_mem>>)
      %parallel_loop3A_178 = arith.constant 0 : i32
      %parallel_loop3A_179 = arith.constant 8000 : i32
      %parallel_loop3A_180 = arith.constant 16 : i32
      scf.for %parallel_loop3A_181 = %parallel_loop3A_178 to %parallel_loop3A_179 step %parallel_loop3A_180  : i32 {
        %parallel_loop3A_182 = arith.index_cast %parallel_loop3A_181 : i32 to index
        %parallel_loop3A_183 = tpu.vector_load %arg17[%parallel_loop3A_182] {strides = array<i32>} : memref<8000xf32, #tpu.memory_space<vmem>>, vector<16xf32>,
        %parallel_loop3A_184 = vector.bitcast %parallel_loop3A_183 : vector<16xf32> to vector<32xbf16>
        %parallel_loop3A_185 = tpu.unpack_subelements %parallel_loop3A_184, 0 {pack_format = #tpu.pack_format<interleaved>} : vector<32xbf16> -> vector<16xf32>
        %parallel_loop3A_186 = tpu.unpack_subelements %parallel_loop3A_184, 1 {pack_format = #tpu.pack_format<interleaved>} : vector<32xbf16> -> vector<16xf32>
        %parallel_loop3A_187 = arith.index_cast %parallel_loop3A_181 : i32 to index
        %parallel_loop3A_188 = tpu.vector_load %arg16[%parallel_loop3A_187] {strides = array<i32>} : memref<16000xi32, #tpu.memory_space<vmem>>, vector<16xi32>,
        %parallel_loop3A_189 = arith.constant 8000 : i32
        %parallel_loop3A_190 = arith.addi %parallel_loop3A_189, %parallel_loop3A_181 : i32
        %parallel_loop3A_191 = arith.index_cast %parallel_loop3A_190 : i32 to index
        %parallel_loop3A_192 = tpu.vector_load %arg16[%parallel_loop3A_191] {strides = array<i32>} : memref<16000xi32, #tpu.memory_space<vmem>>, vector<16xi32>,
        %parallel_loop3A_193 = arith.constant 65535 : i32
        %parallel_loop3A_194 = vector.broadcast %parallel_loop3A_193 : i32 to vector<16xi32>
        %parallel_loop3A_195 = arith.andi %parallel_loop3A_188, %parallel_loop3A_194 : vector<16xi32>
        %parallel_loop3A_196 = arith.constant 16 : i32
        %parallel_loop3A_197 = vector.broadcast %parallel_loop3A_196 : i32 to vector<16xi32>
        %parallel_loop3A_198 = arith.shrsi %parallel_loop3A_188, %parallel_loop3A_197 : vector<16xi32>
        %parallel_loop3A_199 = tpu.vector_load_idx %arg12[%parallel_loop3A_195] : memref<10000xf32, #tpu.memory_space<vmem>>[vector<16xi32>], vector<16xf32>,
        %parallel_loop3A_200 = vector.bitcast %parallel_loop3A_199 : vector<16xf32> to vector<32xbf16>
        %parallel_loop3A_201 = tpu.unpack_subelements %parallel_loop3A_200, 0 {pack_format = #tpu.pack_format<interleaved>} : vector<32xbf16> -> vector<16xf32>
        %parallel_loop3A_202 = tpu.unpack_subelements %parallel_loop3A_200, 1 {pack_format = #tpu.pack_format<interleaved>} : vector<32xbf16> -> vector<16xf32>
        %parallel_loop3A_203 = arith.mulf %parallel_loop3A_201, %parallel_loop3A_185 : vector<16xf32>
        tpu.vector_store_idx %arg6[%parallel_loop3A_198], %parallel_loop3A_203 {add = true} : memref<10000xf32, #tpu.memory_space<vmem>>[vector<16xi32>], vector<16xf32>,
        %parallel_loop3A_204 = arith.mulf %parallel_loop3A_202, %parallel_loop3A_185 : vector<16xf32>
        tpu.vector_store_idx %arg7[%parallel_loop3A_198], %parallel_loop3A_204 {add = true} : memref<10000xf32, #tpu.memory_space<vmem>>[vector<16xi32>], vector<16xf32>,
        %parallel_loop3A_205 = tpu.vector_load_idx %arg13[%parallel_loop3A_195] : memref<10000xf32, #tpu.memory_space<vmem>>[vector<16xi32>], vector<16xf32>,
        %parallel_loop3A_206 = vector.bitcast %parallel_loop3A_205 : vector<16xf32> to vector<32xbf16>
        %parallel_loop3A_207 = tpu.unpack_subelements %parallel_loop3A_206, 0 {pack_format = #tpu.pack_format<interleaved>} : vector<32xbf16> -> vector<16xf32>
        %parallel_loop3A_208 = tpu.unpack_subelements %parallel_loop3A_206, 1 {pack_format = #tpu.pack_format<interleaved>} : vector<32xbf16> -> vector<16xf32>
        %parallel_loop3A_209 = arith.mulf %parallel_loop3A_207, %parallel_loop3A_185 : vector<16xf32>
        tpu.vector_store_idx %arg8[%parallel_loop3A_198], %parallel_loop3A_209 {add = true} : memref<10000xf32, #tpu.memory_space<vmem>>[vector<16xi32>], vector<16xf32>,
        %parallel_loop3A_210 = arith.mulf %parallel_loop3A_208, %parallel_loop3A_185 : vector<16xf32>
        tpu.vector_store_idx %arg9[%parallel_loop3A_198], %parallel_loop3A_210 {add = true} : memref<10000xf32, #tpu.memory_space<vmem>>[vector<16xi32>], vector<16xf32>,
        %parallel_loop3A_211 = arith.constant 65535 : i32
        %parallel_loop3A_212 = vector.broadcast %parallel_loop3A_211 : i32 to vector<16xi32>
        %parallel_loop3A_213 = arith.andi %parallel_loop3A_192, %parallel_loop3A_212 : vector<16xi32>
        %parallel_loop3A_214 = arith.constant 16 : i32
        %parallel_loop3A_215 = vector.broadcast %parallel_loop3A_214 : i32 to vector<16xi32>
        %parallel_loop3A_216 = arith.shrsi %parallel_loop3A_192, %parallel_loop3A_215 : vector<16xi32>
        %parallel_loop3A_217 = tpu.vector_load_idx %arg12[%parallel_loop3A_213] : memref<10000xf32, #tpu.memory_space<vmem>>[vector<16xi32>], vector<16xf32>,
        %parallel_loop3A_218 = vector.bitcast %parallel_loop3A_217 : vector<16xf32> to vector<32xbf16>
        %parallel_loop3A_219 = tpu.unpack_subelements %parallel_loop3A_218, 0 {pack_format = #tpu.pack_format<interleaved>} : vector<32xbf16> -> vector<16xf32>
        %parallel_loop3A_220 = tpu.unpack_subelements %parallel_loop3A_218, 1 {pack_format = #tpu.pack_format<interleaved>} : vector<32xbf16> -> vector<16xf32>
        %parallel_loop3A_221 = arith.mulf %parallel_loop3A_219, %parallel_loop3A_186 : vector<16xf32>
        tpu.vector_store_idx %arg6[%parallel_loop3A_216], %parallel_loop3A_221 {add = true} : memref<10000xf32, #tpu.memory_space<vmem>>[vector<16xi32>], vector<16xf32>,
        %parallel_loop3A_222 = arith.mulf %parallel_loop3A_220, %parallel_loop3A_186 : vector<16xf32>
        tpu.vector_store_idx %arg7[%parallel_loop3A_216], %parallel_loop3A_222 {add = true} : memref<10000xf32, #tpu.memory_space<vmem>>[vector<16xi32>], vector<16xf32>,
        %parallel_loop3A_223 = tpu.vector_load_idx %arg13[%parallel_loop3A_213] : memref<10000xf32, #tpu.memory_space<vmem>>[vector<16xi32>], vector<16xf32>,
        %parallel_loop3A_224 = vector.bitcast %parallel_loop3A_223 : vector<16xf32> to vector<32xbf16>
        %parallel_loop3A_225 = tpu.unpack_subelements %parallel_loop3A_224, 0 {pack_format = #tpu.pack_format<interleaved>} : vector<32xbf16> -> vector<16xf32>
        %parallel_loop3A_226 = tpu.unpack_subelements %parallel_loop3A_224, 1 {pack_format = #tpu.pack_format<interleaved>} : vector<32xbf16> -> vector<16xf32>
        %parallel_loop3A_227 = arith.mulf %parallel_loop3A_225, %parallel_loop3A_186 : vector<16xf32>
        tpu.vector_store_idx %arg8[%parallel_loop3A_216], %parallel_loop3A_227 {add = true} : memref<10000xf32, #tpu.memory_space<vmem>>[vector<16xi32>], vector<16xf32>,
        %parallel_loop3A_228 = arith.mulf %parallel_loop3A_226, %parallel_loop3A_186 : vector<16xf32>
        tpu.vector_store_idx %arg9[%parallel_loop3A_216], %parallel_loop3A_228 {add = true} : memref<10000xf32, #tpu.memory_space<vmem>>[vector<16xi32>], vector<16xf32>,
      } {sc.loop_unroll_factor = 2 : i64, sc.parallel_access}
    }
    %scan3A_45 = arith.constant 10 : i32
    %dma_wait3A = arith.constant 0 : i32
    %dma_wait3A_46 = tpu.memref_slice %arg14[%dma_wait3A] : memref<16000xi32, #tpu.memory_space<vmem>> -> memref<8000xi32, #tpu.memory_space<vmem>>
    %dma_wait3A_47 = arith.constant 0 : i32
    %dma_wait3A_48 = tpu.memref_slice %arg3[%dma_wait3A_47] : memref<320000xi32, #tpu.memory_space<hbm>> -> memref<8000xi32, #tpu.memory_space<hbm>>
    %dma_wait3A_49 = arith.constant 0 : i32
    %dma_wait3A_50 = tpu.memref_slice %arg14[%dma_wait3A_49] : memref<16000xi32, #tpu.memory_space<vmem>> -> memref<8000xi32, #tpu.memory_space<vmem>>
    %dma_wait3A_51 = arith.constant 0 : i32
    %dma_wait3A_52 = tpu.memref_slice %arg3[%dma_wait3A_51] : memref<320000xi32, #tpu.memory_space<hbm>> -> memref<8000xi32, #tpu.memory_space<hbm>>
    tpu.wait_dma2 semaphore(%arg18 : memref<!tpu.dma_semaphore, #tpu.memory_space<semaphore_mem>>) src(%dma_wait3A_52 : memref<8000xi32, #tpu.memory_space<hbm>>) dst(%dma_wait3A_50 : memref<8000xi32, #tpu.memory_space<vmem>>)
    %dma_wait3A_53 = arith.constant 8000 : i32
    %dma_wait3A_54 = tpu.memref_slice %arg14[%dma_wait3A_53] : memref<16000xi32, #tpu.memory_space<vmem>> -> memref<8000xi32, #tpu.memory_space<vmem>>
    %dma_wait3A_55 = arith.constant 0 : i32
    %dma_wait3A_56 = tpu.memref_slice %arg3[%dma_wait3A_55] : memref<320000xi32, #tpu.memory_space<hbm>> -> memref<8000xi32, #tpu.memory_space<hbm>>
    %dma_wait3A_57 = arith.constant 8000 : i32
    %dma_wait3A_58 = tpu.memref_slice %arg14[%dma_wait3A_57] : memref<16000xi32, #tpu.memory_space<vmem>> -> memref<8000xi32, #tpu.memory_space<vmem>>
    %dma_wait3A_59 = arith.constant 0 : i32
    %dma_wait3A_60 = tpu.memref_slice %arg3[%dma_wait3A_59] : memref<320000xi32, #tpu.memory_space<hbm>> -> memref<8000xi32, #tpu.memory_space<hbm>>
    tpu.wait_dma2 semaphore(%arg18 : memref<!tpu.dma_semaphore, #tpu.memory_space<semaphore_mem>>) src(%dma_wait3A_60 : memref<8000xi32, #tpu.memory_space<hbm>>) dst(%dma_wait3A_58 : memref<8000xi32, #tpu.memory_space<vmem>>)
    %dma_wait3A_61 = arith.constant 0 : i32
    %dma_wait3A_62 = tpu.memref_slice %arg4[%dma_wait3A_61] : memref<160000xf32, #tpu.memory_space<hbm>> -> memref<8000xf32, #tpu.memory_space<hbm>>
    %dma_wait3A_63 = arith.constant 0 : i32
    %dma_wait3A_64 = tpu.memref_slice %arg4[%dma_wait3A_63] : memref<160000xf32, #tpu.memory_space<hbm>> -> memref<8000xf32, #tpu.memory_space<hbm>>
    tpu.wait_dma2 semaphore(%arg18 : memref<!tpu.dma_semaphore, #tpu.memory_space<semaphore_mem>>) src(%dma_wait3A_64 : memref<8000xf32, #tpu.memory_space<hbm>>) dst(%arg15 : memref<8000xf32, #tpu.memory_space<vmem>>)
    %add3A_65 = arith.constant 0 : i32
    %add3A_66 = arith.addi %mul3A_2, %add3A_65 : i32
    %mul3A_67 = arith.constant 10000 : i32
    %mul3A_68 = arith.muli %add3A_66, %mul3A_67 : i32
    "tpu.region"() ({
      %run_scoped3A = tpu.sem_alloc : memref<!tpu.dma_semaphore, #tpu.memory_space<semaphore_mem>>
      %dma_start3A_81 = tpu.memref_slice %arg5[%mul3A_68] : memref<1280000xf32, #tpu.memory_space<hbm>> -> memref<10000xf32, #tpu.memory_space<hbm>>
      %dma_start3A_82 = tpu.memref_slice %arg5[%mul3A_68] : memref<1280000xf32, #tpu.memory_space<hbm>> -> memref<10000xf32, #tpu.memory_space<hbm>>
      tpu.enqueue_dma source(%arg6 : memref<10000xf32, #tpu.memory_space<vmem>>) target(%dma_start3A_82 : memref<10000xf32, #tpu.memory_space<hbm>>) target_semaphore(%run_scoped3A : memref<!tpu.dma_semaphore, #tpu.memory_space<semaphore_mem>>)
      %dma_wait3A_83 = tpu.memref_slice %arg5[%mul3A_68] : memref<1280000xf32, #tpu.memory_space<hbm>> -> memref<10000xf32, #tpu.memory_space<hbm>>
      %dma_wait3A_84 = tpu.memref_slice %arg5[%mul3A_68] : memref<1280000xf32, #tpu.memory_space<hbm>> -> memref<10000xf32, #tpu.memory_space<hbm>>
      tpu.wait_dma2 semaphore(%run_scoped3A : memref<!tpu.dma_semaphore, #tpu.memory_space<semaphore_mem>>) src(%arg6 : memref<10000xf32, #tpu.memory_space<vmem>>) dst(%dma_wait3A_84 : memref<10000xf32, #tpu.memory_space<hbm>>)
      tpu.yield
    }) : () -> ()
    %add3A_69 = arith.constant 1 : i32
    %add3A_70 = arith.addi %mul3A_2, %add3A_69 : i32
    %mul3A_71 = arith.constant 10000 : i32
    %mul3A_72 = arith.muli %add3A_70, %mul3A_71 : i32
    "tpu.region"() ({
      %run_scoped3A = tpu.sem_alloc : memref<!tpu.dma_semaphore, #tpu.memory_space<semaphore_mem>>
      %dma_start3A_81 = tpu.memref_slice %arg5[%mul3A_72] : memref<1280000xf32, #tpu.memory_space<hbm>> -> memref<10000xf32, #tpu.memory_space<hbm>>
      %dma_start3A_82 = tpu.memref_slice %arg5[%mul3A_72] : memref<1280000xf32, #tpu.memory_space<hbm>> -> memref<10000xf32, #tpu.memory_space<hbm>>
      tpu.enqueue_dma source(%arg7 : memref<10000xf32, #tpu.memory_space<vmem>>) target(%dma_start3A_82 : memref<10000xf32, #tpu.memory_space<hbm>>) target_semaphore(%run_scoped3A : memref<!tpu.dma_semaphore, #tpu.memory_space<semaphore_mem>>)
      %dma_wait3A_83 = tpu.memref_slice %arg5[%mul3A_72] : memref<1280000xf32, #tpu.memory_space<hbm>> -> memref<10000xf32, #tpu.memory_space<hbm>>
      %dma_wait3A_84 = tpu.memref_slice %arg5[%mul3A_72] : memref<1280000xf32, #tpu.memory_space<hbm>> -> memref<10000xf32, #tpu.memory_space<hbm>>
      tpu.wait_dma2 semaphore(%run_scoped3A : memref<!tpu.dma_semaphore, #tpu.memory_space<semaphore_mem>>) src(%arg7 : memref<10000xf32, #tpu.memory_space<vmem>>) dst(%dma_wait3A_84 : memref<10000xf32, #tpu.memory_space<hbm>>)
      tpu.yield
    }) : () -> ()
    %add3A_73 = arith.constant 2 : i32
    %add3A_74 = arith.addi %mul3A_2, %add3A_73 : i32
    %mul3A_75 = arith.constant 10000 : i32
    %mul3A_76 = arith.muli %add3A_74, %mul3A_75 : i32
    "tpu.region"() ({
      %run_scoped3A = tpu.sem_alloc : memref<!tpu.dma_semaphore, #tpu.memory_space<semaphore_mem>>
      %dma_start3A_81 = tpu.memref_slice %arg5[%mul3A_76] : memref<1280000xf32, #tpu.memory_space<hbm>> -> memref<10000xf32, #tpu.memory_space<hbm>>
      %dma_start3A_82 = tpu.memref_slice %arg5[%mul3A_76] : memref<1280000xf32, #tpu.memory_space<hbm>> -> memref<10000xf32, #tpu.memory_space<hbm>>
      tpu.enqueue_dma source(%arg8 : memref<10000xf32, #tpu.memory_space<vmem>>) target(%dma_start3A_82 : memref<10000xf32, #tpu.memory_space<hbm>>) target_semaphore(%run_scoped3A : memref<!tpu.dma_semaphore, #tpu.memory_space<semaphore_mem>>)
      %dma_wait3A_83 = tpu.memref_slice %arg5[%mul3A_76] : memref<1280000xf32, #tpu.memory_space<hbm>> -> memref<10000xf32, #tpu.memory_space<hbm>>
      %dma_wait3A_84 = tpu.memref_slice %arg5[%mul3A_76] : memref<1280000xf32, #tpu.memory_space<hbm>> -> memref<10000xf32, #tpu.memory_space<hbm>>
      tpu.wait_dma2 semaphore(%run_scoped3A : memref<!tpu.dma_semaphore, #tpu.memory_space<semaphore_mem>>) src(%arg8 : memref<10000xf32, #tpu.memory_space<vmem>>) dst(%dma_wait3A_84 : memref<10000xf32, #tpu.memory_space<hbm>>)
      tpu.yield
    }) : () -> ()
    %add3A_77 = arith.constant 3 : i32
    %add3A_78 = arith.addi %mul3A_2, %add3A_77 : i32
    %mul3A_79 = arith.constant 10000 : i32
    %mul3A_80 = arith.muli %add3A_78, %mul3A_79 : i32
    "tpu.region"() ({
      %run_scoped3A = tpu.sem_alloc : memref<!tpu.dma_semaphore, #tpu.memory_space<semaphore_mem>>
      %dma_start3A_81 = tpu.memref_slice %arg5[%mul3A_80] : memref<1280000xf32, #tpu.memory_space<hbm>> -> memref<10000xf32, #tpu.memory_space<hbm>>
      %dma_start3A_82 = tpu.memref_slice %arg5[%mul3A_80] : memref<1280000xf32, #tpu.memory_space<hbm>> -> memref<10000xf32, #tpu.memory_space<hbm>>
      tpu.enqueue_dma source(%arg9 : memref<10000xf32, #tpu.memory_space<vmem>>) target(%dma_start3A_82 : memref<10000xf32, #tpu.memory_space<hbm>>) target_semaphore(%run_scoped3A : memref<!tpu.dma_semaphore, #tpu.memory_space<semaphore_mem>>)
      %dma_wait3A_83 = tpu.memref_slice %arg5[%mul3A_80] : memref<1280000xf32, #tpu.memory_space<hbm>> -> memref<10000xf32, #tpu.memory_space<hbm>>
      %dma_wait3A_84 = tpu.memref_slice %arg5[%mul3A_80] : memref<1280000xf32, #tpu.memory_space<hbm>> -> memref<10000xf32, #tpu.memory_space<hbm>>
      tpu.wait_dma2 semaphore(%run_scoped3A : memref<!tpu.dma_semaphore, #tpu.memory_space<semaphore_mem>>) src(%arg9 : memref<10000xf32, #tpu.memory_space<vmem>>) dst(%dma_wait3A_84 : memref<10000xf32, #tpu.memory_space<hbm>>)
      tpu.yield
    }) : () -> ()
    return
  }
}

#map = affine_map<(d0, d1) -> (0)>
module attributes {stable_mosaic.version = 14 : i64} {
  func.func @body(%arg0: i32, %arg1: i32, %arg2: memref<320000xi32, #tpu.memory_space<hbm>>, %arg3: memref<320000xf32, #tpu.memory_space<hbm>>, %arg4: memref<10000xf32, #tpu.memory_space<hbm>>, %arg5: memref<160000xf32, #tpu.memory_space<hbm>>, %arg6: memref<10000xf32, #tpu.memory_space<vmem>>, %arg7: memref<5008xi32, #tpu.memory_space<vmem>>, %arg8: memref<5008xi32, #tpu.memory_space<vmem>>, %arg9: memref<5008xf32, #tpu.memory_space<vmem>>, %arg10: memref<5008xf32, #tpu.memory_space<vmem>>, %arg11: memref<5008xf32, #tpu.memory_space<vmem>>) attributes {dimension_semantics = [#tpu.dimension_semantics<core_parallel>, #tpu.dimension_semantics<subcore_parallel>], iteration_bounds = array<i64: 2, 16>, scalar_prefetch = 0 : i64, scratch_operands = 6 : i64, tpu.core_type = #tpu.core_type<sc_vector_subcore>, window_params = [{transform_indices = #map}, {transform_indices = #map}, {transform_indices = #map}, {transform_indices = #map}]} {
    %mul3A = arith.constant 2 : i32
    %mul3A_0 = arith.muli %arg1, %mul3A : i32
    %add3A = arith.addi %mul3A_0, %arg0 : i32
    %mul3A_1 = arith.constant 5000 : i32
    %mul3A_2 = arith.muli %add3A, %mul3A_1 : i32
    "tpu.region"() ({
      %run_scoped3A = tpu.sem_alloc : memref<!tpu.dma_semaphore, #tpu.memory_space<semaphore_mem>>
      tpu.enqueue_dma source(%arg4 : memref<10000xf32, #tpu.memory_space<hbm>>) target(%arg6 : memref<10000xf32, #tpu.memory_space<vmem>>) target_semaphore(%run_scoped3A : memref<!tpu.dma_semaphore, #tpu.memory_space<semaphore_mem>>)
      tpu.wait_dma2 semaphore(%run_scoped3A : memref<!tpu.dma_semaphore, #tpu.memory_space<semaphore_mem>>) src(%arg4 : memref<10000xf32, #tpu.memory_space<hbm>>) dst(%arg6 : memref<10000xf32, #tpu.memory_space<vmem>>)
      tpu.yield
    }) : () -> ()
    %broadcast_in_dim3A = arith.constant 0 : i32
    %broadcast_in_dim3A_3 = vector.broadcast %broadcast_in_dim3A : i32 to vector<16xi32>
    %swap3A = arith.constant 4992 : index
    %swap3A_4 = tpu.vector_load %arg7[%swap3A] {strides = array<i32>} : memref<5008xi32, #tpu.memory_space<vmem>>, vector<16xi32>,
    tpu.vector_store %arg7[%swap3A], %broadcast_in_dim3A_3 {strides = array<i32>} : memref<5008xi32, #tpu.memory_space<vmem>>, vector<16xi32>,
    %swap3A_5 = arith.constant 4992 : index
    %swap3A_6 = tpu.vector_load %arg8[%swap3A_5] {strides = array<i32>} : memref<5008xi32, #tpu.memory_space<vmem>>, vector<16xi32>,
    tpu.vector_store %arg8[%swap3A_5], %broadcast_in_dim3A_3 {strides = array<i32>} : memref<5008xi32, #tpu.memory_space<vmem>>, vector<16xi32>,
    "tpu.region"() ({
      %run_scoped3A = tpu.sem_alloc : memref<!tpu.dma_semaphore, #tpu.memory_space<semaphore_mem>>
      %dma_start3A = arith.constant 0 : i32
      %dma_start3A_13 = tpu.memref_slice %arg7[%dma_start3A] : memref<5008xi32, #tpu.memory_space<vmem>> -> memref<5000xi32, #tpu.memory_space<vmem>>
      %dma_start3A_14 = tpu.memref_slice %arg2[%mul3A_2] : memref<320000xi32, #tpu.memory_space<hbm>> -> memref<5000xi32, #tpu.memory_space<hbm>>
      %dma_start3A_15 = arith.constant 0 : i32
      %dma_start3A_16 = tpu.memref_slice %arg7[%dma_start3A_15] : memref<5008xi32, #tpu.memory_space<vmem>> -> memref<5000xi32, #tpu.memory_space<vmem>>
      %dma_start3A_17 = tpu.memref_slice %arg2[%mul3A_2] : memref<320000xi32, #tpu.memory_space<hbm>> -> memref<5000xi32, #tpu.memory_space<hbm>>
      tpu.enqueue_dma source(%dma_start3A_17 : memref<5000xi32, #tpu.memory_space<hbm>>) target(%dma_start3A_16 : memref<5000xi32, #tpu.memory_space<vmem>>) target_semaphore(%run_scoped3A : memref<!tpu.dma_semaphore, #tpu.memory_space<semaphore_mem>>)
      %dma_wait3A = arith.constant 0 : i32
      %dma_wait3A_18 = tpu.memref_slice %arg7[%dma_wait3A] : memref<5008xi32, #tpu.memory_space<vmem>> -> memref<5000xi32, #tpu.memory_space<vmem>>
      %dma_wait3A_19 = tpu.memref_slice %arg2[%mul3A_2] : memref<320000xi32, #tpu.memory_space<hbm>> -> memref<5000xi32, #tpu.memory_space<hbm>>
      %dma_wait3A_20 = arith.constant 0 : i32
      %dma_wait3A_21 = tpu.memref_slice %arg7[%dma_wait3A_20] : memref<5008xi32, #tpu.memory_space<vmem>> -> memref<5000xi32, #tpu.memory_space<vmem>>
      %dma_wait3A_22 = tpu.memref_slice %arg2[%mul3A_2] : memref<320000xi32, #tpu.memory_space<hbm>> -> memref<5000xi32, #tpu.memory_space<hbm>>
      tpu.wait_dma2 semaphore(%run_scoped3A : memref<!tpu.dma_semaphore, #tpu.memory_space<semaphore_mem>>) src(%dma_wait3A_22 : memref<5000xi32, #tpu.memory_space<hbm>>) dst(%dma_wait3A_21 : memref<5000xi32, #tpu.memory_space<vmem>>)
      tpu.yield
    }) : () -> ()
    %add3A_7 = arith.constant 160000 : i32
    %add3A_8 = arith.addi %add3A_7, %mul3A_2 : i32
    "tpu.region"() ({
      %run_scoped3A = tpu.sem_alloc : memref<!tpu.dma_semaphore, #tpu.memory_space<semaphore_mem>>
      %dma_start3A = arith.constant 0 : i32
      %dma_start3A_13 = tpu.memref_slice %arg8[%dma_start3A] : memref<5008xi32, #tpu.memory_space<vmem>> -> memref<5000xi32, #tpu.memory_space<vmem>>
      %dma_start3A_14 = tpu.memref_slice %arg2[%add3A_8] : memref<320000xi32, #tpu.memory_space<hbm>> -> memref<5000xi32, #tpu.memory_space<hbm>>
      %dma_start3A_15 = arith.constant 0 : i32
      %dma_start3A_16 = tpu.memref_slice %arg8[%dma_start3A_15] : memref<5008xi32, #tpu.memory_space<vmem>> -> memref<5000xi32, #tpu.memory_space<vmem>>
      %dma_start3A_17 = tpu.memref_slice %arg2[%add3A_8] : memref<320000xi32, #tpu.memory_space<hbm>> -> memref<5000xi32, #tpu.memory_space<hbm>>
      tpu.enqueue_dma source(%dma_start3A_17 : memref<5000xi32, #tpu.memory_space<hbm>>) target(%dma_start3A_16 : memref<5000xi32, #tpu.memory_space<vmem>>) target_semaphore(%run_scoped3A : memref<!tpu.dma_semaphore, #tpu.memory_space<semaphore_mem>>)
      %dma_wait3A = arith.constant 0 : i32
      %dma_wait3A_18 = tpu.memref_slice %arg8[%dma_wait3A] : memref<5008xi32, #tpu.memory_space<vmem>> -> memref<5000xi32, #tpu.memory_space<vmem>>
      %dma_wait3A_19 = tpu.memref_slice %arg2[%add3A_8] : memref<320000xi32, #tpu.memory_space<hbm>> -> memref<5000xi32, #tpu.memory_space<hbm>>
      %dma_wait3A_20 = arith.constant 0 : i32
      %dma_wait3A_21 = tpu.memref_slice %arg8[%dma_wait3A_20] : memref<5008xi32, #tpu.memory_space<vmem>> -> memref<5000xi32, #tpu.memory_space<vmem>>
      %dma_wait3A_22 = tpu.memref_slice %arg2[%add3A_8] : memref<320000xi32, #tpu.memory_space<hbm>> -> memref<5000xi32, #tpu.memory_space<hbm>>
      tpu.wait_dma2 semaphore(%run_scoped3A : memref<!tpu.dma_semaphore, #tpu.memory_space<semaphore_mem>>) src(%dma_wait3A_22 : memref<5000xi32, #tpu.memory_space<hbm>>) dst(%dma_wait3A_21 : memref<5000xi32, #tpu.memory_space<vmem>>)
      tpu.yield
    }) : () -> ()
    "tpu.region"() ({
      %run_scoped3A = tpu.sem_alloc : memref<!tpu.dma_semaphore, #tpu.memory_space<semaphore_mem>>
      %dma_start3A = arith.constant 0 : i32
      %dma_start3A_13 = tpu.memref_slice %arg9[%dma_start3A] : memref<5008xf32, #tpu.memory_space<vmem>> -> memref<5000xf32, #tpu.memory_space<vmem>>
      %dma_start3A_14 = tpu.memref_slice %arg3[%mul3A_2] : memref<320000xf32, #tpu.memory_space<hbm>> -> memref<5000xf32, #tpu.memory_space<hbm>>
      %dma_start3A_15 = arith.constant 0 : i32
      %dma_start3A_16 = tpu.memref_slice %arg9[%dma_start3A_15] : memref<5008xf32, #tpu.memory_space<vmem>> -> memref<5000xf32, #tpu.memory_space<vmem>>
      %dma_start3A_17 = tpu.memref_slice %arg3[%mul3A_2] : memref<320000xf32, #tpu.memory_space<hbm>> -> memref<5000xf32, #tpu.memory_space<hbm>>
      tpu.enqueue_dma source(%dma_start3A_17 : memref<5000xf32, #tpu.memory_space<hbm>>) target(%dma_start3A_16 : memref<5000xf32, #tpu.memory_space<vmem>>) target_semaphore(%run_scoped3A : memref<!tpu.dma_semaphore, #tpu.memory_space<semaphore_mem>>)
      %dma_wait3A = arith.constant 0 : i32
      %dma_wait3A_18 = tpu.memref_slice %arg9[%dma_wait3A] : memref<5008xf32, #tpu.memory_space<vmem>> -> memref<5000xf32, #tpu.memory_space<vmem>>
      %dma_wait3A_19 = tpu.memref_slice %arg3[%mul3A_2] : memref<320000xf32, #tpu.memory_space<hbm>> -> memref<5000xf32, #tpu.memory_space<hbm>>
      %dma_wait3A_20 = arith.constant 0 : i32
      %dma_wait3A_21 = tpu.memref_slice %arg9[%dma_wait3A_20] : memref<5008xf32, #tpu.memory_space<vmem>> -> memref<5000xf32, #tpu.memory_space<vmem>>
      %dma_wait3A_22 = tpu.memref_slice %arg3[%mul3A_2] : memref<320000xf32, #tpu.memory_space<hbm>> -> memref<5000xf32, #tpu.memory_space<hbm>>
      tpu.wait_dma2 semaphore(%run_scoped3A : memref<!tpu.dma_semaphore, #tpu.memory_space<semaphore_mem>>) src(%dma_wait3A_22 : memref<5000xf32, #tpu.memory_space<hbm>>) dst(%dma_wait3A_21 : memref<5000xf32, #tpu.memory_space<vmem>>)
      tpu.yield
    }) : () -> ()
    %add3A_9 = arith.constant 160000 : i32
    %add3A_10 = arith.addi %add3A_9, %mul3A_2 : i32
    "tpu.region"() ({
      %run_scoped3A = tpu.sem_alloc : memref<!tpu.dma_semaphore, #tpu.memory_space<semaphore_mem>>
      %dma_start3A = arith.constant 0 : i32
      %dma_start3A_13 = tpu.memref_slice %arg10[%dma_start3A] : memref<5008xf32, #tpu.memory_space<vmem>> -> memref<5000xf32, #tpu.memory_space<vmem>>
      %dma_start3A_14 = tpu.memref_slice %arg3[%add3A_10] : memref<320000xf32, #tpu.memory_space<hbm>> -> memref<5000xf32, #tpu.memory_space<hbm>>
      %dma_start3A_15 = arith.constant 0 : i32
      %dma_start3A_16 = tpu.memref_slice %arg10[%dma_start3A_15] : memref<5008xf32, #tpu.memory_space<vmem>> -> memref<5000xf32, #tpu.memory_space<vmem>>
      %dma_start3A_17 = tpu.memref_slice %arg3[%add3A_10] : memref<320000xf32, #tpu.memory_space<hbm>> -> memref<5000xf32, #tpu.memory_space<hbm>>
      tpu.enqueue_dma source(%dma_start3A_17 : memref<5000xf32, #tpu.memory_space<hbm>>) target(%dma_start3A_16 : memref<5000xf32, #tpu.memory_space<vmem>>) target_semaphore(%run_scoped3A : memref<!tpu.dma_semaphore, #tpu.memory_space<semaphore_mem>>)
      %dma_wait3A = arith.constant 0 : i32
      %dma_wait3A_18 = tpu.memref_slice %arg10[%dma_wait3A] : memref<5008xf32, #tpu.memory_space<vmem>> -> memref<5000xf32, #tpu.memory_space<vmem>>
      %dma_wait3A_19 = tpu.memref_slice %arg3[%add3A_10] : memref<320000xf32, #tpu.memory_space<hbm>> -> memref<5000xf32, #tpu.memory_space<hbm>>
      %dma_wait3A_20 = arith.constant 0 : i32
      %dma_wait3A_21 = tpu.memref_slice %arg10[%dma_wait3A_20] : memref<5008xf32, #tpu.memory_space<vmem>> -> memref<5000xf32, #tpu.memory_space<vmem>>
      %dma_wait3A_22 = tpu.memref_slice %arg3[%add3A_10] : memref<320000xf32, #tpu.memory_space<hbm>> -> memref<5000xf32, #tpu.memory_space<hbm>>
      tpu.wait_dma2 semaphore(%run_scoped3A : memref<!tpu.dma_semaphore, #tpu.memory_space<semaphore_mem>>) src(%dma_wait3A_22 : memref<5000xf32, #tpu.memory_space<hbm>>) dst(%dma_wait3A_21 : memref<5000xf32, #tpu.memory_space<vmem>>)
      tpu.yield
    }) : () -> ()
    %parallel_loop3A = arith.constant 0 : i32
    %parallel_loop3A_11 = arith.constant 5008 : i32
    %parallel_loop3A_12 = arith.constant 16 : i32
    scf.for %parallel_loop3A_13 = %parallel_loop3A to %parallel_loop3A_11 step %parallel_loop3A_12  : i32 {
      %parallel_loop3A_14 = arith.index_cast %parallel_loop3A_13 : i32 to index
      %parallel_loop3A_15 = tpu.vector_load %arg7[%parallel_loop3A_14] {strides = array<i32>} : memref<5008xi32, #tpu.memory_space<vmem>>, vector<16xi32>,
      %parallel_loop3A_16 = arith.constant 65535 : i32
      %parallel_loop3A_17 = vector.broadcast %parallel_loop3A_16 : i32 to vector<16xi32>
      %parallel_loop3A_18 = arith.andi %parallel_loop3A_15, %parallel_loop3A_17 : vector<16xi32>
      %parallel_loop3A_19 = arith.constant 16 : i32
      %parallel_loop3A_20 = vector.broadcast %parallel_loop3A_19 : i32 to vector<16xi32>
      %parallel_loop3A_21 = arith.shrsi %parallel_loop3A_15, %parallel_loop3A_20 : vector<16xi32>
      %parallel_loop3A_22 = tpu.vector_load_idx %arg6[%parallel_loop3A_18] : memref<10000xf32, #tpu.memory_space<vmem>>[vector<16xi32>], vector<16xf32>,
      %parallel_loop3A_23 = tpu.vector_load_idx %arg6[%parallel_loop3A_21] : memref<10000xf32, #tpu.memory_space<vmem>>[vector<16xi32>], vector<16xf32>,
      %parallel_loop3A_24 = arith.index_cast %parallel_loop3A_13 : i32 to index
      %parallel_loop3A_25 = tpu.vector_load %arg9[%parallel_loop3A_24] {strides = array<i32>} : memref<5008xf32, #tpu.memory_space<vmem>>, vector<16xf32>,
      %parallel_loop3A_26 = arith.mulf %parallel_loop3A_22, %parallel_loop3A_25 : vector<16xf32>
      %parallel_loop3A_27 = arith.constant 5.000000e-01 : f32
      %parallel_loop3A_28 = vector.broadcast %parallel_loop3A_27 : f32 to vector<16xf32>
      %parallel_loop3A_29 = arith.mulf %parallel_loop3A_23, %parallel_loop3A_28 : vector<16xf32>
      %parallel_loop3A_30 = arith.mulf %parallel_loop3A_26, %parallel_loop3A_29 : vector<16xf32>
      %parallel_loop3A_31 = arith.index_cast %parallel_loop3A_13 : i32 to index
      %parallel_loop3A_32 = tpu.vector_load %arg8[%parallel_loop3A_31] {strides = array<i32>} : memref<5008xi32, #tpu.memory_space<vmem>>, vector<16xi32>,
      %parallel_loop3A_33 = arith.constant 65535 : i32
      %parallel_loop3A_34 = vector.broadcast %parallel_loop3A_33 : i32 to vector<16xi32>
      %parallel_loop3A_35 = arith.andi %parallel_loop3A_32, %parallel_loop3A_34 : vector<16xi32>
      %parallel_loop3A_36 = arith.constant 16 : i32
      %parallel_loop3A_37 = vector.broadcast %parallel_loop3A_36 : i32 to vector<16xi32>
      %parallel_loop3A_38 = arith.shrsi %parallel_loop3A_32, %parallel_loop3A_37 : vector<16xi32>
      %parallel_loop3A_39 = tpu.vector_load_idx %arg6[%parallel_loop3A_35] : memref<10000xf32, #tpu.memory_space<vmem>>[vector<16xi32>], vector<16xf32>,
      %parallel_loop3A_40 = tpu.vector_load_idx %arg6[%parallel_loop3A_38] : memref<10000xf32, #tpu.memory_space<vmem>>[vector<16xi32>], vector<16xf32>,
      %parallel_loop3A_41 = arith.index_cast %parallel_loop3A_13 : i32 to index
      %parallel_loop3A_42 = tpu.vector_load %arg10[%parallel_loop3A_41] {strides = array<i32>} : memref<5008xf32, #tpu.memory_space<vmem>>, vector<16xf32>,
      %parallel_loop3A_43 = arith.mulf %parallel_loop3A_39, %parallel_loop3A_42 : vector<16xf32>
      %parallel_loop3A_44 = arith.constant 5.000000e-01 : f32
      %parallel_loop3A_45 = vector.broadcast %parallel_loop3A_44 : f32 to vector<16xf32>
      %parallel_loop3A_46 = arith.mulf %parallel_loop3A_40, %parallel_loop3A_45 : vector<16xf32>
      %parallel_loop3A_47 = arith.mulf %parallel_loop3A_43, %parallel_loop3A_46 : vector<16xf32>
      %parallel_loop3A_48 = tpu.pack_subelements %parallel_loop3A_30, %parallel_loop3A_47 {pack_format = #tpu.pack_format<interleaved>, positions = array<i32: 0, 1>} : vector<16xf32>, vector<16xf32> -> vector<32xbf16>
      %parallel_loop3A_49 = vector.bitcast %parallel_loop3A_48 : vector<32xbf16> to vector<16xf32>
      %parallel_loop3A_50 = arith.index_cast %parallel_loop3A_13 : i32 to index
      %parallel_loop3A_51 = tpu.vector_load %arg11[%parallel_loop3A_50] {strides = array<i32>} : memref<5008xf32, #tpu.memory_space<vmem>>, vector<16xf32>,
      tpu.vector_store %arg11[%parallel_loop3A_50], %parallel_loop3A_49 {strides = array<i32>} : memref<5008xf32, #tpu.memory_space<vmem>>, vector<16xf32>,
    } {sc.loop_unroll_factor = 2 : i64, sc.parallel_access}
    "tpu.region"() ({
      %run_scoped3A = tpu.sem_alloc : memref<!tpu.dma_semaphore, #tpu.memory_space<semaphore_mem>>
      %dma_start3A = arith.constant 0 : i32
      %dma_start3A_13 = tpu.memref_slice %arg11[%dma_start3A] : memref<5008xf32, #tpu.memory_space<vmem>> -> memref<5000xf32, #tpu.memory_space<vmem>>
      %dma_start3A_14 = tpu.memref_slice %arg5[%mul3A_2] : memref<160000xf32, #tpu.memory_space<hbm>> -> memref<5000xf32, #tpu.memory_space<hbm>>
      %dma_start3A_15 = tpu.memref_slice %arg5[%mul3A_2] : memref<160000xf32, #tpu.memory_space<hbm>> -> memref<5000xf32, #tpu.memory_space<hbm>>
      %dma_start3A_16 = arith.constant 0 : i32
      %dma_start3A_17 = tpu.memref_slice %arg11[%dma_start3A_16] : memref<5008xf32, #tpu.memory_space<vmem>> -> memref<5000xf32, #tpu.memory_space<vmem>>
      tpu.enqueue_dma source(%dma_start3A_17 : memref<5000xf32, #tpu.memory_space<vmem>>) target(%dma_start3A_15 : memref<5000xf32, #tpu.memory_space<hbm>>) target_semaphore(%run_scoped3A : memref<!tpu.dma_semaphore, #tpu.memory_space<semaphore_mem>>)
      %dma_wait3A = arith.constant 0 : i32
      %dma_wait3A_18 = tpu.memref_slice %arg11[%dma_wait3A] : memref<5008xf32, #tpu.memory_space<vmem>> -> memref<5000xf32, #tpu.memory_space<vmem>>
      %dma_wait3A_19 = tpu.memref_slice %arg5[%mul3A_2] : memref<160000xf32, #tpu.memory_space<hbm>> -> memref<5000xf32, #tpu.memory_space<hbm>>
      %dma_wait3A_20 = tpu.memref_slice %arg5[%mul3A_2] : memref<160000xf32, #tpu.memory_space<hbm>> -> memref<5000xf32, #tpu.memory_space<hbm>>
      %dma_wait3A_21 = arith.constant 0 : i32
      %dma_wait3A_22 = tpu.memref_slice %arg11[%dma_wait3A_21] : memref<5008xf32, #tpu.memory_space<vmem>> -> memref<5000xf32, #tpu.memory_space<vmem>>
      tpu.wait_dma2 semaphore(%run_scoped3A : memref<!tpu.dma_semaphore, #tpu.memory_space<semaphore_mem>>) src(%dma_wait3A_22 : memref<5000xf32, #tpu.memory_space<vmem>>) dst(%dma_wait3A_20 : memref<5000xf32, #tpu.memory_space<hbm>>)
      tpu.yield
    }) : () -> ()
    return
  }
}

module attributes {stable_mosaic.version = 14 : i64} {
  func.func @body(%arg0: memref<32x10000xf32, #tpu.memory_space<vmem>>, %arg1: memref<1x10000xf32, #tpu.memory_space<vmem>>) attributes {dimension_semantics = [], scalar_prefetch = 0 : i64, scratch_operands = 0 : i64, tpu.core_type = #tpu.core_type<tc>} {
    %get3A = arith.constant 0 : index
    %get3A_0 = arith.constant 0 : index
    %get3A_1 = vector.load %arg0[%get3A, %get3A_0] : memref<32x10000xf32, #tpu.memory_space<vmem>>, vector<32x10000xf32>
    %reduce_sum3A = arith.constant dense<0.000000e+00> : vector<10000xf32>
    %reduce_sum3A_2 = vector.multi_reduction <add>, %get3A_1, %reduce_sum3A [0] : vector<32x10000xf32> to vector<10000xf32>
    %gt3A = arith.constant 0.000000e+00 : f32
    %gt3A_3 = vector.broadcast %gt3A : f32 to vector<10000xf32>
    %gt3A_4 = arith.cmpf ogt, %reduce_sum3A_2, %gt3A_3 : vector<10000xf32>
    %rsqrt3A = math.rsqrt %reduce_sum3A_2 : vector<10000xf32>
    %jit3A = arith.constant 0.000000e+00 : f32
    %broadcast_in_dim3A = vector.broadcast %jit3A : f32 to vector<10000xf32>
    %select_n3A = arith.select %gt3A_4, %rsqrt3A, %broadcast_in_dim3A : vector<10000xi1>, vector<10000xf32>
    %reshape3A = vector.shape_cast %select_n3A : vector<10000xf32> to vector<1x10000xf32>
    %swap3A = arith.constant 0 : index
    %swap3A_5 = arith.constant 0 : index
    %swap3A_6 = vector.load %arg1[%swap3A, %swap3A_5] : memref<1x10000xf32, #tpu.memory_space<vmem>>, vector<1x10000xf32>
    tpu.vector_store %arg1[%swap3A, %swap3A_5], %reshape3A {strides = array<i32>} : memref<1x10000xf32, #tpu.memory_space<vmem>>, vector<1x10000xf32>,
    return
  }
}

module attributes {stable_mosaic.version = 14 : i64} {
  func.func @body(%arg0: memref<10000x128xf32, #tpu.memory_space<vmem>>, %arg1: memref<128x128xf32, #tpu.memory_space<vmem>>, %arg2: memref<128x10000xf32, #tpu.memory_space<vmem>>) attributes {dimension_semantics = [], scalar_prefetch = 0 : i64, scratch_operands = 0 : i64, tpu.core_type = #tpu.core_type<tc>} {
    %get3A = arith.constant 0 : index
    %get3A_0 = arith.constant 0 : index
    %get3A_1 = vector.load %arg0[%get3A, %get3A_0] : memref<10000x128xf32, #tpu.memory_space<vmem>>, vector<10000x128xf32>
    %get3A_2 = arith.constant 0 : index
    %get3A_3 = arith.constant 0 : index
    %get3A_4 = vector.load %arg1[%get3A_2, %get3A_3] : memref<128x128xf32, #tpu.memory_space<vmem>>, vector<128x128xf32>
    %dot_general3A = arith.constant dense<0.000000e+00> : vector<10000x128xf32>
    %dot_general3A_5 = tpu.matmul %get3A_1, %get3A_4, %dot_general3A {dimension_numbers = #tpu.dot_dimension_numbers<[1], [0], [0], [1], [0, 0, 1, 1], [], []>, transpose_lhs_hint = false} : vector<10000x128xf32>, vector<128x128xf32>, vector<10000x128xf32> -> vector<10000x128xf32>
    %transpose3A = tpu.transpose %dot_general3A_5, [1, 0] : vector<10000x128xf32> -> vector<128x10000xf32>
    %swap3A = arith.constant 0 : index
    %swap3A_6 = arith.constant 0 : index
    %swap3A_7 = vector.load %arg2[%swap3A, %swap3A_6] : memref<128x10000xf32, #tpu.memory_space<vmem>>, vector<128x10000xf32>
    tpu.vector_store %arg2[%swap3A, %swap3A_6], %transpose3A {strides = array<i32>} : memref<128x10000xf32, #tpu.memory_space<vmem>>, vector<128x10000xf32>,
    return
  }
}

</mosaic_0001>

<sc_bundles>
// kernel: kernel.10.cloned.1.call-start
scs
__scs_entry_jumppad:
0x0: {  	(pc) =	sbr.rel $0x88, $3  }
0x1: {  	(tag) =	ssettag $0x0;
	lr =	simm.s32 $0x1  }
0x2: {  	[smem:$0x3F9D] =	sst lr;
	_ =	strace $0xD0000000  }
0x3: {  	_ = 	snop  }
0x4: {  	_ = 	snop  }
0x5: {  	_ = 	snop  }
0x6: {  	_ = 	snop  }
0x7: {  	_ = 	snop  }
__scs_overlays_trampoline_lowered:
0x8: {  	[smem:$0x3FAC] =	sst s0  }
0x9: {  	[smem:$0x3FAD] =	sst s1  }
0xa: {  	[smem:$0x3FAE] =	sst s2  }
0xb: {  	[smem:$0x3FAF] =	sst s3  }
0xc: {  	[smem:$0x3FB0] =	sst s4  }
0xd: {  	[smem:$0x3FB1] =	sst s5  }
0xe: {  	[smem:$0x3FB2] =	sst s6  }
0xf: {  	[smem:$0x3FB3] =	sst s7  }
0x10: {  	[smem:$0x3FB4] =	sst s8  }
0x11: {  	[smem:$0x3FB5] =	sst s9;
	s0 =	simm.s32 @!p0 $0x0  }
0x12: {  	s1 =	sld [smem:$0x3F9B];
	s0 =	simm.s32 @p0 $0x1  }
0x13: {  	[smem:$0x3FB6] =	sst s0;
	s0 =	simm.s32 @!p1 $0x0  }
0x14: {  	s2 =	sld [smem:$0x3F9A];
	s0 =	simm.s32 @p1 $0x1  }
0x15: {  	[smem:$0x3FB7] =	sst s0;
	s0 =	simm.s32 @!p2 $0x0  }
0x16: {  	s3 =	sld [smem:$0x3FDB];
	s0 =	simm.s32 @p2 $0x1  }
0x17: {  	s4 =	simm.s32 $0x1BF5;
	[smem:$0x3FB9] =	sst s0  }
0x18: {  	s0 =	sld [smem:$0x3F9C];
	_ =	swait.ge [sflag:s4], $0x0  }
0x19: {  	s7 =	sld [smem:$0x3F9D]  }
0x1a: {  	s8 =	sadd.s32 $0xFFFFE003, lr  }
0x1b: {  	s9 =	sadd.s32 $0xFFFFFEF7, lr;
	s5 =	simm.s32 $0xFFFFFFFF;
	p2 =	slt.u32 s8, $0xFFFFF086  }
0x1c: {  	p1 =	slt.u32 s9, $0xF7A;
	s5 =	simm.s32 @!p2 $0x0  }
0x1d: {  	s5 =	simm.s32 @p1 $0x1;
	p0 =	seq.s32 s7, s2  }
0x1e: {  	s7 =	smul.u32 @!p0 $0xF7A, s2;
	p2 =	seq.s32 @!p0 s5, $0x0  }
0x1f: {  	s9 =	smul.u32 $0xF7A, s1;
	s8 =	simm.s32 @!p0 $0x1BF5;
	p2 =	por !p2, p0  }
0x20: {  	[sflag:s8] =	ssyncset.s32 @!p0 $0xFFFFF086;
	s6 =	sadd.s32 @!p0 s3, s7;
	s7 =	simm.s32 @!p0 $0x108  }
0x21: {  	s3 =	sadd.s32 s3, s9;
	s6 =	sadd.s32 @!p0 $0x88, s6;
	s7 =	simm.s32 @p2 $0x1082  }
0x22: {  	[simem:s7], [sflag:s8] =	dma.local @!p0 [hbm:s6], $0xF7A  }
0x23: {  	s9 =	sor.u32 $0xD0000000, s2;
	s6 =	simm.s32 $0x108;
	_ =	swait.ge @!p0 [sflag:s8], $0x0  }
0x24: {  	s3 =	sadd.s32 $0x88, s3;
	s6 =	simm.s32 @!p1 $0x1082;
	[sflag:s4] =	ssyncset.s32 $0xFFFFF086  }
0x25: {  	[simem:s6], [sflag:s4] =	dma.local [hbm:s3], $0xF7A  }
0x26: {  	[smem:$0x3F9D] =	sst s1;
	(tag) =	ssettag s2;
	_ =	strace s9  }
0x27: {  	s1 =	sld [smem:$0x3FAD]  }
0x28: {  	s2 =	sld [smem:$0x3FAE]  }
0x29: {  	s4 =	sld [smem:$0x3FB0]  }
0x2a: {  	p0 =	seq.s32 s5, $0x0;
	s5 =	sld [smem:$0x3FB1]  }
0x2b: {  	s6 =	sld [smem:$0x3FB2]  }
0x2c: {  	s7 =	sld [smem:$0x3FB3]  }
0x2d: {  	s3 =	simm.s32 $0x108;
	s8 =	sld [smem:$0x3FB4]  }
0x2e: {  	s3 =	simm.s32 @!p0 $0x1082;
	s9 =	sld [smem:$0x3FB5]  }
0x2f: {  	lr =	sadd.s32 s0, s3;
	s0 =	sld [smem:$0x3FAC]  }
0x30: {  	s3 =	sld [smem:$0x3FAF]  }
0x31: {  	[smem:$0x3FB8] =	sst s10  }
0x32: {  	s10 =	sld [smem:$0x3FB6];
	_ =	sdelay $0x3  }
0x33: {  	p0 =	seq.s32 s10, $0x1;
	s10 =	sld [smem:$0x3FB8];
	_ =	sdelay $0x3  }
0x34: {  	[smem:$0x3FB8] =	sst s10  }
0x35: {  	s10 =	sld [smem:$0x3FB7];
	_ =	sdelay $0x3  }
0x36: {  	p1 =	seq.s32 s10, $0x1;
	s10 =	sld [smem:$0x3FB8];
	_ =	sdelay $0x3  }
0x37: {  	[smem:$0x3FB8] =	sst s10  }
0x38: {  	s10 =	sld [smem:$0x3FB9]  }
0x39: {  	_ = 	snop;
	(pc) =	sbr.ind lr, $3  }
0x3a: {  	_ = 	snop  }
0x3b: {  	_ = 	snop  }
0x3c: {  	p2 =	seq.s32 s10, $0x1;
	s10 =	sld [smem:$0x3FB8]  }
0x3d: {  	_ =	shalt  }
0x3e: {  	_ =	shalt  }
0x3f: {  	_ =	shalt  }
0x40: {  	_ =	shalt  }
0x41: {  	_ =	shalt  }
0x42: {  	_ =	shalt  }
0x43: {  	_ =	shalt  }
0x44: {  	_ =	shalt  }
0x45: {  	_ =	shalt  }
0x46: {  	_ =	shalt  }
0x47: {  	_ =	shalt  }
0x48: {  	_ =	shalt  }
0x49: {  	_ =	shalt  }
0x4a: {  	_ =	shalt  }
0x4b: {  	_ =	shalt  }
0x4c: {  	_ =	shalt  }
0x4d: {  	_ =	shalt  }
0x4e: {  	_ =	shalt  }
0x4f: {  	_ =	shalt  }
0x50: {  	_ =	shalt  }
0x51: {  	_ =	shalt  }
0x52: {  	_ =	shalt  }
0x53: {  	_ =	shalt  }
0x54: {  	_ =	shalt  }
0x55: {  	_ =	shalt  }
0x56: {  	_ =	shalt  }
0x57: {  	_ =	shalt  }
0x58: {  	_ =	shalt  }
0x59: {  	_ =	shalt  }
0x5a: {  	_ =	shalt  }
0x5b: {  	_ =	shalt  }
0x5c: {  	_ =	shalt  }
0x5d: {  	_ =	shalt  }
0x5e: {  	_ =	shalt  }
0x5f: {  	_ =	shalt  }
0x60: {  	_ =	shalt  }
0x61: {  	_ =	shalt  }
0x62: {  	_ =	shalt  }
0x63: {  	_ =	shalt  }
0x64: {  	_ =	shalt  }
0x65: {  	_ =	shalt  }
0x66: {  	_ =	shalt  }
0x67: {  	_ =	shalt  }
0x68: {  	_ =	shalt  }
0x69: {  	_ =	shalt  }
0x6a: {  	_ =	shalt  }
0x6b: {  	_ =	shalt  }
0x6c: {  	_ =	shalt  }
0x6d: {  	_ =	shalt  }
0x6e: {  	_ =	shalt  }
0x6f: {  	_ =	shalt  }
0x70: {  	_ =	shalt  }
0x71: {  	_ =	shalt  }
0x72: {  	_ =	shalt  }
0x73: {  	_ =	shalt  }
0x74: {  	_ =	shalt  }
0x75: {  	_ =	shalt  }
0x76: {  	_ =	shalt  }
0x77: {  	_ =	shalt  }
0x78: {  	_ =	shalt  }
0x79: {  	_ =	shalt  }
0x7a: {  	_ =	shalt  }
0x7b: {  	_ =	shalt  }
0x7c: {  	_ =	shalt  }
0x7d: {  	_ =	shalt  }
0x7e: {  	_ =	shalt  }
0x7f: {  	_ =	shalt  }
0x80: {  	_ =	shalt  }
0x81: {  	_ =	shalt  }
0x82: {  	_ =	shalt  }
0x83: {  	_ =	shalt  }
0x84: {  	_ =	shalt  }
0x85: {  	_ =	shalt  }
0x86: {  	_ =	shalt  }
0x87: {  	_ =	shalt  }
.Lfunc_end0:
.L_simem_size_0:
called_computation.1_lowered:
.L_overlay_start_0:
0x88: {  	s2 =	sld [smem:$0x3FD9]  }
0x89: {  	s3 =	sld [smem:$0x3FFE];
	_ =	sdelay $0x1  }
0x8a: {  	s1 =	srdreg.scid  }
0x8b: {  	s0 =	sand.u32 $0x1, s1  }
0x8c: {  	s17 =	sshll.u32 s0, $0xA;
	s2 =	sadd.s32 s3, s2  }
0x8d: {  	s2 =	sadd.s32 s2, s17  }
0x8e: {  	[smem:$0x3FC4] =	sst s2  }
0x8f: {  	_ = 	snop  }
0x90: {  	s2 =	sld [smem:$0x3FC7];
	(tm) =	ssettm $0x1  }
0x91: {  	s18 =	sld [smem:$0x3FFB];
	_ =	sdelay $0x3  }
0x92: {  	_ =	strace s18  }
0x93: {  	s3 =	sld [smem:$0x3FFC];
	_ =	sdelay $0x3  }
0x94: {  	_ =	strace s3  }
0x95: {  	s3 =	sld [smem:$0x3FFD];
	_ =	sdelay $0x3  }
0x96: {  	_ =	strace s3  }
0x97: {  	_ =	strace $0x8FFFFFFF  }
0x98: {  	s19 =	sld [smem:$0x3FDB];
	_ =	sdelay $0x1  }
0x99: {  	s4 =	simm.s32 $_scs_section_size  }
0x9a: {  	s5 =	simm.s32 $_size__tile_overlayer_lowered;
	s6 =	simm.s32 $_tile_overlayer_lowered  }
0x9b: {  	s22 =	simm.s32 $0x1BFF;
	s21 =	sshll.u32 s6, $0x1;
	s3 =	sadd.s32 s4, s19  }
0x9c: {  	s7 =	simm.s32 $0x0;
	s20 =	sshll.u32 s5, $0x1;
	s5 =	sadd.s32 s21, s3  }
0x9d: {  	[timem:s7], [sflag:s22] =	dma.local [hbm:s5], s20  }
0x9e: {  	_ =	swait.ge [sflag:s22], s20  }
0x9f: {  	s4 =	ssub.s32 $0x0, s20;
	[sflag:s22] =	ssyncset.done $0x0  }
0xa0: {  	[sflag:s22] =	ssyncadd.s32 s4;
	_ =	sdelay $0x1  }
0xa1: {  	s23 =	simm.s32 $0x1B8B  }
0xa2: {  	_ =	swait.ge [sflag:s23], $0x1  }
0xa3: {  	[sflag:s23] =	ssyncset.done $0x0  }
0xa4: {  	s25 =	simm.s32 $0x1B8E;
	s24 =	sld [smem:$0x3FFE];
	[sflag:s23] =	ssyncadd.s32 $0xFFFFFFFF  }
0xa5: {  	s26 =	simm.s32 $execute0_lowered;
	[smem:$0x3FD2] =	sst s25  }
0xa6: {  	s5 =	sshll.u32 s26, $0x1;
	_ =	strace $0x80000049;
	[dreg:$0x1] =	wrdreg $0xFFFFFFFF  }
0xa7: {  	s28 =	simm.s32 $_size_execute0_lowered;
	s3 =	sadd.s32 s3, s5;
	[dreg:$0x0] =	wrdreg $0x0  }
0xa8: {  	s5 =	sshll.u32 s28, $0x1;
	[dreg:$0x2] =	wrdreg s3  }
0xa9: {  	[dreg:$0x3] =	wrdreg s5  }
0xaa: {  	[dreg:$0x4] =	wrdreg $0xC0  }
0xab: {  	_ =	task [dreg:s7], $0x5FFFF  }
0xac: {  	[dreg:$0x1] =	wrdreg $0xFFFFFFFF  }
0xad: {  	[dreg:$0x0] =	wrdreg $0x60  }
0xae: {  	[dreg:$0x2] =	wrdreg s24  }
0xaf: {  	[dreg:$0x3] =	wrdreg s2  }
0xb0: {  	[dreg:$0x4] =	wrdreg $0x9  }
0xb1: {  	_ =	task.clear_ibuf [dreg:s7], $0x5FFFF;
	_ =	strace $0x90000049  }
0xb2: {  	s29 =	simm.s32 $0x9;
	_ =	strace $0x8000004B  }
0xb3: {  	_ =	swait.ge [sflag:s29], $0x1  }
0xb4: {  	[sflag:s29] =	ssyncadd.s32 $0xFFFFFFFF  }
0xb5: {  	_ =	strace $0x9000004B  }
0xb6: {  	_ =	sfence  }
0xb7: {  	s30 =	sld [smem:$0x0];
	_ =	sdelay $0x2  }
0xb8: {  	s31 =	sshll.u32 s1, $0xD;
	s1 =	sshrl.u32 s1, $0x2  }
0xb9: {  	s3 =	sand.u32 $0x4000, s31;
	s1 =	sadd.s32 s1, s30  }
0xba: {  	s0 =	sor.u32 s3, s0;
	s1 =	sshll.u32 s1, $0x11  }
0xbb: {  	s0 =	sor.u32 s1, s0  }
0xbc: {  	s0 =	sadd.s32 $0x8F2B, s0  }
0xbd: {  	[sflag:s0] =	ssyncadd.remote.s32 $0x1  }
0xbe: {  	_ =	sfence.sel $0xFFFF  }
0xbf: {  	[dreg:$0x0] =	wrdreg $0xFFFFFFFF;
	(pc) =	sbr.abs _section_cstart, $3  }
0xc0: {  	[dreg:$0x1] =	wrdreg $0xFFFFFFFF  }
0xc1: {  	_ =	task.clear_ibuf [dreg:s7], $0x2FFFF;
	_ =	strace $0x9FFFFFFF  }
0xc2: {  	(tm) =	ssettm $0x7FFFFFFF  }
0xc3: {  	_ =	shalt  }
tec
execute0_lowered:
.L_overlay_start_1:
0x0: {  	(tag) =	ssettag $0x1  }
0x1: {  	s4 =	rddreg [dreg:$0x0]  }
0x2: {  	s1 =	srdreg.scid;
	s0 =	stileid.u32  }
0x3: {  	s7 =	rddreg [dreg:$0x1];
	s2 =	simm.s32 $0x0;
	s12 =	simm.s32 $0x3B80  }
0x4: {  	s13 =	simm.s32 $0x4F80;
	s3 =	sand.u32 $0x1, s1;
	s5 =	sshll.u32 s0, $0x1  }
0x5: {  	s14 =	simm.s32 $0x6380;
	s15 =	simm.s32 $0x7780;
	s5 =	sor.u32 s3, s5  }
0x6: {  	s16 =	simm.s32 $0x0;
	s1 =	rddreg [dreg:$0x2];
	s5 =	smul.u32 $0x1388, s5  }
0x7: {  	[smem:$0x7FF] =	sst s2;
	s6 =	sadd.s32 $0x14800, s4;
	s30 =	ssub.s32 $0x2, s3  }
0x8: {  	_ =	strace $0x8000004A;
	s31 =	sshrl.u32 s30, $0x1;
	s8 =	sshrl.u32 s5, $0x3  }
0x9: {  	s3 =	sadd.s32 $0xC00, s4;
	s10 =	ssub.s32 s30, s31;
	s11 =	sadd.s32 $0x4E20, s8  }
0xa: {  	s9 =	sadd.s32 s8, s4;
	s4 =	sadd.s32 s6, s8;
	s5 =	sadd.s32 s6, s11  }
0xb: {  	s6 =	sadd.s32 s7, s8;
	s7 =	sadd.s32 s7, s11;
	s8 =	sadd.s32 $0x1200, s9  }
0xc: {  	v0 =	vimm.s32 $0x0;
	s9 =	smax.u32 s10, $0x1;
	s10 =	simm.s32 $0x1;
	s11 =	simm.s32 $0x2780  }
.LBB2_1:
0xd: {  	[tilespmem:s2], [sflag:$0x1] =	stream.linear.gather [hbm4b:s3+s2], $0x2780, $0x38;
	[tilespmem:$0x8B80] =	vst v63  }
0xe: {  	_ =	swait.ge [sflag:s10], $0x2780  }
0xf: {  	[sflag:s10] =	ssyncset.done $0x0  }
0x10: {  	[sflag:s10] =	ssyncadd.s32 $0xFFFFD880  }
0x11: {  	[tilespmem:$0x3B00] =	vst v0  }
0x12: {  	[tilespmem:$0x4F00] =	vst v0  }
0x13: {  	[tilespmem:s11], [sflag:$0x1] =	stream.linear.gather [hbm4b:s4+s2], $0x1388, $0x38;
	[tilespmem:$0x8B80] =	vst v63  }
0x14: {  	_ =	swait.ge [sflag:s10], $0x1388  }
0x15: {  	[sflag:s10] =	ssyncset.done $0x0  }
0x16: {  	[sflag:s10] =	ssyncadd.s32 $0xFFFFEC78  }
0x17: {  	[tilespmem:s12], [sflag:$0x1] =	stream.linear.gather [hbm4b:s5+s2], $0x1388, $0x38;
	[tilespmem:$0x8B80] =	vst v63  }
0x18: {  	_ =	swait.ge [sflag:s10], $0x1388  }
0x19: {  	[sflag:s10] =	ssyncset.done $0x0  }
0x1a: {  	[sflag:s10] =	ssyncadd.s32 $0xFFFFEC78  }
0x1b: {  	[tilespmem:s13], [sflag:$0x1] =	stream.linear.gather [hbm4b:s6+s2], $0x1388, $0x38;
	[tilespmem:$0x8B80] =	vst v63  }
0x1c: {  	_ =	swait.ge [sflag:s10], $0x1388  }
0x1d: {  	[sflag:s10] =	ssyncset.done $0x0  }
0x1e: {  	[sflag:s10] =	ssyncadd.s32 $0xFFFFEC78  }
0x1f: {  	[tilespmem:s14], [sflag:$0x1] =	stream.linear.gather [hbm4b:s7+s2], $0x1388, $0x38;
	[tilespmem:$0x8B80] =	vst v63  }
0x20: {  	_ =	swait.ge [sflag:s10], $0x1388  }
0x21: {  	[sflag:s10] =	ssyncset.done $0x0  }
0x22: {  	s17 =	simm.s32 $0x2790;
	[sflag:s10] =	ssyncadd.s32 $0xFFFFEC78  }
0x23: {  	s18 =	simm.s32 $0x3B90;
	v1 =	vld [tilespmem:s17+$0x0]  }
0x24: {  	v2 =	vld [tilespmem:s18+$0x0]  }
0x25: {  	v3 =	vld [tilespmem:s17+$0xFFFFFFF0]  }
0x26: {  	s19 =	simm.s32 $0x4F90;
	v6 =	vld [tilespmem:s18+$0xFFFFFFF0]  }
0x27: {  	s30 =	simm.s32 $0x6390;
	v7 =	vld [tilespmem:s19+$0x0]  }
0x28: {  	s31 =	simm.s32 $0x27B0;
	v9 =	vld [tilespmem:s30+$0x0]  }
0x29: {  	v11 =	vld [tilespmem:s31+$0x0]  }
0x2a: {  	v12 =	vld [tilespmem:s31+$0xFFFFFFF0];
	v4 =	vand.u32 $0xFFFF, v1  }
0x2b: {  	v17 =	vld [tilespmem:s19+$0xFFFFFFF0];
	v1 =	vshra.s32 v1, $0x10  }
0x2c: {  	s17 =	simm.s32 $0x3BB0;
	v18 =	vld [tilespmem:s30+$0xFFFFFFF0];
	v5 =	vand.u32 $0xFFFF, v2  }
0x2d: {  	v13 =	vld [tilespmem:s17+$0x0];
	v2 =	vshra.s32 v2, $0x10  }
0x2e: {  	v14 =	vld [tilespmem:s17+$0xFFFFFFF0];
	v8 =	vand.u32 $0xFFFF, v3  }
0x2f: {  	v3 =	vshra.s32 v3, $0x10;
	v4 =	vld.idx.msk [tilespmem:v4+s2+$0x0], $0xffff  }
0x30: {  	v10 =	vand.u32 $0xFFFF, v6;
	v1 =	vld.idx.msk [tilespmem:v1+s2+$0x0], $0xffff  }
0x31: {  	v6 =	vshra.s32 v6, $0x10;
	v5 =	vld.idx.msk [tilespmem:v5+s2+$0x0], $0xffff  }
0x32: {  	v2 =	vld.idx.msk [tilespmem:v2+s2+$0x0], $0xffff  }
0x33: {  	v15 =	vand.u32 $0xFFFF, v11;
	v8 =	vld.idx.msk [tilespmem:v8+s2+$0x0], $0xffff  }
0x34: {  	v11 =	vshra.s32 v11, $0x10;
	v3 =	vld.idx.msk [tilespmem:v3+s2+$0x0], $0xffff  }
0x35: {  	v16 =	vand.u32 $0xFFFF, v13;
	v10 =	vld.idx.msk [tilespmem:v10+s2+$0x0], $0xffff  }
0x36: {  	s19 =	simm.s32 $0x4FB0;
	v13 =	vshra.s32 v13, $0x10;
	v6 =	vld.idx.msk [tilespmem:v6+s2+$0x0], $0xffff  }
0x37: {  	v7 =	vmul.f32 v7, v4;
	v1 =	vmul.f32 $5.000000000e-01, v1;
	v4 =	vld [tilespmem:s19+$0x0]  }
0x38: {  	v19 =	vand.u32 $0xFFFF, v12;
	v9 =	vmul.f32 v9, v5;
	v2 =	vmul.f32 $5.000000000e-01, v2;
	v5 =	vld.idx.msk [tilespmem:v15+s2+$0x0], $0xffff  }
0x39: {  	v3 =	vmul.f32 $5.000000000e-01, v3;
	v15 =	vmul.f32 v7, v1;
	v7 =	vld.idx.msk [tilespmem:v11+s2+$0x0], $0xffff  }
0x3a: {  	v2 =	vmul.f32 v9, v2;
	v11 =	vmul.f32 v17, v8;
	v8 =	vld.idx.msk [tilespmem:v16+s2+$0x0], $0xffff  }
0x3b: {  	s20 =	simm.s32 $0x63B0;
	v63 =	vmul.f32 $5.000000000e-01, v6;
	v9 =	vld.idx.msk [tilespmem:v13+s2+$0x0], $0xffff;
	v13 =	vmul.f32 v18, v10  }
0x3c: {  	s18 =	simm.s32 $0x7790;
	v6 =	vand.u32 $0xFFFF, v14;
	v1 =	vshra.s32 v12, $0x10;
	v10 =	vld [tilespmem:s20+$0x0];
	v12 =	vpack.i.f32.bf16 v2, v15  }
0x3d: {  	s21 =	simm.s32 $0x20;
	s22 =	simm.s32 $0x27D0;
	v2 =	vshra.s32 v14, $0x10;
	v11 =	vmul.f32 v11, v3;
	v3 =	vld.idx.msk [tilespmem:v19+s2+$0x0], $0xffff;
	[tilespmem:s18+$0x0] =	vst v12;
	v12 =	vmul.f32 v13, v63  }
.LBB2_2:
0x3e: {  	v13 =	vld [tilespmem:s22+$0x0]  }
0x3f: {  	s17 =	sadd.s32 $0x20, s17;
	v14 =	vld [tilespmem:s22+$0xFFFFFFF0];
	v11 =	vpack.i.f32.bf16 v12, v11  }
0x40: {  	v4 =	vmul.f32 v4, v5;
	v5 =	vmul.f32 $5.000000000e-01, v7;
	v12 =	vld [tilespmem:s17+$0x0];
	[tilespmem:s18+$0xFFFFFFF0] =	vst v11  }
0x41: {  	s21 =	sadd.s32 $0x20, s21;
	v9 =	vmul.f32 $5.000000000e-01, v9;
	v7 =	vld [tilespmem:s17+$0xFFFFFFF0];
	v8 =	vmul.f32 v10, v8  }
0x42: {  	p0 =	slt.u32 s21, $0x1360;
	v10 =	vld.idx.msk [tilespmem:v1+s2+$0x0], $0xffff  }
0x43: {  	v4 =	vmul.f32 v4, v5;
	v11 =	vand.u32 $0xFFFF, v13;
	v15 =	vld.idx.msk [tilespmem:v6+s2+$0x0], $0xffff;
	v5 =	vmul.f32 v8, v9  }
0x44: {  	v8 =	vshra.s32 v13, $0x10;
	v1 =	vshra.s32 v14, $0x10;
	v14 =	vand.u32 $0xFFFF, v14;
	v9 =	vld.idx.msk [tilespmem:v2+s2+$0x0], $0xffff  }
0x45: {  	s18 =	sadd.s32 $0x20, s18;
	v13 =	vand.u32 $0xFFFF, v12;
	v16 =	vld [tilespmem:s19+$0xFFFFFFF0];
	v4 =	vpack.i.f32.bf16 v5, v4  }
0x46: {  	v12 =	vshra.s32 v12, $0x10;
	s19 =	sadd.s32 $0x20, s19;
	v2 =	vshra.s32 v7, $0x10;
	v6 =	vand.u32 $0xFFFF, v7;
	v17 =	vld [tilespmem:s20+$0xFFFFFFF0];
	[tilespmem:s18+$0x0] =	vst v4  }
0x47: {  	v4 =	vld [tilespmem:s19+$0x0]  }
0x48: {  	v5 =	vld.idx.msk [tilespmem:v11+s2+$0x0], $0xffff;
	v11 =	vmul.f32 $5.000000000e-01, v10  }
.Ltmp0:
0x49: {  	v7 =	vld.idx.msk [tilespmem:v8+s2+$0x0], $0xffff;
	(pc) =	sbr.rel @p0 .LBB2_2-.Ltmp0, $4  }
0x4a: {  	v8 =	vld.idx.msk [tilespmem:v13+s2+$0x0], $0xffff;
	v3 =	vmul.f32 v16, v3;
	v13 =	vmul.f32 $5.000000000e-01, v9  }
0x4b: {  	s20 =	sadd.s32 $0x20, s20;
	v9 =	vld.idx.msk [tilespmem:v12+s2+$0x0], $0xffff;
	v12 =	vmul.f32 v17, v15  }
0x4c: {  	v10 =	vld [tilespmem:s20+$0x0];
	v11 =	vmul.f32 v3, v11  }
0x4d: {  	s22 =	sadd.s32 $0x20, s22;
	v3 =	vld.idx.msk [tilespmem:v14+s2+$0x0], $0xffff;
	v12 =	vmul.f32 v12, v13  }
0x4e: {  	_ =	sdelay $0x3  }
0x4f: {  	v1 =	vld.idx.msk [tilespmem:v1+s2+$0x0], $0xffff  }
0x50: {  	v6 =	vld.idx.msk [tilespmem:v6+s2+$0x0], $0xffff  }
0x51: {  	v2 =	vld.idx.msk [tilespmem:v2+s2+$0x0], $0xffff  }
0x52: {  	v13 =	vld [tilespmem:s19+$0xFFFFFFF0]  }
0x53: {  	v14 =	vld [tilespmem:s20+$0xFFFFFFF0];
	_ =	sdelay $0x1  }
0x54: {  	v4 =	vmul.f32 v4, v5;
	v7 =	vmul.f32 $5.000000000e-01, v7  }
0x55: {  	v59 =	vmul.f32 $5.000000000e-01, v9;
	v58 =	vmul.f32 v10, v8  }
0x56: {  	v1 =	vmul.f32 $5.000000000e-01, v1;
	v3 =	vmul.f32 v13, v3  }
0x57: {  	v2 =	vmul.f32 $5.000000000e-01, v2;
	v6 =	vmul.f32 v14, v6  }
0x58: {  	v4 =	vmul.f32 v4, v7;
	v5 =	vmul.f32 v58, v59  }
0x59: {  	v60 =	vpack.i.f32.bf16 v12, v11;
	v1 =	vmul.f32 v3, v1;
	v2 =	vmul.f32 v6, v2  }
0x5a: {  	s17 =	sadd.s32 $0x20, s18;
	[tilespmem:s18+$0xFFFFFFF0] =	vst v60;
	v3 =	vpack.i.f32.bf16 v5, v4  }
0x5b: {  	[tilespmem:s17+$0x0] =	vst v3;
	v1 =	vpack.i.f32.bf16 v2, v1  }
0x5c: {  	[tilespmem:s17+$0xFFFFFFF0] =	vst v1  }
0x5d: {  	v1 =	vld [tilespmem:$0x3B00];
	_ =	sdelay $0x1  }
0x5e: {  	v2 =	vld [tilespmem:$0x4F00];
	_ =	sdelay $0x2  }
0x5f: {  	v3 =	vand.u32 $0xFFFF, v1  }
0x60: {  	v1 =	vshra.s32 v1, $0x10  }
0x61: {  	v61 =	vand.u32 $0xFFFF, v2  }
0x62: {  	v62 =	vld [tilespmem:$0x6300];
	v2 =	vshra.s32 v2, $0x10  }
0x63: {  	v63 =	vld [tilespmem:$0x7700]  }
0x64: {  	v3 =	vld.idx.msk [tilespmem:v3+s2+$0x0], $0xffff  }
0x65: {  	v1 =	vld.idx.msk [tilespmem:v1+s2+$0x0], $0xffff  }
0x66: {  	v4 =	vld.idx.msk [tilespmem:v61+s2+$0x0], $0xffff  }
0x67: {  	v2 =	vld.idx.msk [tilespmem:v2+s2+$0x0], $0xffff;
	_ =	sdelay $0x3  }
0x68: {  	v3 =	vmul.f32 v62, v3;
	v1 =	vmul.f32 $5.000000000e-01, v1  }
0x69: {  	v4 =	vmul.f32 v63, v4;
	v2 =	vmul.f32 $5.000000000e-01, v2;
	_ =	sdelay $0x1  }
0x6a: {  	v1 =	vmul.f32 v3, v1;
	v2 =	vmul.f32 v4, v2  }
0x6b: {  	s16 =	sadd.s32 $0x1, s16  }
0x6c: {  	p0 =	sne.s32 s16, s9;
	v1 =	vpack.i.f32.bf16 v2, v1  }
.Ltmp1:
0x6d: {  	[tilespmem:$0x8B00] =	vst v1;
	(pc) =	sbr.rel @p0 .LBB2_1-.Ltmp1, $4  }
0x6e: {  	[hbm4b:s8+s2] =	stream.linear.scatter [tilespmem:s15], [sflag:$0x1], $0x1388, $0x38;
	[tilespmem:$0x8B80] =	vst v63  }
0x6f: {  	_ =	swait.ge [sflag:s10], $0x1388  }
0x70: {  	[sflag:s10] =	ssyncset.done $0x0  }
0x71: {  	[sflag:s10] =	ssyncadd.s32 $0xFFFFEC78  }
0x72: {  	_ =	sfence.sel $0x180000  }
0x73: {  	[bflag:$0x0] =	sbarrier.arrive $0xFFFF  }
0x74: {  	p0 =	sne.s32 s0, $0x0;
	_ =	strace $0x9000004A  }
0x75: {  	s0 =	sadd.s32 @!p0 $0x100000, s1;
	[bflag:$0x2] =	sbarrier.arrive $0xFFFF  }
0x76: {  	[sflag:s0] =	ssyncadd.tile.s32 @!p0 $0x1;
	_ =	shalt  }
.Lfunc_end2:
_tile_overlayer_lowered:
.L_overlay_start_2:
0x77: {  	(tag) =	ssettag $0x2  }
0x78: {  	s0 =	rddreg [dreg:$0x0];
	s2 =	stileid.u32  }
0x79: {  	s1 =	rddreg [dreg:$0x1];
	p0 =	sne.s32 s2, $0x0  }
0x7a: {  	s3 =	rddreg [dreg:$0x2];
	[bflag:$0x3] =	sbarrier.arrive $0xFFFF;
	s2 =	simm.s32 @!p0 $0x1C01  }
0x7b: {  	[timem:s3], [sflag:s2] =	dma.local @!p0 [hbm:s0], s1  }
0x7c: {  	s0 =	simm.s32 @!p0 $0x1  }
0x7d: {  	_ =	swait.ge @!p0 [sflag:s0], s1  }
0x7e: {  	s1 =	ssub.s32 @!p0 $0x0, s1;
	[sflag:s0] =	ssyncset.done @!p0 $0x0  }
0x7f: {  	[sflag:s0] =	ssyncadd.s32 @!p0 s1  }
0x80: {  	[bflag:$0x3] =	sbarrier.arrive $0xFFFF  }
0x81: {  	_ =	shalt  }

// kernel: kernel.13.cloned.1.call-start
scs
__scs_entry_jumppad:
0x0: {  	(pc) =	sbr.rel $0x88, $3  }
0x1: {  	(tag) =	ssettag $0x0;
	lr =	simm.s32 $0x1  }
0x2: {  	[smem:$0x3F9D] =	sst lr;
	_ =	strace $0xD0000000  }
0x3: {  	_ = 	snop  }
0x4: {  	_ = 	snop  }
0x5: {  	_ = 	snop  }
0x6: {  	_ = 	snop  }
0x7: {  	_ = 	snop  }
__scs_overlays_trampoline_lowered:
0x8: {  	[smem:$0x3FAC] =	sst s0  }
0x9: {  	[smem:$0x3FAD] =	sst s1  }
0xa: {  	[smem:$0x3FAE] =	sst s2  }
0xb: {  	[smem:$0x3FAF] =	sst s3  }
0xc: {  	[smem:$0x3FB0] =	sst s4  }
0xd: {  	[smem:$0x3FB1] =	sst s5  }
0xe: {  	[smem:$0x3FB2] =	sst s6  }
0xf: {  	[smem:$0x3FB3] =	sst s7  }
0x10: {  	[smem:$0x3FB4] =	sst s8  }
0x11: {  	[smem:$0x3FB5] =	sst s9;
	s0 =	simm.s32 @!p0 $0x0  }
0x12: {  	s1 =	sld [smem:$0x3F9B];
	s0 =	simm.s32 @p0 $0x1  }
0x13: {  	[smem:$0x3FB6] =	sst s0;
	s0 =	simm.s32 @!p1 $0x0  }
0x14: {  	s2 =	sld [smem:$0x3F9A];
	s0 =	simm.s32 @p1 $0x1  }
0x15: {  	[smem:$0x3FB7] =	sst s0;
	s0 =	simm.s32 @!p2 $0x0  }
0x16: {  	s3 =	sld [smem:$0x3FDB];
	s0 =	simm.s32 @p2 $0x1  }
0x17: {  	s4 =	simm.s32 $0x1BF5;
	[smem:$0x3FB9] =	sst s0  }
0x18: {  	s0 =	sld [smem:$0x3F9C];
	_ =	swait.ge [sflag:s4], $0x0  }
0x19: {  	s7 =	sld [smem:$0x3F9D]  }
0x1a: {  	s8 =	sadd.s32 $0xFFFFE003, lr  }
0x1b: {  	s9 =	sadd.s32 $0xFFFFFEF7, lr;
	s5 =	simm.s32 $0xFFFFFFFF;
	p2 =	slt.u32 s8, $0xFFFFF086  }
0x1c: {  	p1 =	slt.u32 s9, $0xF7A;
	s5 =	simm.s32 @!p2 $0x0  }
0x1d: {  	s5 =	simm.s32 @p1 $0x1;
	p0 =	seq.s32 s7, s2  }
0x1e: {  	s7 =	smul.u32 @!p0 $0xF7A, s2;
	p2 =	seq.s32 @!p0 s5, $0x0  }
0x1f: {  	s9 =	smul.u32 $0xF7A, s1;
	s8 =	simm.s32 @!p0 $0x1BF5;
	p2 =	por !p2, p0  }
0x20: {  	[sflag:s8] =	ssyncset.s32 @!p0 $0xFFFFF086;
	s6 =	sadd.s32 @!p0 s3, s7;
	s7 =	simm.s32 @!p0 $0x108  }
0x21: {  	s3 =	sadd.s32 s3, s9;
	s6 =	sadd.s32 @!p0 $0x88, s6;
	s7 =	simm.s32 @p2 $0x1082  }
0x22: {  	[simem:s7], [sflag:s8] =	dma.local @!p0 [hbm:s6], $0xF7A  }
0x23: {  	s9 =	sor.u32 $0xD0000000, s2;
	s6 =	simm.s32 $0x108;
	_ =	swait.ge @!p0 [sflag:s8], $0x0  }
0x24: {  	s3 =	sadd.s32 $0x88, s3;
	s6 =	simm.s32 @!p1 $0x1082;
	[sflag:s4] =	ssyncset.s32 $0xFFFFF086  }
0x25: {  	[simem:s6], [sflag:s4] =	dma.local [hbm:s3], $0xF7A  }
0x26: {  	[smem:$0x3F9D] =	sst s1;
	(tag) =	ssettag s2;
	_ =	strace s9  }
0x27: {  	s1 =	sld [smem:$0x3FAD]  }
0x28: {  	s2 =	sld [smem:$0x3FAE]  }
0x29: {  	s4 =	sld [smem:$0x3FB0]  }
0x2a: {  	p0 =	seq.s32 s5, $0x0;
	s5 =	sld [smem:$0x3FB1]  }
0x2b: {  	s6 =	sld [smem:$0x3FB2]  }
0x2c: {  	s7 =	sld [smem:$0x3FB3]  }
0x2d: {  	s3 =	simm.s32 $0x108;
	s8 =	sld [smem:$0x3FB4]  }
0x2e: {  	s3 =	simm.s32 @!p0 $0x1082;
	s9 =	sld [smem:$0x3FB5]  }
0x2f: {  	lr =	sadd.s32 s0, s3;
	s0 =	sld [smem:$0x3FAC]  }
0x30: {  	s3 =	sld [smem:$0x3FAF]  }
0x31: {  	[smem:$0x3FB8] =	sst s10  }
0x32: {  	s10 =	sld [smem:$0x3FB6];
	_ =	sdelay $0x3  }
0x33: {  	p0 =	seq.s32 s10, $0x1;
	s10 =	sld [smem:$0x3FB8];
	_ =	sdelay $0x3  }
0x34: {  	[smem:$0x3FB8] =	sst s10  }
0x35: {  	s10 =	sld [smem:$0x3FB7];
	_ =	sdelay $0x3  }
0x36: {  	p1 =	seq.s32 s10, $0x1;
	s10 =	sld [smem:$0x3FB8];
	_ =	sdelay $0x3  }
0x37: {  	[smem:$0x3FB8] =	sst s10  }
0x38: {  	s10 =	sld [smem:$0x3FB9]  }
0x39: {  	_ = 	snop;
	(pc) =	sbr.ind lr, $3  }
0x3a: {  	_ = 	snop  }
0x3b: {  	_ = 	snop  }
0x3c: {  	p2 =	seq.s32 s10, $0x1;
	s10 =	sld [smem:$0x3FB8]  }
0x3d: {  	_ =	shalt  }
0x3e: {  	_ =	shalt  }
0x3f: {  	_ =	shalt  }
0x40: {  	_ =	shalt  }
0x41: {  	_ =	shalt  }
0x42: {  	_ =	shalt  }
0x43: {  	_ =	shalt  }
0x44: {  	_ =	shalt  }
0x45: {  	_ =	shalt  }
0x46: {  	_ =	shalt  }
0x47: {  	_ =	shalt  }
0x48: {  	_ =	shalt  }
0x49: {  	_ =	shalt  }
0x4a: {  	_ =	shalt  }
0x4b: {  	_ =	shalt  }
0x4c: {  	_ =	shalt  }
0x4d: {  	_ =	shalt  }
0x4e: {  	_ =	shalt  }
0x4f: {  	_ =	shalt  }
0x50: {  	_ =	shalt  }
0x51: {  	_ =	shalt  }
0x52: {  	_ =	shalt  }
0x53: {  	_ =	shalt  }
0x54: {  	_ =	shalt  }
0x55: {  	_ =	shalt  }
0x56: {  	_ =	shalt  }
0x57: {  	_ =	shalt  }
0x58: {  	_ =	shalt  }
0x59: {  	_ =	shalt  }
0x5a: {  	_ =	shalt  }
0x5b: {  	_ =	shalt  }
0x5c: {  	_ =	shalt  }
0x5d: {  	_ =	shalt  }
0x5e: {  	_ =	shalt  }
0x5f: {  	_ =	shalt  }
0x60: {  	_ =	shalt  }
0x61: {  	_ =	shalt  }
0x62: {  	_ =	shalt  }
0x63: {  	_ =	shalt  }
0x64: {  	_ =	shalt  }
0x65: {  	_ =	shalt  }
0x66: {  	_ =	shalt  }
0x67: {  	_ =	shalt  }
0x68: {  	_ =	shalt  }
0x69: {  	_ =	shalt  }
0x6a: {  	_ =	shalt  }
0x6b: {  	_ =	shalt  }
0x6c: {  	_ =	shalt  }
0x6d: {  	_ =	shalt  }
0x6e: {  	_ =	shalt  }
0x6f: {  	_ =	shalt  }
0x70: {  	_ =	shalt  }
0x71: {  	_ =	shalt  }
0x72: {  	_ =	shalt  }
0x73: {  	_ =	shalt  }
0x74: {  	_ =	shalt  }
0x75: {  	_ =	shalt  }
0x76: {  	_ =	shalt  }
0x77: {  	_ =	shalt  }
0x78: {  	_ =	shalt  }
0x79: {  	_ =	shalt  }
0x7a: {  	_ =	shalt  }
0x7b: {  	_ =	shalt  }
0x7c: {  	_ =	shalt  }
0x7d: {  	_ =	shalt  }
0x7e: {  	_ =	shalt  }
0x7f: {  	_ =	shalt  }
0x80: {  	_ =	shalt  }
0x81: {  	_ =	shalt  }
0x82: {  	_ =	shalt  }
0x83: {  	_ =	shalt  }
0x84: {  	_ =	shalt  }
0x85: {  	_ =	shalt  }
0x86: {  	_ =	shalt  }
0x87: {  	_ =	shalt  }
.Lfunc_end0:
.L_simem_size_0:
called_computation.2_lowered:
.L_overlay_start_0:
0x88: {  	s2 =	sld [smem:$0x3FD9]  }
0x89: {  	s3 =	sld [smem:$0x3FFE];
	_ =	sdelay $0x1  }
0x8a: {  	s1 =	srdreg.scid  }
0x8b: {  	s0 =	sand.u32 $0x1, s1  }
0x8c: {  	s17 =	sshll.u32 s0, $0xA;
	s2 =	sadd.s32 s3, s2  }
0x8d: {  	s2 =	sadd.s32 s2, s17  }
0x8e: {  	[smem:$0x3FC4] =	sst s2  }
0x8f: {  	_ = 	snop  }
0x90: {  	s2 =	sld [smem:$0x3FD0];
	(tm) =	ssettm $0x1  }
0x91: {  	s18 =	sld [smem:$0x3FFB];
	_ =	sdelay $0x3  }
0x92: {  	_ =	strace s18  }
0x93: {  	s3 =	sld [smem:$0x3FFC];
	_ =	sdelay $0x3  }
0x94: {  	_ =	strace s3  }
0x95: {  	s3 =	sld [smem:$0x3FFD];
	_ =	sdelay $0x3  }
0x96: {  	_ =	strace s3  }
0x97: {  	_ =	strace $0x8FFFFFFF  }
0x98: {  	s19 =	sld [smem:$0x3FDB];
	_ =	sdelay $0x1  }
0x99: {  	s4 =	simm.s32 $_scs_section_size  }
0x9a: {  	s5 =	simm.s32 $_size__tile_overlayer_lowered;
	s6 =	simm.s32 $_tile_overlayer_lowered  }
0x9b: {  	s22 =	simm.s32 $0x1BFF;
	s21 =	sshll.u32 s6, $0x1;
	s3 =	sadd.s32 s4, s19  }
0x9c: {  	s7 =	simm.s32 $0x0;
	s20 =	sshll.u32 s5, $0x1;
	s5 =	sadd.s32 s21, s3  }
0x9d: {  	[timem:s7], [sflag:s22] =	dma.local [hbm:s5], s20  }
0x9e: {  	_ =	swait.ge [sflag:s22], s20  }
0x9f: {  	s4 =	ssub.s32 $0x0, s20;
	[sflag:s22] =	ssyncset.done $0x0  }
0xa0: {  	[sflag:s22] =	ssyncadd.s32 s4;
	_ =	sdelay $0x1  }
0xa1: {  	s23 =	simm.s32 $0x1B8B  }
0xa2: {  	_ =	swait.ge [sflag:s23], $0x1  }
0xa3: {  	[sflag:s23] =	ssyncset.done $0x0  }
0xa4: {  	s25 =	simm.s32 $0x1B8E;
	s24 =	sld [smem:$0x3FFE];
	[sflag:s23] =	ssyncadd.s32 $0xFFFFFFFF  }
0xa5: {  	s26 =	simm.s32 $execute0_lowered;
	[smem:$0x3FD2] =	sst s25  }
0xa6: {  	s5 =	sshll.u32 s26, $0x1;
	_ =	strace $0x8000004C;
	[dreg:$0x1] =	wrdreg $0xFFFFFFFF  }
0xa7: {  	s28 =	simm.s32 $_size_execute0_lowered;
	s3 =	sadd.s32 s3, s5;
	[dreg:$0x0] =	wrdreg $0x0  }
0xa8: {  	s5 =	sshll.u32 s28, $0x1;
	[dreg:$0x2] =	wrdreg s3  }
0xa9: {  	[dreg:$0x3] =	wrdreg s5  }
0xaa: {  	[dreg:$0x4] =	wrdreg $0xC0  }
0xab: {  	_ =	task [dreg:s7], $0x5FFFF  }
0xac: {  	[dreg:$0x1] =	wrdreg $0xFFFFFFFF  }
0xad: {  	[dreg:$0x0] =	wrdreg $0x60  }
0xae: {  	[dreg:$0x2] =	wrdreg s2  }
0xaf: {  	[dreg:$0x3] =	wrdreg s24  }
0xb0: {  	[dreg:$0x4] =	wrdreg $0x9  }
0xb1: {  	_ =	task.clear_ibuf [dreg:s7], $0x5FFFF;
	_ =	strace $0x9000004C  }
0xb2: {  	s29 =	simm.s32 $0x9;
	_ =	strace $0x8000004E  }
0xb3: {  	_ =	swait.ge [sflag:s29], $0x1  }
0xb4: {  	[sflag:s29] =	ssyncadd.s32 $0xFFFFFFFF  }
0xb5: {  	_ =	strace $0x9000004E  }
0xb6: {  	_ =	sfence  }
0xb7: {  	s30 =	sld [smem:$0x0];
	_ =	sdelay $0x2  }
0xb8: {  	s31 =	sshll.u32 s1, $0xD;
	s1 =	sshrl.u32 s1, $0x2  }
0xb9: {  	s3 =	sand.u32 $0x4000, s31;
	s1 =	sadd.s32 s1, s30  }
0xba: {  	s0 =	sor.u32 s3, s0;
	s1 =	sshll.u32 s1, $0x11  }
0xbb: {  	s0 =	sor.u32 s1, s0  }
0xbc: {  	s0 =	sadd.s32 $0x8F2B, s0  }
0xbd: {  	[sflag:s0] =	ssyncadd.remote.s32 $0x1  }
0xbe: {  	_ =	sfence.sel $0xFFFF  }
0xbf: {  	[dreg:$0x0] =	wrdreg $0xFFFFFFFF;
	(pc) =	sbr.abs _section_cstart, $3  }
0xc0: {  	[dreg:$0x1] =	wrdreg $0xFFFFFFFF  }
0xc1: {  	_ =	task.clear_ibuf [dreg:s7], $0x2FFFF;
	_ =	strace $0x9FFFFFFF  }
0xc2: {  	(tm) =	ssettm $0x7FFFFFFF  }
0xc3: {  	_ =	shalt  }
tec
execute0_lowered:
.L_overlay_start_1:
0x0: {  	(tag) =	ssettag $0x1  }
0x1: {  	s0 =	rddreg [dreg:$0x0]  }
0x2: {  	s1 =	rddreg [dreg:$0x1];
	s3 =	srdreg.scid  }
0x3: {  	s5 =	stileid.u32;
	s2 =	simm.s32 $0x0;
	s16 =	simm.s32 $0x2780  }
0x4: {  	s17 =	simm.s32 $0x4F00;
	s18 =	simm.s32 $0x7680;
	s14 =	simm.s32 $0x13C00  }
0x5: {  	s15 =	simm.s32 $0x15B40;
	s28 =	simm.s32 $0x11480;
	s29 =	simm.s32 $0x2  }
0x6: {  	s4 =	sand.u32 $0x1, s3;
	s19 =	sshll.u32 s5, $0x1;
	[smem:$0x7FF] =	sst s2  }
0x7: {  	s3 =	sadd.s32 $0x14800, s1;
	s8 =	sadd.s32 $0x1E600, s1;
	s5 =	sor.u32 s4, s19  }
0x8: {  	s23 =	sadd.s32 $0x19620, s1;
	s7 =	ssub.s32 $0x2, s4;
	s6 =	smul.u32 $0x1388, s5  }
0x9: {  	_ =	strace $0x8000004D;
	s5 =	smul.u32 $0x9C40, s5;
	s9 =	sshrl.u32 s7, $0x1  }
0xa: {  	[dreg:$0x7] =	wrdreg s23;
	s7 =	ssub.s32 s7, s9;
	s20 =	sadd.s32 s0, s6  }
0xb: {  	s5 =	sshrl.u32 s5, $0x3;
	s24 =	sadd.s32 s8, s6;
	[dreg:$0x3] =	wrdreg s20  }
0xc: {  	s31 =	smax.u32 s7, $0x1;
	s21 =	sadd.s32 $0x4E2, s5;
	[dreg:$0x8] =	wrdreg s24  }
0xd: {  	s10 =	sadd.s32 $0x9C4, s5;
	[dreg:$0xc] =	wrdreg s31;
	s11 =	sadd.s32 s0, s21  }
0xe: {  	s5 =	sadd.s32 $0xEA6, s5;
	s22 =	sadd.s32 s0, s10;
	[dreg:$0x4] =	wrdreg s11  }
0xf: {  	s4 =	sadd.s32 $0x1200, s1;
	s0 =	sadd.s32 s0, s5;
	[dreg:$0x5] =	wrdreg s22  }
0x10: {  	s1 =	simm.s32 $0x3;
	s25 =	sadd.s32 s8, s21;
	[dreg:$0x6] =	wrdreg s0  }
0x11: {  	s19 =	simm.s32 $0x17A80;
	s26 =	sadd.s32 s8, s10;
	[dreg:$0x9] =	wrdreg s25  }
0x12: {  	s23 =	simm.s32 $0x19A00;
	s30 =	sadd.s32 s8, s5;
	[dreg:$0xa] =	wrdreg s26  }
0x13: {  	s24 =	simm.s32 $0x1B940;
	s5 =	simm.s32 $0x0;
	[dreg:$0xb] =	wrdreg s30  }
0x14: {  	s22 =	simm.s32 $0x1;
	s25 =	simm.s32 $0x1D880;
	s26 =	simm.s32 $0xED00  }
.LBB2_1:
0x15: {  	[dreg:$0xd] =	wrdreg s5  }
0x16: {  	s0 =	rddreg [dreg:$0x3]  }
0x17: {  	[tilespmem:s2], [sflag:$0x3] =	stream.linear.gather [hbm4b:s0+s2], $0x2710, $0x38;
	[tilespmem:$0x1F800] =	vst v63  }
0x18: {  	_ =	swait.ge [sflag:s1], $0x2710  }
0x19: {  	[sflag:s1] =	ssyncset.done $0x0  }
0x1a: {  	s20 =	rddreg [dreg:$0x4];
	[sflag:s1] =	ssyncadd.s32 $0xFFFFD8F0  }
0x1b: {  	[tilespmem:s16], [sflag:$0x3] =	stream.linear.gather [hbm4b:s20+s2], $0x2710, $0x38;
	[tilespmem:$0x1F800] =	vst v63  }
0x1c: {  	_ =	swait.ge [sflag:s1], $0x2710  }
0x1d: {  	[sflag:s1] =	ssyncset.done $0x0  }
0x1e: {  	s21 =	rddreg [dreg:$0x5];
	[sflag:s1] =	ssyncadd.s32 $0xFFFFD8F0  }
0x1f: {  	[tilespmem:s17], [sflag:$0x3] =	stream.linear.gather [hbm4b:s21+s2], $0x2710, $0x38;
	[tilespmem:$0x1F800] =	vst v63  }
0x20: {  	_ =	swait.ge [sflag:s1], $0x2710  }
0x21: {  	[sflag:s1] =	ssyncset.done $0x0  }
0x22: {  	s30 =	rddreg [dreg:$0x6];
	[sflag:s1] =	ssyncadd.s32 $0xFFFFD8F0  }
0x23: {  	[tilespmem:s18], [sflag:$0x3] =	stream.linear.gather [hbm4b:s30+s2], $0x2710, $0x38;
	[tilespmem:$0x1F800] =	vst v63  }
0x24: {  	_ =	swait.ge [sflag:s1], $0x2710  }
0x25: {  	[sflag:s1] =	ssyncset.done $0x0  }
0x26: {  	s31 =	simm.s32 $0x10;
	[sflag:s1] =	ssyncadd.s32 $0xFFFFD8F0  }
0x27: {  	s6 =	simm.s32 $0x2790;
	v0 =	vld [tilespmem:s31+$0x0]  }
0x28: {  	v1 =	vld [tilespmem:s6+$0x0];
	_ =	sdelay $0x4  }
0x29: {  	v2 =	vmul.f32 $5.000000000e-01, v0;
	v3 =	vmul.f32 $5.000000000e-01, v1  }
0x2a: {  	s7 =	simm.s32 $0xED10;
	v0 =	vpack.i.f32.bf16 v1, v0  }
0x2b: {  	s8 =	simm.s32 $0x9E10;
	v4 =	vld [tilespmem:s31+$0xFFFFFFF0];
	[tilespmem:s7+$0x0] =	vst v0;
	v0 =	vpack.i.f32.bf16 v3, v2  }
0x2c: {  	v1 =	vld [tilespmem:s6+$0xFFFFFFF0];
	[tilespmem:s8+$0x0] =	vst v0  }
0x2d: {  	[tilespmem:s31+$0x0] =	vst v2  }
0x2e: {  	s0 =	simm.s32 $0x4F10;
	[tilespmem:s6+$0x0] =	vst v3  }
0x2f: {  	s1 =	simm.s32 $0x7690;
	v0 =	vld [tilespmem:s0+$0x0]  }
0x30: {  	v2 =	vld [tilespmem:s1+$0x0]  }
0x31: {  	v5 =	vmul.f32 $5.000000000e-01, v4;
	v3 =	vmul.f32 $5.000000000e-01, v1  }
0x32: {  	s12 =	simm.s32 $0x30;
	v1 =	vpack.i.f32.bf16 v1, v4  }
0x33: {  	[tilespmem:s7+$0xFFFFFFF0] =	vst v1;
	v1 =	vld [tilespmem:s12+$0x0];
	s7 =	simm.s32 $0x27B0;
	v4 =	vpack.i.f32.bf16 v3, v5  }
0x34: {  	[tilespmem:s8+$0xFFFFFFF0] =	vst v4;
	v4 =	vld [tilespmem:s7+$0x0]  }
0x35: {  	[tilespmem:s31+$0xFFFFFFF0] =	vst v5;
	v5 =	vmul.f32 $5.000000000e-01, v0;
	v6 =	vmul.f32 $5.000000000e-01, v2  }
0x36: {  	s5 =	simm.s32 $0x11490;
	[tilespmem:s6+$0xFFFFFFF0] =	vst v3;
	v0 =	vpack.i.f32.bf16 v2, v0  }
0x37: {  	s6 =	simm.s32 $0xC590;
	v3 =	vld [tilespmem:s12+$0xFFFFFFF0];
	[tilespmem:s5+$0x0] =	vst v0;
	v0 =	vpack.i.f32.bf16 v6, v5  }
0x38: {  	v2 =	vld [tilespmem:s7+$0xFFFFFFF0];
	[tilespmem:s6+$0x0] =	vst v0  }
0x39: {  	s10 =	simm.s32 $0xED30;
	v7 =	vmul.f32 $5.000000000e-01, v4;
	v0 =	vmul.f32 $5.000000000e-01, v1;
	v1 =	vpack.i.f32.bf16 v4, v1;
	[tilespmem:s0+$0x0] =	vst v5  }
0x3a: {  	[tilespmem:s10+$0x0] =	vst v1  }
0x3b: {  	s11 =	simm.s32 $0x9E30;
	v4 =	vld [tilespmem:s1+$0xFFFFFFF0];
	[tilespmem:s1+$0x0] =	vst v6;
	v1 =	vpack.i.f32.bf16 v7, v0  }
0x3c: {  	v5 =	vld [tilespmem:s0+$0xFFFFFFF0];
	[tilespmem:s11+$0x0] =	vst v1  }
0x3d: {  	v8 =	vmul.f32 $5.000000000e-01, v3;
	v6 =	vmul.f32 $5.000000000e-01, v2;
	[tilespmem:s12+$0x0] =	vst v0  }
0x3e: {  	v0 =	vpack.i.f32.bf16 v2, v3;
	[tilespmem:s7+$0x0] =	vst v7  }
0x3f: {  	s8 =	simm.s32 $0x4F30;
	v2 =	vpack.i.f32.bf16 v6, v8;
	[tilespmem:s10+$0xFFFFFFF0] =	vst v0  }
0x40: {  	s9 =	simm.s32 $0x76B0;
	[tilespmem:s11+$0xFFFFFFF0] =	vst v2;
	v2 =	vld [tilespmem:s8+$0x0]  }
0x41: {  	v0 =	vmul.f32 $5.000000000e-01, v4;
	v1 =	vmul.f32 $5.000000000e-01, v5;
	v3 =	vld [tilespmem:s9+$0x0]  }
0x42: {  	[tilespmem:s12+$0xFFFFFFF0] =	vst v8  }
0x43: {  	s13 =	simm.s32 $0x50;
	v4 =	vpack.i.f32.bf16 v4, v5;
	s12 =	simm.s32 $0x20;
	v5 =	vpack.i.f32.bf16 v0, v1;
	[tilespmem:s7+$0xFFFFFFF0] =	vst v6  }
.LBB2_2:
0x44: {  	v6 =	vld [tilespmem:s13+$0x0];
	s7 =	sadd.s32 $0x20, s7;
	[tilespmem:s5+$0xFFFFFFF0] =	vst v4  }
0x45: {  	v4 =	vld [tilespmem:s7+$0x0];
	[tilespmem:s6+$0xFFFFFFF0] =	vst v5  }
0x46: {  	v7 =	vmul.f32 $5.000000000e-01, v2;
	v5 =	vld [tilespmem:s7+$0xFFFFFFF0];
	v8 =	vmul.f32 $5.000000000e-01, v3;
	[tilespmem:s0+$0xFFFFFFF0] =	vst v1;
	s0 =	smov.u32 s8  }
0x47: {  	s5 =	sadd.s32 $0x20, s5;
	v2 =	vpack.i.f32.bf16 v3, v2;
	v1 =	vld [tilespmem:s13+$0xFFFFFFF0];
	[tilespmem:s1+$0xFFFFFFF0] =	vst v0;
	s1 =	smov.u32 s9  }
0x48: {  	s6 =	sadd.s32 $0x20, s6;
	v0 =	vld [tilespmem:s8+$0xFFFFFFF0];
	[tilespmem:s5+$0x0] =	vst v2;
	v2 =	vpack.i.f32.bf16 v8, v7  }
0x49: {  	v3 =	vld [tilespmem:s9+$0xFFFFFFF0];
	[tilespmem:s6+$0x0] =	vst v2  }
0x4a: {  	s12 =	sadd.s32 $0x20, s12;
	v2 =	vmul.f32 $5.000000000e-01, v6;
	v9 =	vmul.f32 $5.000000000e-01, v4;
	[tilespmem:s8+$0x0] =	vst v7  }
0x4b: {  	s10 =	sadd.s32 $0x20, s10;
	p0 =	slt.u32 s12, $0x26E0;
	v4 =	vpack.i.f32.bf16 v4, v6;
	v7 =	vmul.f32 $5.000000000e-01, v5;
	[tilespmem:s9+$0x0] =	vst v8  }
0x4c: {  	s11 =	sadd.s32 $0x20, s11;
	v5 =	vpack.i.f32.bf16 v5, v1;
	v6 =	vmul.f32 $5.000000000e-01, v1;
	[tilespmem:s10+$0x0] =	vst v4;
	v1 =	vpack.i.f32.bf16 v9, v2  }
0x4d: {  	[tilespmem:s11+$0x0] =	vst v1;
	v1 =	vmul.f32 $5.000000000e-01, v0  }
0x4e: {  	v8 =	vpack.i.f32.bf16 v7, v6;
	[tilespmem:s13+$0x0] =	vst v2;
	v4 =	vpack.i.f32.bf16 v3, v0;
	v0 =	vmul.f32 $5.000000000e-01, v3  }
.Ltmp0:
0x4f: {  	s8 =	sadd.s32 $0x20, s8;
	[tilespmem:s7+$0x0] =	vst v9;
	(pc) =	sbr.rel @p0 .LBB2_2-.Ltmp0, $4  }
0x50: {  	s9 =	sadd.s32 $0x20, s9;
	[tilespmem:s10+$0xFFFFFFF0] =	vst v5;
	v2 =	vld [tilespmem:s8+$0x0];
	v5 =	vpack.i.f32.bf16 v0, v1  }
0x51: {  	[tilespmem:s11+$0xFFFFFFF0] =	vst v8;
	v3 =	vld [tilespmem:s9+$0x0]  }
0x52: {  	[tilespmem:s13+$0xFFFFFFF0] =	vst v6  }
0x53: {  	s13 =	sadd.s32 $0x20, s13;
	[tilespmem:s7+$0xFFFFFFF0] =	vst v7  }
0x54: {  	[tilespmem:s5+$0xFFFFFFF0] =	vst v4;
	v49 =	vld [tilespmem:s8+$0xFFFFFFF0]  }
0x55: {  	v50 =	vld [tilespmem:s9+$0xFFFFFFF0];
	[tilespmem:s6+$0xFFFFFFF0] =	vst v5  }
0x56: {  	v6 =	vmul.f32 $5.000000000e-01, v2;
	[tilespmem:s0+$0xFFFFFFF0] =	vst v1;
	v51 =	vmul.f32 $5.000000000e-01, v3  }
0x57: {  	s30 =	sadd.s32 $0x20, s5;
	v52 =	vpack.i.f32.bf16 v3, v2;
	[tilespmem:s1+$0xFFFFFFF0] =	vst v0  }
0x58: {  	s31 =	sadd.s32 $0x20, s6;
	[tilespmem:s30+$0x0] =	vst v52;
	v53 =	vpack.i.f32.bf16 v51, v6  }
0x59: {  	[tilespmem:s31+$0x0] =	vst v53  }
0x5a: {  	v54 =	vmul.f32 $5.000000000e-01, v49;
	v55 =	vmul.f32 $5.000000000e-01, v50;
	v56 =	vpack.i.f32.bf16 v50, v49;
	[tilespmem:s8+$0x0] =	vst v6  }
0x5b: {  	[tilespmem:s30+$0xFFFFFFF0] =	vst v56  }
0x5c: {  	[tilespmem:s9+$0x0] =	vst v51;
	v57 =	vpack.i.f32.bf16 v55, v54  }
0x5d: {  	[tilespmem:s31+$0xFFFFFFF0] =	vst v57  }
0x5e: {  	[tilespmem:s8+$0xFFFFFFF0] =	vst v54  }
0x5f: {  	[tilespmem:s9+$0xFFFFFFF0] =	vst v55  }
0x60: {  	v0 =	vld [tilespmem:$0x2700]  }
0x61: {  	v1 =	vld [tilespmem:$0x4E80]  }
0x62: {  	v2 =	vld [tilespmem:$0x7600]  }
0x63: {  	v3 =	vld [tilespmem:$0x9D80];
	_ =	sdelay $0x3  }
0x64: {  	v58 =	vmul.f32 $5.000000000e-01, v0;
	v0 =	vpack.i.f32.bf16 v1, v0  }
0x65: {  	v61 =	vmul.f32 $5.000000000e-01, v2;
	v2 =	vpack.i.f32.bf16 v3, v2;
	[tilespmem:$0x11400] =	vst v0  }
0x66: {  	v59 =	vmul.f32 $5.000000000e-01, v1;
	[tilespmem:$0x13B80] =	vst v2  }
0x67: {  	[tilespmem:$0x2700] =	vst v58  }
0x68: {  	v62 =	vmul.f32 $5.000000000e-01, v3;
	[tilespmem:$0x4E80] =	vst v59  }
0x69: {  	[tilespmem:$0x7600] =	vst v61  }
0x6a: {  	v60 =	vpack.i.f32.bf16 v59, v58;
	[tilespmem:$0x9D80] =	vst v62  }
0x6b: {  	v63 =	vpack.i.f32.bf16 v62, v61;
	[tilespmem:$0xC500] =	vst v60  }
0x6c: {  	s1 =	simm.s32 $0x0;
	[tilespmem:$0xEC80] =	vst v63  }
0x6d: {  	[tilespmem:s14], [sflag:$0x1] =	stream.linear.gather [hbm4b:s3+s1], $0x1F40, $0x38;
	[tilespmem:$0x1F800] =	vst v63  }
0x6e: {  	s0 =	rddreg [dreg:$0x7]  }
0x6f: {  	[tilespmem:s15], [sflag:$0x1] =	stream.linear.gather [hbm4b:s0+s1], $0x1F40, $0x38;
	[tilespmem:$0x1F800] =	vst v63  }
0x70: {  	_ = 	snop  }
0x71: {  	[tilespmem:s19], [sflag:$0x1] =	stream.linear.gather [hbm4b:s4+s1], $0x1F40, $0x38;
	[tilespmem:$0x1F800] =	vst v63  }
.LBB2_4:
0x72: {  	[dreg:$0xe] =	wrdreg s1;
	s0 =	simm.s32 $0x0  }
.LBB2_5:
0x73: {  	_ =	swait.ge [sflag:s22], $0x1F40  }
0x74: {  	[sflag:s22] =	ssyncset.done $0x0  }
0x75: {  	[sflag:s22] =	ssyncadd.s32 $0xFFFFE0C0  }
0x76: {  	_ =	swait.ge [sflag:s22], $0x1F40  }
0x77: {  	s1 =	smul.u32 $0x3E80, s0;
	[sflag:s22] =	ssyncset.done $0x0  }
0x78: {  	[sflag:s22] =	ssyncadd.s32 $0xFFFFE0C0  }
0x79: {  	s1 =	sshrl.u32 s1, $0x3;
	_ =	swait.ge [sflag:s22], $0x1F40  }
0x7a: {  	s5 =	sadd.s32 $0x3E8, s1;
	[sflag:s22] =	ssyncset.done $0x0  }
0x7b: {  	s1 =	sadd.s32 s3, s1;
	s6 =	sadd.s32 s3, s5;
	[sflag:s22] =	ssyncadd.s32 $0xFFFFE0C0  }
0x7c: {  	[tilespmem:s23], [sflag:$0x2] =	stream.linear.gather [hbm4b:s6+s2], $0x1F40, $0x38;
	[tilespmem:$0x1F800] =	vst v63  }
0x7d: {  	s1 =	sadd.s32 $0x5208, s1  }
0x7e: {  	[tilespmem:s24], [sflag:$0x2] =	stream.linear.gather [hbm4b:s1+s2], $0x1F40, $0x38;
	[tilespmem:$0x1F800] =	vst v63  }
0x7f: {  	s21 =	simm.s32 $0x15B50;
	s20 =	sadd.s32 s4, s5  }
0x80: {  	[tilespmem:s25], [sflag:$0x2] =	stream.linear.gather [hbm4b:s20+s2], $0x1F40, $0x38;
	[tilespmem:$0x1F800] =	vst v63  }
0x81: {  	v0 =	vld [tilespmem:s21+$0xFFFFE0C0];
	_ =	sdelay $0x4  }
0x82: {  	v1 =	vld [tilespmem:s21+$0xFFFFE0B0];
	v2 =	vand.u32 $0xFFFF, v0;
	_ =	sdelay $0x2  }
0x83: {  	s30 =	simm.s32 $0x17A90  }
0x84: {  	v4 =	vld [tilespmem:s30+$0x0]  }
0x85: {  	v3 =	vand.u32 $0xFFFF, v1;
	v5 =	vld.idx.msk [tilespmem:v2+s26+$0x0], $0xffff;
	_ =	sdelay $0x2  }
0x86: {  	v0 =	vshra.s32 v0, $0x10  }
0x87: {  	v7 =	vld [tilespmem:s30+$0xFFFFFFF0]  }
0x88: {  	v8 =	vunpack.i.l.bf16.f32 v4;
	v6 =	vld.idx.msk [tilespmem:v3+s26+$0x0], $0xffff;
	v9 =	vunpack.i.l.bf16.f32 v5  }
0x89: {  	v5 =	vunpack.i.u.bf16.f32 v5;
	v9 =	vmul.f32 v9, v8  }
0x8a: {  	v10 =	vld [tilespmem:s21+$0x0];
	v5 =	vmul.f32 v5, v8  }
0x8b: {  	v1 =	vshra.s32 v1, $0x10;
	[tilespmem:v0+s2+$0x0] =	vst.idx.add.f32.msk $0xffff, v9  }
0x8c: {  	[tilespmem:v0+s16+$0x0] =	vst.idx.add.f32.msk $0xffff, v5  }
0x8d: {  	v9 =	vunpack.i.l.bf16.f32 v6;
	v5 =	vunpack.i.l.bf16.f32 v7;
	v2 =	vld.idx.msk [tilespmem:v2+s28+$0x0], $0xffff  }
0x8e: {  	s31 =	simm.s32 $0x15B70;
	v11 =	vld [tilespmem:s21+$0xFFFFFFF0];
	v6 =	vunpack.i.u.bf16.f32 v6;
	v9 =	vmul.f32 v9, v5  }
0x8f: {  	v12 =	vld [tilespmem:s31+$0xFFFFE0C0];
	v6 =	vmul.f32 v6, v5  }
0x90: {  	[tilespmem:v1+s2+$0x0] =	vst.idx.add.f32.msk $0xffff, v9  }
0x91: {  	[tilespmem:v1+s16+$0x0] =	vst.idx.add.f32.msk $0xffff, v6  }
0x92: {  	v3 =	vld.idx.msk [tilespmem:v3+s28+$0x0], $0xffff;
	v6 =	vunpack.i.l.bf16.f32 v2  }
0x93: {  	v9 =	vand.u32 $0xFFFF, v10;
	v2 =	vunpack.i.u.bf16.f32 v2;
	v6 =	vmul.f32 v6, v8  }
0x94: {  	v2 =	vmul.f32 v2, v8  }
0x95: {  	v13 =	vand.u32 $0xFFFF, v12;
	[tilespmem:v0+s17+$0x0] =	vst.idx.add.f32.msk $0xffff, v6  }
0x96: {  	[tilespmem:v0+s18+$0x0] =	vst.idx.add.f32.msk $0xffff, v2  }
0x97: {  	v0 =	vunpack.i.l.bf16.f32 v3;
	v2 =	vunpack.i.u.bf16.f32 v3;
	v3 =	vld [tilespmem:s31+$0xFFFFE0B0]  }
0x98: {  	v14 =	vand.u32 $0xFFFF, v11;
	v6 =	vld.idx.msk [tilespmem:v9+s26+$0x0], $0xffff  }
0x99: {  	v0 =	vmul.f32 v0, v5  }
0x9a: {  	v17 =	vld.idx.msk [tilespmem:v13+s26+$0x0], $0xffff;
	v2 =	vmul.f32 v2, v5  }
0x9b: {  	v15 =	vshra.s32 v10, $0x10;
	[tilespmem:v1+s17+$0x0] =	vst.idx.add.f32.msk $0xffff, v0  }
0x9c: {  	[tilespmem:v1+s18+$0x0] =	vst.idx.add.f32.msk $0xffff, v2  }
0x9d: {  	v4 =	vunpack.i.u.bf16.f32 v4;
	v5 =	vld.idx.msk [tilespmem:v14+s26+$0x0], $0xffff;
	v16 =	vand.u32 $0xFFFF, v3;
	v0 =	vunpack.i.l.bf16.f32 v6  }
0x9e: {  	s1 =	simm.s32 $0x17AB0;
	v8 =	vld [tilespmem:s31+$0xFFFFFFF0];
	v1 =	vunpack.i.u.bf16.f32 v6;
	v6 =	vmul.f32 v0, v4  }
0x9f: {  	v2 =	vld [tilespmem:s1+$0x0];
	v1 =	vmul.f32 v1, v4  }
0xa0: {  	v0 =	vshra.s32 v11, $0x10;
	[tilespmem:v15+s2+$0x0] =	vst.idx.add.f32.msk $0xffff, v6  }
0xa1: {  	[tilespmem:v15+s16+$0x0] =	vst.idx.add.f32.msk $0xffff, v1  }
0xa2: {  	v1 =	vunpack.i.u.bf16.f32 v7;
	v6 =	vunpack.i.l.bf16.f32 v5;
	v18 =	vld.idx.msk [tilespmem:v16+s26+$0x0], $0xffff  }
0xa3: {  	v7 =	vshra.s32 v12, $0x10;
	v9 =	vld.idx.msk [tilespmem:v9+s28+$0x0], $0xffff;
	v6 =	vmul.f32 v6, v1  }
0xa4: {  	v5 =	vunpack.i.u.bf16.f32 v5;
	v12 =	vld [tilespmem:s1+$0xFFFFFFF0]  }
0xa5: {  	v11 =	vunpack.i.l.bf16.f32 v17;
	v10 =	vunpack.i.l.bf16.f32 v2;
	v5 =	vmul.f32 v5, v1;
	[tilespmem:v0+s2+$0x0] =	vst.idx.add.f32.msk $0xffff, v6  }
0xa6: {  	v17 =	vunpack.i.u.bf16.f32 v17;
	v11 =	vmul.f32 v11, v10;
	v6 =	vld [tilespmem:s31+$0x0]  }
0xa7: {  	v17 =	vmul.f32 v17, v10;
	[tilespmem:v0+s16+$0x0] =	vst.idx.add.f32.msk $0xffff, v5;
	v5 =	vshra.s32 v3, $0x10  }
0xa8: {  	[tilespmem:v7+s2+$0x0] =	vst.idx.add.f32.msk $0xffff, v11;
	v3 =	vunpack.i.l.bf16.f32 v9  }
0xa9: {  	v11 =	vunpack.i.l.bf16.f32 v12;
	[tilespmem:v7+s16+$0x0] =	vst.idx.add.f32.msk $0xffff, v17;
	v17 =	vunpack.i.l.bf16.f32 v18;
	v3 =	vmul.f32 v3, v4  }
0xaa: {  	v9 =	vunpack.i.u.bf16.f32 v9;
	v19 =	vld.idx.msk [tilespmem:v13+s28+$0x0], $0xffff;
	v13 =	vmul.f32 v17, v11  }
0xab: {  	v4 =	vmul.f32 v9, v4;
	v9 =	vunpack.i.u.bf16.f32 v18;
	[tilespmem:v15+s17+$0x0] =	vst.idx.add.f32.msk $0xffff, v3  }
0xac: {  	v9 =	vmul.f32 v9, v11;
	[tilespmem:v5+s2+$0x0] =	vst.idx.add.f32.msk $0xffff, v13  }
0xad: {  	[tilespmem:v15+s18+$0x0] =	vst.idx.add.f32.msk $0xffff, v4  }
0xae: {  	v3 =	vshra.s32 v8, $0x10;
	[tilespmem:v5+s16+$0x0] =	vst.idx.add.f32.msk $0xffff, v9  }
0xaf: {  	v4 =	vand.u32 $0xFFFF, v8;
	v9 =	vand.u32 $0xFFFF, v6;
	v13 =	vld.idx.msk [tilespmem:v16+s28+$0x0], $0xffff;
	v16 =	vunpack.i.l.bf16.f32 v19  }
0xb0: {  	s5 =	simm.s32 $0x20;
	s6 =	simm.s32 $0x15B90;
	v8 =	vunpack.i.u.bf16.f32 v12;
	v12 =	vld.idx.msk [tilespmem:v14+s28+$0x0], $0xffff;
	v15 =	vunpack.i.u.bf16.f32 v19;
	v14 =	vmul.f32 v16, v10  }
.LBB2_6:
0xb1: {  	v16 =	vld [tilespmem:s6+$0xFFFFE0C0];
	v10 =	vmul.f32 v15, v10  }
0xb2: {  	[tilespmem:v7+s17+$0x0] =	vst.idx.add.f32.msk $0xffff, v14  }
0xb3: {  	[tilespmem:v7+s18+$0x0] =	vst.idx.add.f32.msk $0xffff, v10  }
0xb4: {  	v7 =	vunpack.i.u.bf16.f32 v13;
	v10 =	vunpack.i.l.bf16.f32 v13;
	v13 =	vld.idx.msk [tilespmem:v9+s26+$0x0], $0xffff  }
0xb5: {  	v10 =	vmul.f32 v10, v11;
	v7 =	vmul.f32 v7, v11;
	v11 =	vunpack.i.u.bf16.f32 v12;
	v14 =	vld [tilespmem:s6+$0xFFFFE0B0]  }
0xb6: {  	s5 =	sadd.s32 $0x20, s5;
	v12 =	vunpack.i.l.bf16.f32 v12;
	v17 =	vmul.f32 v11, v1;
	v15 =	vld [tilespmem:s6+$0xFFFFFFF0]  }
0xb7: {  	p0 =	slt.u32 s5, $0x1F20;
	v18 =	vand.u32 $0xFFFF, v16;
	[tilespmem:v5+s17+$0x0] =	vst.idx.add.f32.msk $0xffff, v10;
	v10 =	vmul.f32 v12, v1;
	v1 =	vmov v8  }
0xb8: {  	v12 =	vshra.s32 v6, $0x10;
	[tilespmem:v5+s18+$0x0] =	vst.idx.add.f32.msk $0xffff, v7  }
0xb9: {  	v6 =	vld.idx.msk [tilespmem:v4+s26+$0x0], $0xffff  }
0xba: {  	s1 =	sadd.s32 $0x20, s1;
	v8 =	vunpack.i.u.bf16.f32 v2;
	v7 =	vunpack.i.l.bf16.f32 v13;
	v19 =	vand.u32 $0xFFFF, v14;
	[tilespmem:v0+s17+$0x0] =	vst.idx.add.f32.msk $0xffff, v10  }
0xbb: {  	v5 =	vshra.s32 v14, $0x10;
	v10 =	vunpack.i.u.bf16.f32 v13;
	v7 =	vmul.f32 v7, v8;
	v2 =	vld [tilespmem:s1+$0x0]  }
0xbc: {  	v20 =	vshra.s32 v15, $0x10;
	v14 =	vand.u32 $0xFFFF, v15;
	v10 =	vmul.f32 v10, v8;
	v11 =	vld.idx.msk [tilespmem:v18+s26+$0x0], $0xffff  }
0xbd: {  	[tilespmem:v12+s2+$0x0] =	vst.idx.add.f32.msk $0xffff, v7  }
0xbe: {  	[tilespmem:v12+s16+$0x0] =	vst.idx.add.f32.msk $0xffff, v10  }
0xbf: {  	v10 =	vunpack.i.u.bf16.f32 v6;
	v6 =	vunpack.i.l.bf16.f32 v6;
	v9 =	vld.idx.msk [tilespmem:v9+s28+$0x0], $0xffff  }
0xc0: {  	v7 =	vshra.s32 v16, $0x10;
	v6 =	vmul.f32 v6, v1;
	v15 =	vmul.f32 v10, v1;
	v13 =	vld.idx.msk [tilespmem:v19+s26+$0x0], $0xffff  }
0xc1: {  	v16 =	vld [tilespmem:s1+$0xFFFFFFF0]  }
0xc2: {  	v10 =	vunpack.i.l.bf16.f32 v2;
	v21 =	vunpack.i.l.bf16.f32 v11;
	[tilespmem:v3+s2+$0x0] =	vst.idx.add.f32.msk $0xffff, v6  }
0xc3: {  	v11 =	vunpack.i.u.bf16.f32 v11;
	v21 =	vmul.f32 v21, v10;
	[tilespmem:v3+s16+$0x0] =	vst.idx.add.f32.msk $0xffff, v15  }
0xc4: {  	v11 =	vmul.f32 v11, v10;
	v6 =	vld [tilespmem:s6+$0x0]  }
0xc5: {  	v15 =	vunpack.i.l.bf16.f32 v9;
	[tilespmem:v7+s2+$0x0] =	vst.idx.add.f32.msk $0xffff, v21  }
0xc6: {  	v9 =	vunpack.i.u.bf16.f32 v9;
	v21 =	vunpack.i.u.bf16.f32 v13;
	v15 =	vmul.f32 v15, v8;
	[tilespmem:v7+s16+$0x0] =	vst.idx.add.f32.msk $0xffff, v11  }
0xc7: {  	v13 =	vunpack.i.l.bf16.f32 v13;
	v9 =	vmul.f32 v9, v8;
	v11 =	vunpack.i.l.bf16.f32 v16;
	v18 =	vld.idx.msk [tilespmem:v18+s28+$0x0], $0xffff  }
0xc8: {  	v8 =	vunpack.i.u.bf16.f32 v16;
	v13 =	vmul.f32 v13, v11;
	v16 =	vmul.f32 v21, v11;
	[tilespmem:v12+s17+$0x0] =	vst.idx.add.f32.msk $0xffff, v15  }
0xc9: {  	[tilespmem:v12+s18+$0x0] =	vst.idx.add.f32.msk $0xffff, v9  }
.Ltmp1:
0xca: {  	[tilespmem:v5+s2+$0x0] =	vst.idx.add.f32.msk $0xffff, v13;
	(pc) =	sbr.rel @p0 .LBB2_6-.Ltmp1, $4  }
0xcb: {  	[tilespmem:v5+s16+$0x0] =	vst.idx.add.f32.msk $0xffff, v16  }
0xcc: {  	v13 =	vld.idx.msk [tilespmem:v19+s28+$0x0], $0xffff  }
0xcd: {  	v9 =	vand.u32 $0xFFFF, v6;
	v16 =	vunpack.i.l.bf16.f32 v18;
	v12 =	vld.idx.msk [tilespmem:v4+s28+$0x0], $0xffff;
	v4 =	vmov v14  }
0xce: {  	s6 =	sadd.s32 $0x20, s6;
	v15 =	vunpack.i.u.bf16.f32 v18;
	v14 =	vmul.f32 v16, v10;
	[tilespmem:v0+s18+$0x0] =	vst.idx.add.f32.msk $0xffff, v17;
	v0 =	vmovc v3;
	v3 =	vmov v20  }
0xcf: {  	_ =	sdelay $0x2  }
0xd0: {  	v10 =	vmul.f32 v15, v10  }
0xd1: {  	[tilespmem:v7+s17+$0x0] =	vst.idx.add.f32.msk $0xffff, v14;
	v14 =	vunpack.i.l.bf16.f32 v13  }
0xd2: {  	[tilespmem:v7+s18+$0x0] =	vst.idx.add.f32.msk $0xffff, v10;
	v7 =	vunpack.i.u.bf16.f32 v13;
	v10 =	vmul.f32 v14, v11  }
0xd3: {  	v13 =	vld.idx.msk [tilespmem:v9+s26+$0x0], $0xffff;
	v7 =	vmul.f32 v7, v11  }
0xd4: {  	[tilespmem:v5+s17+$0x0] =	vst.idx.add.f32.msk $0xffff, v10  }
0xd5: {  	[tilespmem:v5+s18+$0x0] =	vst.idx.add.f32.msk $0xffff, v7  }
0xd6: {  	v5 =	vshra.s32 v6, $0x10;
	v6 =	vld.idx.msk [tilespmem:v4+s26+$0x0], $0xffff;
	_ =	sdelay $0x1  }
0xd7: {  	v2 =	vunpack.i.u.bf16.f32 v2;
	v7 =	vunpack.i.l.bf16.f32 v13  }
0xd8: {  	v10 =	vunpack.i.u.bf16.f32 v13;
	v7 =	vmul.f32 v7, v2  }
0xd9: {  	v10 =	vmul.f32 v10, v2  }
0xda: {  	[tilespmem:v5+s2+$0x0] =	vst.idx.add.f32.msk $0xffff, v7;
	v7 =	vunpack.i.l.bf16.f32 v6  }
0xdb: {  	[tilespmem:v5+s16+$0x0] =	vst.idx.add.f32.msk $0xffff, v10;
	v6 =	vunpack.i.u.bf16.f32 v6;
	v7 =	vmul.f32 v7, v8  }
0xdc: {  	v9 =	vld.idx.msk [tilespmem:v9+s28+$0x0], $0xffff;
	v6 =	vmul.f32 v6, v8  }
0xdd: {  	[tilespmem:v3+s2+$0x0] =	vst.idx.add.f32.msk $0xffff, v7  }
0xde: {  	[tilespmem:v3+s16+$0x0] =	vst.idx.add.f32.msk $0xffff, v6  }
0xdf: {  	v4 =	vld.idx.msk [tilespmem:v4+s28+$0x0], $0xffff  }
0xe0: {  	v6 =	vunpack.i.l.bf16.f32 v12  }
0xe1: {  	v6 =	vmul.f32 v6, v1;
	v7 =	vunpack.i.l.bf16.f32 v9  }
0xe2: {  	v9 =	vunpack.i.u.bf16.f32 v9;
	v7 =	vmul.f32 v7, v2  }
0xe3: {  	v10 =	vunpack.i.u.bf16.f32 v12;
	[tilespmem:v0+s17+$0x0] =	vst.idx.add.f32.msk $0xffff, v6;
	v2 =	vmul.f32 v9, v2  }
0xe4: {  	v1 =	vmul.f32 v10, v1;
	[tilespmem:v5+s17+$0x0] =	vst.idx.add.f32.msk $0xffff, v7;
	v6 =	vunpack.i.l.bf16.f32 v4  }
0xe5: {  	[tilespmem:v5+s18+$0x0] =	vst.idx.add.f32.msk $0xffff, v2;
	v2 =	vunpack.i.u.bf16.f32 v4;
	v4 =	vmul.f32 v6, v8  }
0xe6: {  	[tilespmem:v0+s18+$0x0] =	vst.idx.add.f32.msk $0xffff, v1;
	v0 =	vmul.f32 v2, v8  }
0xe7: {  	[tilespmem:v3+s17+$0x0] =	vst.idx.add.f32.msk $0xffff, v4  }
0xe8: {  	[tilespmem:v3+s18+$0x0] =	vst.idx.add.f32.msk $0xffff, v0  }
0xe9: {  	_ =	swait.ge [sflag:s29], $0x1F40  }
0xea: {  	[sflag:s29] =	ssyncset.done $0x0  }
0xeb: {  	s1 =	sshll.u32 s0, $0x1;
	[sflag:s29] =	ssyncadd.s32 $0xFFFFE0C0  }
0xec: {  	s1 =	sadd.s32 $0x2, s1;
	_ =	swait.ge [sflag:s29], $0x1F40  }
0xed: {  	s5 =	smul.u32 $0x1F40, s1;
	[sflag:s29] =	ssyncset.done $0x0  }
0xee: {  	p0 =	seq.s32 s1, $0x14;
	[sflag:s29] =	ssyncadd.s32 $0xFFFFE0C0  }
0xef: {  	s5 =	simm.s32 @p0 $0x0;
	_ =	swait.ge [sflag:s29], $0x1F40  }
0xf0: {  	s20 =	sshrl.u32 s5, $0x3;
	[sflag:s29] =	ssyncset.done $0x0  }
0xf1: {  	s5 =	sadd.s32 s3, s20;
	[sflag:s29] =	ssyncadd.s32 $0xFFFFE0C0  }
0xf2: {  	[tilespmem:s14], [sflag:$0x1] =	stream.linear.gather [hbm4b:s5+s2], $0x1F40, $0x38;
	[tilespmem:$0x1F800] =	vst v63  }
0xf3: {  	s5 =	sadd.s32 $0x4E20, s5  }
0xf4: {  	[tilespmem:s15], [sflag:$0x1] =	stream.linear.gather [hbm4b:s5+s2], $0x1F40, $0x38;
	[tilespmem:$0x1F800] =	vst v63  }
0xf5: {  	s21 =	simm.s32 $0x1B950;
	s1 =	sadd.s32 s4, s20  }
0xf6: {  	[tilespmem:s19], [sflag:$0x1] =	stream.linear.gather [hbm4b:s1+s2], $0x1F40, $0x38;
	[tilespmem:$0x1F800] =	vst v63  }
0xf7: {  	v0 =	vld [tilespmem:s21+$0xFFFFE0C0];
	_ =	sdelay $0x4  }
0xf8: {  	v1 =	vld [tilespmem:s21+$0xFFFFE0B0];
	v2 =	vand.u32 $0xFFFF, v0;
	_ =	sdelay $0x2  }
0xf9: {  	s30 =	simm.s32 $0x1D890  }
0xfa: {  	v4 =	vld [tilespmem:s30+$0x0]  }
0xfb: {  	v3 =	vand.u32 $0xFFFF, v1;
	v5 =	vld.idx.msk [tilespmem:v2+s26+$0x0], $0xffff;
	_ =	sdelay $0x2  }
0xfc: {  	v0 =	vshra.s32 v0, $0x10  }
0xfd: {  	v7 =	vld [tilespmem:s30+$0xFFFFFFF0]  }
0xfe: {  	v8 =	vunpack.i.l.bf16.f32 v4;
	v6 =	vld.idx.msk [tilespmem:v3+s26+$0x0], $0xffff;
	v9 =	vunpack.i.l.bf16.f32 v5  }
0xff: {  	v5 =	vunpack.i.u.bf16.f32 v5;
	v9 =	vmul.f32 v9, v8  }
0x100: {  	v10 =	vld [tilespmem:s21+$0x0];
	v5 =	vmul.f32 v5, v8  }
0x101: {  	v1 =	vshra.s32 v1, $0x10;
	[tilespmem:v0+s2+$0x0] =	vst.idx.add.f32.msk $0xffff, v9  }
0x102: {  	[tilespmem:v0+s16+$0x0] =	vst.idx.add.f32.msk $0xffff, v5  }
0x103: {  	v9 =	vunpack.i.l.bf16.f32 v6;
	v5 =	vunpack.i.l.bf16.f32 v7;
	v2 =	vld.idx.msk [tilespmem:v2+s28+$0x0], $0xffff  }
0x104: {  	s31 =	simm.s32 $0x1B970;
	v11 =	vld [tilespmem:s21+$0xFFFFFFF0];
	v6 =	vunpack.i.u.bf16.f32 v6;
	v9 =	vmul.f32 v9, v5  }
0x105: {  	v12 =	vld [tilespmem:s31+$0xFFFFE0C0];
	v6 =	vmul.f32 v6, v5  }
0x106: {  	[tilespmem:v1+s2+$0x0] =	vst.idx.add.f32.msk $0xffff, v9  }
0x107: {  	[tilespmem:v1+s16+$0x0] =	vst.idx.add.f32.msk $0xffff, v6  }
0x108: {  	v3 =	vld.idx.msk [tilespmem:v3+s28+$0x0], $0xffff;
	v6 =	vunpack.i.l.bf16.f32 v2  }
0x109: {  	v9 =	vand.u32 $0xFFFF, v10;
	v2 =	vunpack.i.u.bf16.f32 v2;
	v6 =	vmul.f32 v6, v8  }
0x10a: {  	v2 =	vmul.f32 v2, v8  }
0x10b: {  	v13 =	vand.u32 $0xFFFF, v12;
	[tilespmem:v0+s17+$0x0] =	vst.idx.add.f32.msk $0xffff, v6  }
0x10c: {  	[tilespmem:v0+s18+$0x0] =	vst.idx.add.f32.msk $0xffff, v2  }
0x10d: {  	v0 =	vunpack.i.l.bf16.f32 v3;
	v2 =	vunpack.i.u.bf16.f32 v3;
	v3 =	vld [tilespmem:s31+$0xFFFFE0B0]  }
0x10e: {  	v14 =	vand.u32 $0xFFFF, v11;
	v6 =	vld.idx.msk [tilespmem:v9+s26+$0x0], $0xffff  }
0x10f: {  	v0 =	vmul.f32 v0, v5  }
0x110: {  	v17 =	vld.idx.msk [tilespmem:v13+s26+$0x0], $0xffff;
	v2 =	vmul.f32 v2, v5  }
0x111: {  	v15 =	vshra.s32 v10, $0x10;
	[tilespmem:v1+s17+$0x0] =	vst.idx.add.f32.msk $0xffff, v0  }
0x112: {  	[tilespmem:v1+s18+$0x0] =	vst.idx.add.f32.msk $0xffff, v2  }
0x113: {  	v4 =	vunpack.i.u.bf16.f32 v4;
	v5 =	vld.idx.msk [tilespmem:v14+s26+$0x0], $0xffff;
	v16 =	vand.u32 $0xFFFF, v3;
	v0 =	vunpack.i.l.bf16.f32 v6  }
0x114: {  	s1 =	simm.s32 $0x1D8B0;
	v8 =	vld [tilespmem:s31+$0xFFFFFFF0];
	v1 =	vunpack.i.u.bf16.f32 v6;
	v6 =	vmul.f32 v0, v4  }
0x115: {  	v2 =	vld [tilespmem:s1+$0x0];
	v1 =	vmul.f32 v1, v4  }
0x116: {  	v0 =	vshra.s32 v11, $0x10;
	[tilespmem:v15+s2+$0x0] =	vst.idx.add.f32.msk $0xffff, v6  }
0x117: {  	[tilespmem:v15+s16+$0x0] =	vst.idx.add.f32.msk $0xffff, v1  }
0x118: {  	v1 =	vunpack.i.u.bf16.f32 v7;
	v6 =	vunpack.i.l.bf16.f32 v5;
	v18 =	vld.idx.msk [tilespmem:v16+s26+$0x0], $0xffff  }
0x119: {  	v7 =	vshra.s32 v12, $0x10;
	v9 =	vld.idx.msk [tilespmem:v9+s28+$0x0], $0xffff;
	v6 =	vmul.f32 v6, v1  }
0x11a: {  	v5 =	vunpack.i.u.bf16.f32 v5;
	v12 =	vld [tilespmem:s1+$0xFFFFFFF0]  }
0x11b: {  	v11 =	vunpack.i.l.bf16.f32 v17;
	v10 =	vunpack.i.l.bf16.f32 v2;
	v5 =	vmul.f32 v5, v1;
	[tilespmem:v0+s2+$0x0] =	vst.idx.add.f32.msk $0xffff, v6  }
0x11c: {  	v17 =	vunpack.i.u.bf16.f32 v17;
	v11 =	vmul.f32 v11, v10;
	v6 =	vld [tilespmem:s31+$0x0]  }
0x11d: {  	v17 =	vmul.f32 v17, v10;
	[tilespmem:v0+s16+$0x0] =	vst.idx.add.f32.msk $0xffff, v5;
	v5 =	vshra.s32 v3, $0x10  }
0x11e: {  	[tilespmem:v7+s2+$0x0] =	vst.idx.add.f32.msk $0xffff, v11;
	v3 =	vunpack.i.l.bf16.f32 v9  }
0x11f: {  	v11 =	vunpack.i.l.bf16.f32 v12;
	[tilespmem:v7+s16+$0x0] =	vst.idx.add.f32.msk $0xffff, v17;
	v17 =	vunpack.i.l.bf16.f32 v18;
	v3 =	vmul.f32 v3, v4  }
0x120: {  	v9 =	vunpack.i.u.bf16.f32 v9;
	v19 =	vld.idx.msk [tilespmem:v13+s28+$0x0], $0xffff;
	v13 =	vmul.f32 v17, v11  }
0x121: {  	v4 =	vmul.f32 v9, v4;
	v9 =	vunpack.i.u.bf16.f32 v18;
	[tilespmem:v15+s17+$0x0] =	vst.idx.add.f32.msk $0xffff, v3  }
0x122: {  	v9 =	vmul.f32 v9, v11;
	[tilespmem:v5+s2+$0x0] =	vst.idx.add.f32.msk $0xffff, v13  }
0x123: {  	[tilespmem:v15+s18+$0x0] =	vst.idx.add.f32.msk $0xffff, v4  }
0x124: {  	v3 =	vshra.s32 v8, $0x10;
	[tilespmem:v5+s16+$0x0] =	vst.idx.add.f32.msk $0xffff, v9  }
0x125: {  	v4 =	vand.u32 $0xFFFF, v8;
	v9 =	vand.u32 $0xFFFF, v6;
	v13 =	vld.idx.msk [tilespmem:v16+s28+$0x0], $0xffff;
	v16 =	vunpack.i.l.bf16.f32 v19  }
0x126: {  	s6 =	simm.s32 $0x1B990;
	s5 =	simm.s32 $0x20;
	v8 =	vunpack.i.u.bf16.f32 v12;
	v12 =	vld.idx.msk [tilespmem:v14+s28+$0x0], $0xffff;
	v15 =	vunpack.i.u.bf16.f32 v19;
	v14 =	vmul.f32 v16, v10  }
.LBB2_8:
0x127: {  	v16 =	vld [tilespmem:s6+$0xFFFFE0C0];
	v10 =	vmul.f32 v15, v10  }
0x128: {  	[tilespmem:v7+s17+$0x0] =	vst.idx.add.f32.msk $0xffff, v14  }
0x129: {  	[tilespmem:v7+s18+$0x0] =	vst.idx.add.f32.msk $0xffff, v10  }
0x12a: {  	v7 =	vunpack.i.u.bf16.f32 v13;
	v10 =	vunpack.i.l.bf16.f32 v13;
	v13 =	vld.idx.msk [tilespmem:v9+s26+$0x0], $0xffff  }
0x12b: {  	v10 =	vmul.f32 v10, v11;
	v7 =	vmul.f32 v7, v11;
	v11 =	vunpack.i.u.bf16.f32 v12;
	v14 =	vld [tilespmem:s6+$0xFFFFE0B0]  }
0x12c: {  	s5 =	sadd.s32 $0x20, s5;
	v12 =	vunpack.i.l.bf16.f32 v12;
	v17 =	vmul.f32 v11, v1;
	v15 =	vld [tilespmem:s6+$0xFFFFFFF0]  }
0x12d: {  	p0 =	slt.u32 s5, $0x1F20;
	v18 =	vand.u32 $0xFFFF, v16;
	[tilespmem:v5+s17+$0x0] =	vst.idx.add.f32.msk $0xffff, v10;
	v10 =	vmul.f32 v12, v1;
	v1 =	vmov v8  }
0x12e: {  	v12 =	vshra.s32 v6, $0x10;
	[tilespmem:v5+s18+$0x0] =	vst.idx.add.f32.msk $0xffff, v7  }
0x12f: {  	v6 =	vld.idx.msk [tilespmem:v4+s26+$0x0], $0xffff  }
0x130: {  	s1 =	sadd.s32 $0x20, s1;
	v8 =	vunpack.i.u.bf16.f32 v2;
	v7 =	vunpack.i.l.bf16.f32 v13;
	v19 =	vand.u32 $0xFFFF, v14;
	[tilespmem:v0+s17+$0x0] =	vst.idx.add.f32.msk $0xffff, v10  }
0x131: {  	v5 =	vshra.s32 v14, $0x10;
	v10 =	vunpack.i.u.bf16.f32 v13;
	v7 =	vmul.f32 v7, v8;
	v2 =	vld [tilespmem:s1+$0x0]  }
0x132: {  	v20 =	vshra.s32 v15, $0x10;
	v14 =	vand.u32 $0xFFFF, v15;
	v10 =	vmul.f32 v10, v8;
	v11 =	vld.idx.msk [tilespmem:v18+s26+$0x0], $0xffff  }
0x133: {  	[tilespmem:v12+s2+$0x0] =	vst.idx.add.f32.msk $0xffff, v7  }
0x134: {  	[tilespmem:v12+s16+$0x0] =	vst.idx.add.f32.msk $0xffff, v10  }
0x135: {  	v10 =	vunpack.i.u.bf16.f32 v6;
	v6 =	vunpack.i.l.bf16.f32 v6;
	v9 =	vld.idx.msk [tilespmem:v9+s28+$0x0], $0xffff  }
0x136: {  	v7 =	vshra.s32 v16, $0x10;
	v6 =	vmul.f32 v6, v1;
	v15 =	vmul.f32 v10, v1;
	v13 =	vld.idx.msk [tilespmem:v19+s26+$0x0], $0xffff  }
0x137: {  	v16 =	vld [tilespmem:s1+$0xFFFFFFF0]  }
0x138: {  	v10 =	vunpack.i.l.bf16.f32 v2;
	v21 =	vunpack.i.l.bf16.f32 v11;
	[tilespmem:v3+s2+$0x0] =	vst.idx.add.f32.msk $0xffff, v6  }
0x139: {  	v11 =	vunpack.i.u.bf16.f32 v11;
	v21 =	vmul.f32 v21, v10;
	[tilespmem:v3+s16+$0x0] =	vst.idx.add.f32.msk $0xffff, v15  }
0x13a: {  	v11 =	vmul.f32 v11, v10;
	v6 =	vld [tilespmem:s6+$0x0]  }
0x13b: {  	v15 =	vunpack.i.l.bf16.f32 v9;
	[tilespmem:v7+s2+$0x0] =	vst.idx.add.f32.msk $0xffff, v21  }
0x13c: {  	v9 =	vunpack.i.u.bf16.f32 v9;
	v21 =	vunpack.i.u.bf16.f32 v13;
	v15 =	vmul.f32 v15, v8;
	[tilespmem:v7+s16+$0x0] =	vst.idx.add.f32.msk $0xffff, v11  }
0x13d: {  	v13 =	vunpack.i.l.bf16.f32 v13;
	v9 =	vmul.f32 v9, v8;
	v11 =	vunpack.i.l.bf16.f32 v16;
	v18 =	vld.idx.msk [tilespmem:v18+s28+$0x0], $0xffff  }
0x13e: {  	v8 =	vunpack.i.u.bf16.f32 v16;
	v13 =	vmul.f32 v13, v11;
	v16 =	vmul.f32 v21, v11;
	[tilespmem:v12+s17+$0x0] =	vst.idx.add.f32.msk $0xffff, v15  }
0x13f: {  	[tilespmem:v12+s18+$0x0] =	vst.idx.add.f32.msk $0xffff, v9  }
.Ltmp2:
0x140: {  	[tilespmem:v5+s2+$0x0] =	vst.idx.add.f32.msk $0xffff, v13;
	(pc) =	sbr.rel @p0 .LBB2_8-.Ltmp2, $4  }
0x141: {  	[tilespmem:v5+s16+$0x0] =	vst.idx.add.f32.msk $0xffff, v16  }
0x142: {  	v13 =	vld.idx.msk [tilespmem:v19+s28+$0x0], $0xffff  }
0x143: {  	v9 =	vand.u32 $0xFFFF, v6;
	v16 =	vunpack.i.l.bf16.f32 v18;
	v12 =	vld.idx.msk [tilespmem:v4+s28+$0x0], $0xffff;
	v4 =	vmov v14  }
0x144: {  	s6 =	sadd.s32 $0x20, s6;
	v15 =	vunpack.i.u.bf16.f32 v18;
	v14 =	vmul.f32 v16, v10;
	[tilespmem:v0+s18+$0x0] =	vst.idx.add.f32.msk $0xffff, v17;
	v0 =	vmovc v3;
	v3 =	vmov v20  }
0x145: {  	_ =	sdelay $0x2  }
0x146: {  	v10 =	vmul.f32 v15, v10  }
0x147: {  	[tilespmem:v7+s17+$0x0] =	vst.idx.add.f32.msk $0xffff, v14;
	v45 =	vunpack.i.l.bf16.f32 v13  }
0x148: {  	[tilespmem:v7+s18+$0x0] =	vst.idx.add.f32.msk $0xffff, v10;
	v46 =	vunpack.i.u.bf16.f32 v13;
	v47 =	vmul.f32 v45, v11  }
0x149: {  	v48 =	vld.idx.msk [tilespmem:v9+s26+$0x0], $0xffff;
	v7 =	vmul.f32 v46, v11  }
0x14a: {  	[tilespmem:v5+s17+$0x0] =	vst.idx.add.f32.msk $0xffff, v47  }
0x14b: {  	[tilespmem:v5+s18+$0x0] =	vst.idx.add.f32.msk $0xffff, v7  }
0x14c: {  	v49 =	vshra.s32 v6, $0x10;
	v50 =	vld.idx.msk [tilespmem:v4+s26+$0x0], $0xffff;
	_ =	sdelay $0x1  }
0x14d: {  	v2 =	vunpack.i.u.bf16.f32 v2;
	v51 =	vunpack.i.l.bf16.f32 v48  }
0x14e: {  	v52 =	vunpack.i.u.bf16.f32 v48;
	v7 =	vmul.f32 v51, v2  }
0x14f: {  	v10 =	vmul.f32 v52, v2  }
0x150: {  	[tilespmem:v49+s2+$0x0] =	vst.idx.add.f32.msk $0xffff, v7;
	v53 =	vunpack.i.l.bf16.f32 v50  }
0x151: {  	[tilespmem:v49+s16+$0x0] =	vst.idx.add.f32.msk $0xffff, v10;
	v6 =	vunpack.i.u.bf16.f32 v50;
	v7 =	vmul.f32 v53, v8  }
0x152: {  	v54 =	vld.idx.msk [tilespmem:v9+s28+$0x0], $0xffff;
	v6 =	vmul.f32 v6, v8  }
0x153: {  	[tilespmem:v3+s2+$0x0] =	vst.idx.add.f32.msk $0xffff, v7  }
0x154: {  	[tilespmem:v3+s16+$0x0] =	vst.idx.add.f32.msk $0xffff, v6  }
0x155: {  	v55 =	vld.idx.msk [tilespmem:v4+s28+$0x0], $0xffff  }
0x156: {  	v56 =	vunpack.i.l.bf16.f32 v12  }
0x157: {  	v58 =	vunpack.i.u.bf16.f32 v12;
	v6 =	vmul.f32 v56, v1  }
0x158: {  	s0 =	sadd.s32 $0x1, s0;
	v59 =	vmul.f32 v58, v1;
	v57 =	vunpack.i.l.bf16.f32 v54  }
0x159: {  	p0 =	sne.s32 s0, $0xA;
	v9 =	vunpack.i.u.bf16.f32 v54;
	[tilespmem:v0+s17+$0x0] =	vst.idx.add.f32.msk $0xffff, v6;
	v7 =	vmul.f32 v57, v2  }
.Ltmp3:
0x15a: {  	v2 =	vmul.f32 v9, v2;
	[tilespmem:v0+s18+$0x0] =	vst.idx.add.f32.msk $0xffff, v59;
	v60 =	vunpack.i.l.bf16.f32 v55;
	(pc) =	sbr.rel @p0 .LBB2_5-.Ltmp3, $4  }
0x15b: {  	[tilespmem:v49+s17+$0x0] =	vst.idx.add.f32.msk $0xffff, v7;
	v61 =	vunpack.i.u.bf16.f32 v55;
	v62 =	vmul.f32 v60, v8  }
0x15c: {  	[tilespmem:v49+s18+$0x0] =	vst.idx.add.f32.msk $0xffff, v2;
	v63 =	vmul.f32 v61, v8  }
0x15d: {  	[tilespmem:v3+s17+$0x0] =	vst.idx.add.f32.msk $0xffff, v62  }
0x15e: {  	[tilespmem:v3+s18+$0x0] =	vst.idx.add.f32.msk $0xffff, v63  }
0x15f: {  	s1 =	simm.s32 $0x10  }
0x160: {  	s7 =	simm.s32 $0x2790;
	v0 =	vld [tilespmem:s1+$0x0]  }
0x161: {  	v1 =	vld [tilespmem:s7+$0x0];
	_ =	sdelay $0x4  }
0x162: {  	s5 =	simm.s32 $0xED10;
	s12 =	simm.s32 $0x30;
	v2 =	vld [tilespmem:s1+$0xFFFFFFF0];
	v0 =	vpack.i.f32.bf16 v1, v0  }
0x163: {  	s9 =	simm.s32 $0x9E10;
	v3 =	vld [tilespmem:s12+$0x0];
	[tilespmem:s5+$0x0] =	vst v0  }
0x164: {  	s6 =	simm.s32 $0x27B0;
	v0 =	vld [tilespmem:s9+$0x0]  }
0x165: {  	v4 =	vld [tilespmem:s6+$0x0]  }
0x166: {  	v1 =	vld [tilespmem:s7+$0xFFFFFFF0]  }
0x167: {  	v5 =	vld [tilespmem:s6+$0xFFFFFFF0]  }
0x168: {  	v7 =	vld [tilespmem:s12+$0xFFFFFFF0]  }
0x169: {  	v6 =	vunpack.i.l.bf16.f32 v0  }
0x16a: {  	s19 =	simm.s32 $0x70;
	v0 =	vunpack.i.u.bf16.f32 v0;
	[tilespmem:s1+$0x0] =	vst v6  }
0x16b: {  	s8 =	simm.s32 $0x4F10;
	v9 =	vld [tilespmem:s19+$0xFFFFFFF0];
	v1 =	vpack.i.f32.bf16 v1, v2;
	[tilespmem:s7+$0x0] =	vst v0  }
0x16c: {  	s0 =	simm.s32 $0x7690;
	s10 =	simm.s32 $0xED30;
	[tilespmem:s5+$0xFFFFFFF0] =	vst v1;
	v0 =	vpack.i.f32.bf16 v4, v3;
	v3 =	vld [tilespmem:s8+$0x0]  }
0x16d: {  	s11 =	simm.s32 $0x9E30;
	v1 =	vpack.i.f32.bf16 v5, v7;
	[tilespmem:s10+$0x0] =	vst v0;
	v0 =	vld [tilespmem:s0+$0x0]  }
0x16e: {  	[tilespmem:s10+$0xFFFFFFF0] =	vst v1;
	v2 =	vld [tilespmem:s11+$0x0]  }
0x16f: {  	v1 =	vld [tilespmem:s11+$0xFFFFFFF0]  }
0x170: {  	v4 =	vld [tilespmem:s9+$0xFFFFFFF0];
	s11 =	simm.s32 $0x50  }
0x171: {  	s9 =	simm.s32 $0x27D0;
	v5 =	vld [tilespmem:s11+$0x0]  }
0x172: {  	s13 =	simm.s32 $0x11490;
	v0 =	vpack.i.f32.bf16 v0, v3;
	v3 =	vld [tilespmem:s9+$0x0]  }
0x173: {  	v7 =	vld [tilespmem:s11+$0xFFFFFFF0];
	[tilespmem:s13+$0x0] =	vst v0;
	v6 =	vunpack.i.l.bf16.f32 v2  }
0x174: {  	s10 =	simm.s32 $0xC590;
	v0 =	vld [tilespmem:s9+$0xFFFFFFF0];
	v2 =	vunpack.i.u.bf16.f32 v2;
	[tilespmem:s12+$0x0] =	vst v6  }
0x175: {  	s5 =	simm.s32 $0x4F30;
	v6 =	vunpack.i.l.bf16.f32 v4;
	v8 =	vld [tilespmem:s10+$0x0];
	[tilespmem:s6+$0x0] =	vst v2  }
0x176: {  	v2 =	vunpack.i.u.bf16.f32 v4;
	[tilespmem:s1+$0xFFFFFFF0] =	vst v6;
	s1 =	simm.s32 $0x76B0;
	v4 =	vld [tilespmem:s5+$0x0]  }
0x177: {  	s21 =	simm.s32 $0xED50;
	[tilespmem:s7+$0xFFFFFFF0] =	vst v2;
	v2 =	vld [tilespmem:s1+$0x0];
	v3 =	vpack.i.f32.bf16 v3, v5  }
0x178: {  	v6 =	vld [tilespmem:s8+$0xFFFFFFF0];
	v5 =	vunpack.i.l.bf16.f32 v1;
	[tilespmem:s21+$0x0] =	vst v3  }
0x179: {  	s14 =	simm.s32 $0x9E50;
	v3 =	vld [tilespmem:s0+$0xFFFFFFF0];
	v0 =	vpack.i.f32.bf16 v0, v7;
	[tilespmem:s12+$0xFFFFFFF0] =	vst v5  }
0x17a: {  	v1 =	vunpack.i.u.bf16.f32 v1;
	[tilespmem:s21+$0xFFFFFFF0] =	vst v0;
	v0 =	vld [tilespmem:s14+$0x0]  }
0x17b: {  	v5 =	vunpack.i.l.bf16.f32 v8;
	[tilespmem:s6+$0xFFFFFFF0] =	vst v1;
	v7 =	vld [tilespmem:s14+$0xFFFFFFF0]  }
0x17c: {  	s20 =	simm.s32 $0x114B0;
	[tilespmem:s8+$0x0] =	vst v5;
	v5 =	vld [tilespmem:s19+$0x0];
	s14 =	simm.s32 $0x27F0;
	v2 =	vpack.i.f32.bf16 v2, v4  }
0x17d: {  	v4 =	vunpack.i.u.bf16.f32 v8;
	v8 =	vld [tilespmem:s14+$0x0];
	[tilespmem:s20+$0x0] =	vst v2  }
0x17e: {  	s15 =	simm.s32 $0xC5B0;
	v1 =	vld [tilespmem:s14+$0xFFFFFFF0];
	[tilespmem:s0+$0x0] =	vst v4;
	v3 =	vpack.i.f32.bf16 v3, v6  }
0x17f: {  	v2 =	vld [tilespmem:s15+$0x0];
	v4 =	vunpack.i.l.bf16.f32 v0;
	[tilespmem:s13+$0xFFFFFFF0] =	vst v3  }
0x180: {  	v6 =	vld [tilespmem:s1+$0xFFFFFFF0];
	v0 =	vunpack.i.u.bf16.f32 v0;
	[tilespmem:s11+$0x0] =	vst v4  }
0x181: {  	s7 =	simm.s32 $0x4F50;
	v3 =	vunpack.i.l.bf16.f32 v7;
	[tilespmem:s9+$0x0] =	vst v0;
	v0 =	vld [tilespmem:s5+$0xFFFFFFF0]  }
0x182: {  	s6 =	simm.s32 $0x76D0;
	s13 =	simm.s32 $0xED70;
	v5 =	vpack.i.f32.bf16 v8, v5;
	[tilespmem:s11+$0xFFFFFFF0] =	vst v3;
	v4 =	vld [tilespmem:s7+$0x0]  }
0x183: {  	s21 =	simm.s32 $0x9E70;
	v1 =	vpack.i.f32.bf16 v1, v9;
	v3 =	vld [tilespmem:s6+$0x0];
	[tilespmem:s13+$0x0] =	vst v5  }
0x184: {  	[tilespmem:s13+$0xFFFFFFF0] =	vst v1;
	s13 =	simm.s32 $0x2810;
	v1 =	vld [tilespmem:s21+$0x0]  }
0x185: {  	v5 =	vunpack.i.l.bf16.f32 v2;
	v62 =	vld [tilespmem:s13+$0xFFFFFFF0]  }
0x186: {  	v2 =	vunpack.i.u.bf16.f32 v2;
	[tilespmem:s5+$0x0] =	vst v5;
	v5 =	vld [tilespmem:s10+$0xFFFFFFF0]  }
0x187: {  	v7 =	vunpack.i.u.bf16.f32 v7;
	s10 =	simm.s32 $0x90;
	[tilespmem:s1+$0x0] =	vst v2;
	v2 =	vld [tilespmem:s21+$0xFFFFFFF0]  }
0x188: {  	s11 =	simm.s32 $0x114D0;
	[tilespmem:s9+$0xFFFFFFF0] =	vst v7;
	v7 =	vld [tilespmem:s10+$0x0];
	v3 =	vpack.i.f32.bf16 v3, v4  }
0x189: {  	s12 =	simm.s32 $0xC5D0;
	v0 =	vpack.i.f32.bf16 v6, v0;
	v4 =	vld [tilespmem:s13+$0x0];
	[tilespmem:s11+$0x0] =	vst v3  }
0x18a: {  	[tilespmem:s20+$0xFFFFFFF0] =	vst v0;
	v3 =	vunpack.i.l.bf16.f32 v1;
	v8 =	vld [tilespmem:s12+$0x0]  }
0x18b: {  	v10 =	vld [tilespmem:s10+$0xFFFFFFF0];
	v0 =	vunpack.i.l.bf16.f32 v5;
	[tilespmem:s19+$0x0] =	vst v3  }
0x18c: {  	[tilespmem:s8+$0xFFFFFFF0] =	vst v0;
	v0 =	vunpack.i.u.bf16.f32 v1  }
0x18d: {  	v1 =	vunpack.i.l.bf16.f32 v2;
	s8 =	simm.s32 $0x4F70;
	[tilespmem:s14+$0x0] =	vst v0;
	v0 =	vld [tilespmem:s7+$0xFFFFFFF0]  }
0x18e: {  	s30 =	simm.s32 $0xED90;
	s9 =	simm.s32 $0x76F0;
	[tilespmem:s19+$0xFFFFFFF0] =	vst v1;
	v3 =	vpack.i.f32.bf16 v4, v7;
	v4 =	vld [tilespmem:s8+$0x0]  }
0x18f: {  	v6 =	vld [tilespmem:s9+$0x0];
	[tilespmem:s30+$0x0] =	vst v3;
	v1 =	vunpack.i.l.bf16.f32 v8  }
0x190: {  	v3 =	vld [tilespmem:s6+$0xFFFFFFF0];
	v7 =	vunpack.i.u.bf16.f32 v8;
	v8 =	vpack.i.f32.bf16 v62, v10;
	[tilespmem:s7+$0x0] =	vst v1  }
0x191: {  	s19 =	simm.s32 $0x9E90;
	v1 =	vld [tilespmem:s15+$0xFFFFFFF0];
	[tilespmem:s30+$0xFFFFFFF0] =	vst v8  }
0x192: {  	s31 =	simm.s32 $0x2810;
	s21 =	simm.s32 $0xB0;
	v63 =	vunpack.i.u.bf16.f32 v2;
	[tilespmem:s6+$0x0] =	vst v7;
	v7 =	vld [tilespmem:s19+$0x0]  }
0x193: {  	s20 =	simm.s32 $0x80;
	v2 =	vunpack.i.u.bf16.f32 v5;
	[tilespmem:s14+$0xFFFFFFF0] =	vst v63;
	s14 =	simm.s32 $0xC5D0;
	s15 =	simm.s32 $0x114D0;
	v5 =	vld [tilespmem:s19+$0xFFFFFFF0]  }
.LBB2_11:
0x194: {  	v8 =	vld [tilespmem:s21+$0x0];
	s13 =	sadd.s32 $0x20, s13;
	v4 =	vpack.i.f32.bf16 v6, v4;
	s11 =	sadd.s32 $0x20, s11;
	[tilespmem:s0+$0xFFFFFFF0] =	vst v2;
	s0 =	smov.u32 s1  }
0x195: {  	s12 =	sadd.s32 $0x20, s12;
	s1 =	smov.u32 s6;
	s6 =	smov.u32 s9;
	v6 =	vld [tilespmem:s13+$0x0];
	[tilespmem:s11+$0x0] =	vst v4;
	v0 =	vpack.i.f32.bf16 v3, v0  }
0x196: {  	v9 =	vld [tilespmem:s12+$0x0];
	[tilespmem:s15+$0xFFFFFFF0] =	vst v0;
	v2 =	vunpack.i.u.bf16.f32 v1;
	v0 =	vunpack.i.l.bf16.f32 v1;
	s15 =	smov.u32 s11  }
0x197: {  	v1 =	vld [tilespmem:s13+$0xFFFFFFF0];
	v3 =	vunpack.i.l.bf16.f32 v7;
	[tilespmem:s5+$0xFFFFFFF0] =	vst v0;
	s5 =	smov.u32 s7;
	s7 =	smov.u32 s8  }
0x198: {  	v0 =	vunpack.i.u.bf16.f32 v7;
	v10 =	vld [tilespmem:s21+$0xFFFFFFF0];
	v11 =	vunpack.i.u.bf16.f32 v5;
	v4 =	vunpack.i.l.bf16.f32 v5;
	[tilespmem:s10+$0x0] =	vst v3  }
0x199: {  	s20 =	sadd.s32 $0x20, s20;
	s8 =	sadd.s32 $0x20, s8;
	[tilespmem:s31+$0x0] =	vst v0;
	v0 =	vld [tilespmem:s7+$0xFFFFFFF0]  }
0x19a: {  	s30 =	sadd.s32 $0x20, s30;
	s9 =	sadd.s32 $0x20, s9;
	p0 =	slt.u32 s20, $0x26E0;
	v3 =	vpack.i.f32.bf16 v6, v8;
	[tilespmem:s10+$0xFFFFFFF0] =	vst v4;
	v4 =	vld [tilespmem:s8+$0x0]  }
.Ltmp4:
0x19b: {  	s10 =	smov.u32 s21;
	[tilespmem:s30+$0x0] =	vst v3;
	v6 =	vld [tilespmem:s9+$0x0];
	v5 =	vunpack.i.l.bf16.f32 v9;
	(pc) =	sbr.rel @p0 .LBB2_11-.Ltmp4, $4  }
0x19c: {  	v7 =	vunpack.i.u.bf16.f32 v9;
	v3 =	vld [tilespmem:s6+$0xFFFFFFF0];
	[tilespmem:s7+$0x0] =	vst v5  }
0x19d: {  	s19 =	sadd.s32 $0x20, s19;
	v5 =	vpack.i.f32.bf16 v1, v10;
	[tilespmem:s6+$0x0] =	vst v7;
	v1 =	vld [tilespmem:s14+$0xFFFFFFF0];
	s14 =	smov.u32 s12  }
0x19e: {  	[tilespmem:s30+$0xFFFFFFF0] =	vst v5;
	v7 =	vld [tilespmem:s19+$0x0]  }
0x19f: {  	s21 =	sadd.s32 $0x20, s21;
	v5 =	vld [tilespmem:s19+$0xFFFFFFF0];
	[tilespmem:s31+$0xFFFFFFF0] =	vst v11;
	s31 =	smov.u32 s13  }
0x1a0: {  	_ =	sdelay $0x1  }
0x1a1: {  	v4 =	vpack.i.f32.bf16 v6, v4;
	s11 =	sadd.s32 $0x20, s11;
	[tilespmem:s0+$0xFFFFFFF0] =	vst v2  }
0x1a2: {  	v38 =	vld [tilespmem:s8+$0xFFFFFFF0];
	[tilespmem:s11+$0x0] =	vst v4;
	v8 =	vunpack.i.l.bf16.f32 v7  }
0x1a3: {  	s12 =	sadd.s32 $0x20, s12;
	v39 =	vld [tilespmem:s9+$0xFFFFFFF0];
	v32 =	vunpack.i.u.bf16.f32 v7;
	[tilespmem:s10+$0x0] =	vst v8  }
0x1a4: {  	s13 =	sadd.s32 $0x20, s8;
	v35 =	vld [tilespmem:s12+$0x0];
	v36 =	vunpack.i.l.bf16.f32 v5;
	[tilespmem:s31+$0x0] =	vst v32  }
0x1a5: {  	s19 =	sadd.s32 $0x20, s9;
	v37 =	vunpack.i.u.bf16.f32 v5;
	[tilespmem:s10+$0xFFFFFFF0] =	vst v36;
	v33 =	vld [tilespmem:s13+$0x0]  }
0x1a6: {  	v0 =	vpack.i.f32.bf16 v3, v0;
	v34 =	vld [tilespmem:s19+$0x0];
	[tilespmem:s31+$0xFFFFFFF0] =	vst v37  }
0x1a7: {  	[tilespmem:s15+$0xFFFFFFF0] =	vst v0;
	v40 =	vunpack.i.l.bf16.f32 v1;
	v5 =	vld [tilespmem:s13+$0xFFFFFFF0]  }
0x1a8: {  	v47 =	vunpack.i.u.bf16.f32 v1;
	[tilespmem:s5+$0xFFFFFFF0] =	vst v40;
	v42 =	vld [tilespmem:s19+$0xFFFFFFF0]  }
0x1a9: {  	v44 =	vld [tilespmem:s14+$0xFFFFFFF0];
	[tilespmem:s1+$0xFFFFFFF0] =	vst v47;
	v46 =	vpack.i.f32.bf16 v39, v38  }
0x1aa: {  	[tilespmem:s11+$0xFFFFFFF0] =	vst v46;
	v43 =	vunpack.i.l.bf16.f32 v35  }
0x1ab: {  	s30 =	sadd.s32 $0x20, s11;
	v48 =	vld [tilespmem:s12+$0xFFFFFFF0];
	[tilespmem:s8+$0x0] =	vst v43;
	v41 =	vpack.i.f32.bf16 v34, v33  }
0x1ac: {  	s31 =	sadd.s32 $0x20, s12;
	v2 =	vunpack.i.u.bf16.f32 v35;
	[tilespmem:s30+$0x0] =	vst v41  }
0x1ad: {  	[tilespmem:s9+$0x0] =	vst v2;
	v49 =	vpack.i.f32.bf16 v42, v5;
	v45 =	vld [tilespmem:s31+$0x0]  }
0x1ae: {  	v50 =	vunpack.i.l.bf16.f32 v44;
	[tilespmem:s30+$0xFFFFFFF0] =	vst v49  }
0x1af: {  	v0 =	vunpack.i.u.bf16.f32 v44;
	[tilespmem:s7+$0xFFFFFFF0] =	vst v50;
	v52 =	vld [tilespmem:s31+$0xFFFFFFF0]  }
0x1b0: {  	[tilespmem:s6+$0xFFFFFFF0] =	vst v0;
	v54 =	vunpack.i.l.bf16.f32 v48  }
0x1b1: {  	v1 =	vunpack.i.u.bf16.f32 v48;
	[tilespmem:s8+$0xFFFFFFF0] =	vst v54  }
0x1b2: {  	[tilespmem:s9+$0xFFFFFFF0] =	vst v1;
	v51 =	vunpack.i.l.bf16.f32 v45  }
0x1b3: {  	v53 =	vunpack.i.u.bf16.f32 v45;
	[tilespmem:s13+$0x0] =	vst v51  }
0x1b4: {  	v55 =	vunpack.i.l.bf16.f32 v52;
	[tilespmem:s19+$0x0] =	vst v53  }
0x1b5: {  	v56 =	vunpack.i.u.bf16.f32 v52;
	[tilespmem:s13+$0xFFFFFFF0] =	vst v55  }
0x1b6: {  	[tilespmem:s19+$0xFFFFFFF0] =	vst v56  }
0x1b7: {  	v0 =	vld [tilespmem:$0x2700]  }
0x1b8: {  	v1 =	vld [tilespmem:$0x4E80]  }
0x1b9: {  	v2 =	vld [tilespmem:$0xC500]  }
0x1ba: {  	v57 =	vld [tilespmem:$0x7600]  }
0x1bb: {  	v4 =	vld [tilespmem:$0x9D80]  }
0x1bc: {  	v58 =	vld [tilespmem:$0xEC80];
	s1 =	rddreg [dreg:$0xe]  }
0x1bd: {  	s1 =	sadd.s32 $0x1, s1;
	v0 =	vpack.i.f32.bf16 v1, v0  }
0x1be: {  	p0 =	sne.s32 s1, $0x9;
	v59 =	vunpack.i.l.bf16.f32 v2;
	[tilespmem:$0x11400] =	vst v0  }
.Ltmp5:
0x1bf: {  	v60 =	vunpack.i.u.bf16.f32 v2;
	[tilespmem:$0x2700] =	vst v59;
	(pc) =	sbr.rel @p0 .LBB2_4-.Ltmp5, $4  }
0x1c0: {  	v61 =	vpack.i.f32.bf16 v4, v57;
	[tilespmem:$0x4E80] =	vst v60  }
0x1c1: {  	v62 =	vunpack.i.l.bf16.f32 v58;
	[tilespmem:$0x13B80] =	vst v61  }
0x1c2: {  	v63 =	vunpack.i.u.bf16.f32 v58;
	[tilespmem:$0x7600] =	vst v62  }
0x1c3: {  	s15 =	simm.s32 $0x15B40;
	s14 =	simm.s32 $0x13C00;
	s19 =	simm.s32 $0x17A80;
	[tilespmem:$0x9D80] =	vst v63  }
0x1c4: {  	s31 =	simm.s32 $0x0  }
.LBB2_14:
0x1c5: {  	_ =	swait.ge [sflag:s22], $0x1F40  }
0x1c6: {  	[sflag:s22] =	ssyncset.done $0x0  }
0x1c7: {  	[sflag:s22] =	ssyncadd.s32 $0xFFFFE0C0  }
0x1c8: {  	_ =	swait.ge [sflag:s22], $0x1F40  }
0x1c9: {  	s0 =	smul.u32 $0x3E80, s31;
	[sflag:s22] =	ssyncset.done $0x0  }
0x1ca: {  	[sflag:s22] =	ssyncadd.s32 $0xFFFFE0C0  }
0x1cb: {  	s0 =	sshrl.u32 s0, $0x3;
	_ =	swait.ge [sflag:s22], $0x1F40  }
0x1cc: {  	s1 =	sadd.s32 $0x3E8, s0;
	[sflag:s22] =	ssyncset.done $0x0  }
0x1cd: {  	s0 =	sadd.s32 s3, s0;
	s5 =	sadd.s32 s3, s1;
	[sflag:s22] =	ssyncadd.s32 $0xFFFFE0C0  }
0x1ce: {  	[tilespmem:s23], [sflag:$0x2] =	stream.linear.gather [hbm4b:s5+s2], $0x1F40, $0x38;
	[tilespmem:$0x1F800] =	vst v63  }
0x1cf: {  	s0 =	sadd.s32 $0x5208, s0  }
0x1d0: {  	[tilespmem:s24], [sflag:$0x2] =	stream.linear.gather [hbm4b:s0+s2], $0x1F40, $0x38;
	[tilespmem:$0x1F800] =	vst v63  }
0x1d1: {  	s20 =	simm.s32 $0x15B50;
	s13 =	sadd.s32 s4, s1  }
0x1d2: {  	[tilespmem:s25], [sflag:$0x2] =	stream.linear.gather [hbm4b:s13+s2], $0x1F40, $0x38;
	[tilespmem:$0x1F800] =	vst v63  }
0x1d3: {  	v0 =	vld [tilespmem:s20+$0xFFFFE0C0];
	_ =	sdelay $0x4  }
0x1d4: {  	v1 =	vld [tilespmem:s20+$0xFFFFE0B0];
	v2 =	vand.u32 $0xFFFF, v0;
	_ =	sdelay $0x2  }
0x1d5: {  	s21 =	simm.s32 $0x17A90  }
0x1d6: {  	v4 =	vld [tilespmem:s21+$0x0]  }
0x1d7: {  	v3 =	vand.u32 $0xFFFF, v1;
	v5 =	vld.idx.msk [tilespmem:v2+s26+$0x0], $0xffff;
	_ =	sdelay $0x2  }
0x1d8: {  	v0 =	vshra.s32 v0, $0x10  }
0x1d9: {  	v7 =	vld [tilespmem:s21+$0xFFFFFFF0]  }
0x1da: {  	v8 =	vunpack.i.l.bf16.f32 v4;
	v6 =	vld.idx.msk [tilespmem:v3+s26+$0x0], $0xffff;
	v9 =	vunpack.i.l.bf16.f32 v5  }
0x1db: {  	v5 =	vunpack.i.u.bf16.f32 v5;
	v9 =	vmul.f32 v9, v8  }
0x1dc: {  	v10 =	vld [tilespmem:s20+$0x0];
	v5 =	vmul.f32 v5, v8  }
0x1dd: {  	v1 =	vshra.s32 v1, $0x10;
	[tilespmem:v0+s2+$0x0] =	vst.idx.add.f32.msk $0xffff, v9  }
0x1de: {  	[tilespmem:v0+s16+$0x0] =	vst.idx.add.f32.msk $0xffff, v5  }
0x1df: {  	v9 =	vunpack.i.l.bf16.f32 v6;
	v5 =	vunpack.i.l.bf16.f32 v7;
	v2 =	vld.idx.msk [tilespmem:v2+s28+$0x0], $0xffff  }
0x1e0: {  	s30 =	simm.s32 $0x15B70;
	v11 =	vld [tilespmem:s20+$0xFFFFFFF0];
	v6 =	vunpack.i.u.bf16.f32 v6;
	v9 =	vmul.f32 v9, v5  }
0x1e1: {  	v12 =	vld [tilespmem:s30+$0xFFFFE0C0];
	v6 =	vmul.f32 v6, v5  }
0x1e2: {  	[tilespmem:v1+s2+$0x0] =	vst.idx.add.f32.msk $0xffff, v9  }
0x1e3: {  	[tilespmem:v1+s16+$0x0] =	vst.idx.add.f32.msk $0xffff, v6  }
0x1e4: {  	v3 =	vld.idx.msk [tilespmem:v3+s28+$0x0], $0xffff;
	v6 =	vunpack.i.l.bf16.f32 v2  }
0x1e5: {  	v9 =	vand.u32 $0xFFFF, v10;
	v2 =	vunpack.i.u.bf16.f32 v2;
	v6 =	vmul.f32 v6, v8  }
0x1e6: {  	v2 =	vmul.f32 v2, v8  }
0x1e7: {  	v13 =	vand.u32 $0xFFFF, v12;
	[tilespmem:v0+s17+$0x0] =	vst.idx.add.f32.msk $0xffff, v6  }
0x1e8: {  	[tilespmem:v0+s18+$0x0] =	vst.idx.add.f32.msk $0xffff, v2  }
0x1e9: {  	v0 =	vunpack.i.l.bf16.f32 v3;
	v2 =	vunpack.i.u.bf16.f32 v3;
	v3 =	vld [tilespmem:s30+$0xFFFFE0B0]  }
0x1ea: {  	v14 =	vand.u32 $0xFFFF, v11;
	v6 =	vld.idx.msk [tilespmem:v9+s26+$0x0], $0xffff  }
0x1eb: {  	v0 =	vmul.f32 v0, v5  }
0x1ec: {  	v17 =	vld.idx.msk [tilespmem:v13+s26+$0x0], $0xffff;
	v2 =	vmul.f32 v2, v5  }
0x1ed: {  	v15 =	vshra.s32 v10, $0x10;
	[tilespmem:v1+s17+$0x0] =	vst.idx.add.f32.msk $0xffff, v0  }
0x1ee: {  	[tilespmem:v1+s18+$0x0] =	vst.idx.add.f32.msk $0xffff, v2  }
0x1ef: {  	v4 =	vunpack.i.u.bf16.f32 v4;
	v5 =	vld.idx.msk [tilespmem:v14+s26+$0x0], $0xffff;
	v16 =	vand.u32 $0xFFFF, v3;
	v0 =	vunpack.i.l.bf16.f32 v6  }
0x1f0: {  	s0 =	simm.s32 $0x17AB0;
	v8 =	vld [tilespmem:s30+$0xFFFFFFF0];
	v1 =	vunpack.i.u.bf16.f32 v6;
	v6 =	vmul.f32 v0, v4  }
0x1f1: {  	v2 =	vld [tilespmem:s0+$0x0];
	v1 =	vmul.f32 v1, v4  }
0x1f2: {  	v0 =	vshra.s32 v11, $0x10;
	[tilespmem:v15+s2+$0x0] =	vst.idx.add.f32.msk $0xffff, v6  }
0x1f3: {  	[tilespmem:v15+s16+$0x0] =	vst.idx.add.f32.msk $0xffff, v1  }
0x1f4: {  	v1 =	vunpack.i.u.bf16.f32 v7;
	v6 =	vunpack.i.l.bf16.f32 v5;
	v18 =	vld.idx.msk [tilespmem:v16+s26+$0x0], $0xffff  }
0x1f5: {  	v7 =	vshra.s32 v12, $0x10;
	v9 =	vld.idx.msk [tilespmem:v9+s28+$0x0], $0xffff;
	v6 =	vmul.f32 v6, v1  }
0x1f6: {  	v5 =	vunpack.i.u.bf16.f32 v5;
	v12 =	vld [tilespmem:s0+$0xFFFFFFF0]  }
0x1f7: {  	v11 =	vunpack.i.l.bf16.f32 v17;
	v10 =	vunpack.i.l.bf16.f32 v2;
	v5 =	vmul.f32 v5, v1;
	[tilespmem:v0+s2+$0x0] =	vst.idx.add.f32.msk $0xffff, v6  }
0x1f8: {  	v17 =	vunpack.i.u.bf16.f32 v17;
	v11 =	vmul.f32 v11, v10;
	v6 =	vld [tilespmem:s30+$0x0]  }
0x1f9: {  	v17 =	vmul.f32 v17, v10;
	[tilespmem:v0+s16+$0x0] =	vst.idx.add.f32.msk $0xffff, v5;
	v5 =	vshra.s32 v3, $0x10  }
0x1fa: {  	[tilespmem:v7+s2+$0x0] =	vst.idx.add.f32.msk $0xffff, v11;
	v3 =	vunpack.i.l.bf16.f32 v9  }
0x1fb: {  	v11 =	vunpack.i.l.bf16.f32 v12;
	[tilespmem:v7+s16+$0x0] =	vst.idx.add.f32.msk $0xffff, v17;
	v17 =	vunpack.i.l.bf16.f32 v18;
	v3 =	vmul.f32 v3, v4  }
0x1fc: {  	v9 =	vunpack.i.u.bf16.f32 v9;
	v19 =	vld.idx.msk [tilespmem:v13+s28+$0x0], $0xffff;
	v13 =	vmul.f32 v17, v11  }
0x1fd: {  	v4 =	vmul.f32 v9, v4;
	v9 =	vunpack.i.u.bf16.f32 v18;
	[tilespmem:v15+s17+$0x0] =	vst.idx.add.f32.msk $0xffff, v3  }
0x1fe: {  	v9 =	vmul.f32 v9, v11;
	[tilespmem:v5+s2+$0x0] =	vst.idx.add.f32.msk $0xffff, v13  }
0x1ff: {  	[tilespmem:v15+s18+$0x0] =	vst.idx.add.f32.msk $0xffff, v4  }
0x200: {  	v3 =	vshra.s32 v8, $0x10;
	[tilespmem:v5+s16+$0x0] =	vst.idx.add.f32.msk $0xffff, v9  }
0x201: {  	v4 =	vand.u32 $0xFFFF, v8;
	v9 =	vand.u32 $0xFFFF, v6;
	v13 =	vld.idx.msk [tilespmem:v16+s28+$0x0], $0xffff;
	v16 =	vunpack.i.l.bf16.f32 v19  }
0x202: {  	s1 =	simm.s32 $0x20;
	s5 =	simm.s32 $0x15B90;
	v8 =	vunpack.i.u.bf16.f32 v12;
	v12 =	vld.idx.msk [tilespmem:v14+s28+$0x0], $0xffff;
	v15 =	vunpack.i.u.bf16.f32 v19;
	v14 =	vmul.f32 v16, v10  }
.LBB2_15:
0x203: {  	v16 =	vld [tilespmem:s5+$0xFFFFE0C0];
	v10 =	vmul.f32 v15, v10  }
0x204: {  	[tilespmem:v7+s17+$0x0] =	vst.idx.add.f32.msk $0xffff, v14  }
0x205: {  	[tilespmem:v7+s18+$0x0] =	vst.idx.add.f32.msk $0xffff, v10  }
0x206: {  	v7 =	vunpack.i.u.bf16.f32 v13;
	v10 =	vunpack.i.l.bf16.f32 v13;
	v13 =	vld.idx.msk [tilespmem:v9+s26+$0x0], $0xffff  }
0x207: {  	v10 =	vmul.f32 v10, v11;
	v7 =	vmul.f32 v7, v11;
	v11 =	vunpack.i.u.bf16.f32 v12;
	v14 =	vld [tilespmem:s5+$0xFFFFE0B0]  }
0x208: {  	s1 =	sadd.s32 $0x20, s1;
	v12 =	vunpack.i.l.bf16.f32 v12;
	v17 =	vmul.f32 v11, v1;
	v15 =	vld [tilespmem:s5+$0xFFFFFFF0]  }
0x209: {  	p0 =	slt.u32 s1, $0x1F20;
	v18 =	vand.u32 $0xFFFF, v16;
	[tilespmem:v5+s17+$0x0] =	vst.idx.add.f32.msk $0xffff, v10;
	v10 =	vmul.f32 v12, v1;
	v1 =	vmov v8  }
0x20a: {  	v12 =	vshra.s32 v6, $0x10;
	[tilespmem:v5+s18+$0x0] =	vst.idx.add.f32.msk $0xffff, v7  }
0x20b: {  	v6 =	vld.idx.msk [tilespmem:v4+s26+$0x0], $0xffff  }
0x20c: {  	s0 =	sadd.s32 $0x20, s0;
	v8 =	vunpack.i.u.bf16.f32 v2;
	v7 =	vunpack.i.l.bf16.f32 v13;
	v19 =	vand.u32 $0xFFFF, v14;
	[tilespmem:v0+s17+$0x0] =	vst.idx.add.f32.msk $0xffff, v10  }
0x20d: {  	v5 =	vshra.s32 v14, $0x10;
	v10 =	vunpack.i.u.bf16.f32 v13;
	v7 =	vmul.f32 v7, v8;
	v2 =	vld [tilespmem:s0+$0x0]  }
0x20e: {  	v20 =	vshra.s32 v15, $0x10;
	v14 =	vand.u32 $0xFFFF, v15;
	v10 =	vmul.f32 v10, v8;
	v11 =	vld.idx.msk [tilespmem:v18+s26+$0x0], $0xffff  }
0x20f: {  	[tilespmem:v12+s2+$0x0] =	vst.idx.add.f32.msk $0xffff, v7  }
0x210: {  	[tilespmem:v12+s16+$0x0] =	vst.idx.add.f32.msk $0xffff, v10  }
0x211: {  	v10 =	vunpack.i.u.bf16.f32 v6;
	v6 =	vunpack.i.l.bf16.f32 v6;
	v9 =	vld.idx.msk [tilespmem:v9+s28+$0x0], $0xffff  }
0x212: {  	v7 =	vshra.s32 v16, $0x10;
	v6 =	vmul.f32 v6, v1;
	v15 =	vmul.f32 v10, v1;
	v13 =	vld.idx.msk [tilespmem:v19+s26+$0x0], $0xffff  }
0x213: {  	v16 =	vld [tilespmem:s0+$0xFFFFFFF0]  }
0x214: {  	v10 =	vunpack.i.l.bf16.f32 v2;
	v21 =	vunpack.i.l.bf16.f32 v11;
	[tilespmem:v3+s2+$0x0] =	vst.idx.add.f32.msk $0xffff, v6  }
0x215: {  	v11 =	vunpack.i.u.bf16.f32 v11;
	v21 =	vmul.f32 v21, v10;
	[tilespmem:v3+s16+$0x0] =	vst.idx.add.f32.msk $0xffff, v15  }
0x216: {  	v11 =	vmul.f32 v11, v10;
	v6 =	vld [tilespmem:s5+$0x0]  }
0x217: {  	v15 =	vunpack.i.l.bf16.f32 v9;
	[tilespmem:v7+s2+$0x0] =	vst.idx.add.f32.msk $0xffff, v21  }
0x218: {  	v9 =	vunpack.i.u.bf16.f32 v9;
	v21 =	vunpack.i.u.bf16.f32 v13;
	v15 =	vmul.f32 v15, v8;
	[tilespmem:v7+s16+$0x0] =	vst.idx.add.f32.msk $0xffff, v11  }
0x219: {  	v13 =	vunpack.i.l.bf16.f32 v13;
	v9 =	vmul.f32 v9, v8;
	v11 =	vunpack.i.l.bf16.f32 v16;
	v18 =	vld.idx.msk [tilespmem:v18+s28+$0x0], $0xffff  }
0x21a: {  	v8 =	vunpack.i.u.bf16.f32 v16;
	v13 =	vmul.f32 v13, v11;
	v16 =	vmul.f32 v21, v11;
	[tilespmem:v12+s17+$0x0] =	vst.idx.add.f32.msk $0xffff, v15  }
0x21b: {  	[tilespmem:v12+s18+$0x0] =	vst.idx.add.f32.msk $0xffff, v9  }
.Ltmp6:
0x21c: {  	[tilespmem:v5+s2+$0x0] =	vst.idx.add.f32.msk $0xffff, v13;
	(pc) =	sbr.rel @p0 .LBB2_15-.Ltmp6, $4  }
0x21d: {  	[tilespmem:v5+s16+$0x0] =	vst.idx.add.f32.msk $0xffff, v16  }
0x21e: {  	v13 =	vld.idx.msk [tilespmem:v19+s28+$0x0], $0xffff  }
0x21f: {  	v9 =	vand.u32 $0xFFFF, v6;
	v16 =	vunpack.i.l.bf16.f32 v18;
	v12 =	vld.idx.msk [tilespmem:v4+s28+$0x0], $0xffff;
	v4 =	vmov v14  }
0x220: {  	s5 =	sadd.s32 $0x20, s5;
	v15 =	vunpack.i.u.bf16.f32 v18;
	v14 =	vmul.f32 v16, v10;
	[tilespmem:v0+s18+$0x0] =	vst.idx.add.f32.msk $0xffff, v17;
	v0 =	vmovc v3;
	v3 =	vmov v20  }
0x221: {  	_ =	sdelay $0x2  }
0x222: {  	v10 =	vmul.f32 v15, v10  }
0x223: {  	[tilespmem:v7+s17+$0x0] =	vst.idx.add.f32.msk $0xffff, v14;
	v14 =	vunpack.i.l.bf16.f32 v13  }
0x224: {  	[tilespmem:v7+s18+$0x0] =	vst.idx.add.f32.msk $0xffff, v10;
	v7 =	vunpack.i.u.bf16.f32 v13;
	v10 =	vmul.f32 v14, v11  }
0x225: {  	v13 =	vld.idx.msk [tilespmem:v9+s26+$0x0], $0xffff;
	v7 =	vmul.f32 v7, v11  }
0x226: {  	[tilespmem:v5+s17+$0x0] =	vst.idx.add.f32.msk $0xffff, v10  }
0x227: {  	[tilespmem:v5+s18+$0x0] =	vst.idx.add.f32.msk $0xffff, v7  }
0x228: {  	v5 =	vshra.s32 v6, $0x10;
	v6 =	vld.idx.msk [tilespmem:v4+s26+$0x0], $0xffff;
	_ =	sdelay $0x1  }
0x229: {  	v2 =	vunpack.i.u.bf16.f32 v2;
	v7 =	vunpack.i.l.bf16.f32 v13  }
0x22a: {  	v10 =	vunpack.i.u.bf16.f32 v13;
	v7 =	vmul.f32 v7, v2  }
0x22b: {  	v10 =	vmul.f32 v10, v2  }
0x22c: {  	[tilespmem:v5+s2+$0x0] =	vst.idx.add.f32.msk $0xffff, v7;
	v7 =	vunpack.i.l.bf16.f32 v6  }
0x22d: {  	[tilespmem:v5+s16+$0x0] =	vst.idx.add.f32.msk $0xffff, v10;
	v6 =	vunpack.i.u.bf16.f32 v6;
	v7 =	vmul.f32 v7, v8  }
0x22e: {  	v9 =	vld.idx.msk [tilespmem:v9+s28+$0x0], $0xffff;
	v6 =	vmul.f32 v6, v8  }
0x22f: {  	[tilespmem:v3+s2+$0x0] =	vst.idx.add.f32.msk $0xffff, v7  }
0x230: {  	[tilespmem:v3+s16+$0x0] =	vst.idx.add.f32.msk $0xffff, v6  }
0x231: {  	v4 =	vld.idx.msk [tilespmem:v4+s28+$0x0], $0xffff  }
0x232: {  	v6 =	vunpack.i.l.bf16.f32 v12  }
0x233: {  	v6 =	vmul.f32 v6, v1;
	v7 =	vunpack.i.l.bf16.f32 v9  }
0x234: {  	v9 =	vunpack.i.u.bf16.f32 v9;
	v7 =	vmul.f32 v7, v2  }
0x235: {  	v10 =	vunpack.i.u.bf16.f32 v12;
	[tilespmem:v0+s17+$0x0] =	vst.idx.add.f32.msk $0xffff, v6;
	v2 =	vmul.f32 v9, v2  }
0x236: {  	v1 =	vmul.f32 v10, v1;
	[tilespmem:v5+s17+$0x0] =	vst.idx.add.f32.msk $0xffff, v7;
	v6 =	vunpack.i.l.bf16.f32 v4  }
0x237: {  	[tilespmem:v5+s18+$0x0] =	vst.idx.add.f32.msk $0xffff, v2;
	v2 =	vunpack.i.u.bf16.f32 v4;
	v4 =	vmul.f32 v6, v8  }
0x238: {  	[tilespmem:v0+s18+$0x0] =	vst.idx.add.f32.msk $0xffff, v1;
	v0 =	vmul.f32 v2, v8  }
0x239: {  	[tilespmem:v3+s17+$0x0] =	vst.idx.add.f32.msk $0xffff, v4  }
0x23a: {  	[tilespmem:v3+s18+$0x0] =	vst.idx.add.f32.msk $0xffff, v0  }
0x23b: {  	_ =	swait.ge [sflag:s29], $0x1F40  }
0x23c: {  	[sflag:s29] =	ssyncset.done $0x0  }
0x23d: {  	s0 =	sshll.u32 s31, $0x1;
	[sflag:s29] =	ssyncadd.s32 $0xFFFFE0C0  }
0x23e: {  	s0 =	sadd.s32 $0x2, s0;
	_ =	swait.ge [sflag:s29], $0x1F40  }
0x23f: {  	s1 =	smul.u32 $0x1F40, s0;
	[sflag:s29] =	ssyncset.done $0x0  }
0x240: {  	p0 =	seq.s32 s0, $0x14;
	[sflag:s29] =	ssyncadd.s32 $0xFFFFE0C0  }
0x241: {  	s1 =	simm.s32 @p0 $0x0;
	_ =	swait.ge [sflag:s29], $0x1F40  }
0x242: {  	s13 =	sshrl.u32 s1, $0x3;
	[sflag:s29] =	ssyncset.done $0x0  }
0x243: {  	s1 =	sadd.s32 s3, s13;
	[sflag:s29] =	ssyncadd.s32 $0xFFFFE0C0  }
0x244: {  	[tilespmem:s14], [sflag:$0x1] =	stream.linear.gather [hbm4b:s1+s2], $0x1F40, $0x38;
	[tilespmem:$0x1F800] =	vst v63  }
0x245: {  	s1 =	sadd.s32 $0x4E20, s1  }
0x246: {  	[tilespmem:s15], [sflag:$0x1] =	stream.linear.gather [hbm4b:s1+s2], $0x1F40, $0x38;
	[tilespmem:$0x1F800] =	vst v63  }
0x247: {  	s20 =	simm.s32 $0x1B950;
	s0 =	sadd.s32 s4, s13  }
0x248: {  	[tilespmem:s19], [sflag:$0x1] =	stream.linear.gather [hbm4b:s0+s2], $0x1F40, $0x38;
	[tilespmem:$0x1F800] =	vst v63  }
0x249: {  	v0 =	vld [tilespmem:s20+$0xFFFFE0C0];
	_ =	sdelay $0x4  }
0x24a: {  	v1 =	vld [tilespmem:s20+$0xFFFFE0B0];
	v2 =	vand.u32 $0xFFFF, v0;
	_ =	sdelay $0x2  }
0x24b: {  	s21 =	simm.s32 $0x1D890  }
0x24c: {  	v4 =	vld [tilespmem:s21+$0x0]  }
0x24d: {  	v3 =	vand.u32 $0xFFFF, v1;
	v5 =	vld.idx.msk [tilespmem:v2+s26+$0x0], $0xffff;
	_ =	sdelay $0x2  }
0x24e: {  	v0 =	vshra.s32 v0, $0x10  }
0x24f: {  	v7 =	vld [tilespmem:s21+$0xFFFFFFF0]  }
0x250: {  	v8 =	vunpack.i.l.bf16.f32 v4;
	v6 =	vld.idx.msk [tilespmem:v3+s26+$0x0], $0xffff;
	v9 =	vunpack.i.l.bf16.f32 v5  }
0x251: {  	v5 =	vunpack.i.u.bf16.f32 v5;
	v9 =	vmul.f32 v9, v8  }
0x252: {  	v10 =	vld [tilespmem:s20+$0x0];
	v5 =	vmul.f32 v5, v8  }
0x253: {  	v1 =	vshra.s32 v1, $0x10;
	[tilespmem:v0+s2+$0x0] =	vst.idx.add.f32.msk $0xffff, v9  }
0x254: {  	[tilespmem:v0+s16+$0x0] =	vst.idx.add.f32.msk $0xffff, v5  }
0x255: {  	v9 =	vunpack.i.l.bf16.f32 v6;
	v5 =	vunpack.i.l.bf16.f32 v7;
	v2 =	vld.idx.msk [tilespmem:v2+s28+$0x0], $0xffff  }
0x256: {  	s30 =	simm.s32 $0x1B970;
	v11 =	vld [tilespmem:s20+$0xFFFFFFF0];
	v6 =	vunpack.i.u.bf16.f32 v6;
	v9 =	vmul.f32 v9, v5  }
0x257: {  	v12 =	vld [tilespmem:s30+$0xFFFFE0C0];
	v6 =	vmul.f32 v6, v5  }
0x258: {  	[tilespmem:v1+s2+$0x0] =	vst.idx.add.f32.msk $0xffff, v9  }
0x259: {  	[tilespmem:v1+s16+$0x0] =	vst.idx.add.f32.msk $0xffff, v6  }
0x25a: {  	v3 =	vld.idx.msk [tilespmem:v3+s28+$0x0], $0xffff;
	v6 =	vunpack.i.l.bf16.f32 v2  }
0x25b: {  	v9 =	vand.u32 $0xFFFF, v10;
	v2 =	vunpack.i.u.bf16.f32 v2;
	v6 =	vmul.f32 v6, v8  }
0x25c: {  	v2 =	vmul.f32 v2, v8  }
0x25d: {  	v13 =	vand.u32 $0xFFFF, v12;
	[tilespmem:v0+s17+$0x0] =	vst.idx.add.f32.msk $0xffff, v6  }
0x25e: {  	[tilespmem:v0+s18+$0x0] =	vst.idx.add.f32.msk $0xffff, v2  }
0x25f: {  	v0 =	vunpack.i.l.bf16.f32 v3;
	v2 =	vunpack.i.u.bf16.f32 v3;
	v3 =	vld [tilespmem:s30+$0xFFFFE0B0]  }
0x260: {  	v14 =	vand.u32 $0xFFFF, v11;
	v6 =	vld.idx.msk [tilespmem:v9+s26+$0x0], $0xffff  }
0x261: {  	v0 =	vmul.f32 v0, v5  }
0x262: {  	v17 =	vld.idx.msk [tilespmem:v13+s26+$0x0], $0xffff;
	v2 =	vmul.f32 v2, v5  }
0x263: {  	v15 =	vshra.s32 v10, $0x10;
	[tilespmem:v1+s17+$0x0] =	vst.idx.add.f32.msk $0xffff, v0  }
0x264: {  	[tilespmem:v1+s18+$0x0] =	vst.idx.add.f32.msk $0xffff, v2  }
0x265: {  	v4 =	vunpack.i.u.bf16.f32 v4;
	v5 =	vld.idx.msk [tilespmem:v14+s26+$0x0], $0xffff;
	v16 =	vand.u32 $0xFFFF, v3;
	v0 =	vunpack.i.l.bf16.f32 v6  }
0x266: {  	s0 =	simm.s32 $0x1D8B0;
	v8 =	vld [tilespmem:s30+$0xFFFFFFF0];
	v1 =	vunpack.i.u.bf16.f32 v6;
	v6 =	vmul.f32 v0, v4  }
0x267: {  	v2 =	vld [tilespmem:s0+$0x0];
	v1 =	vmul.f32 v1, v4  }
0x268: {  	v0 =	vshra.s32 v11, $0x10;
	[tilespmem:v15+s2+$0x0] =	vst.idx.add.f32.msk $0xffff, v6  }
0x269: {  	[tilespmem:v15+s16+$0x0] =	vst.idx.add.f32.msk $0xffff, v1  }
0x26a: {  	v1 =	vunpack.i.u.bf16.f32 v7;
	v6 =	vunpack.i.l.bf16.f32 v5;
	v18 =	vld.idx.msk [tilespmem:v16+s26+$0x0], $0xffff  }
0x26b: {  	v7 =	vshra.s32 v12, $0x10;
	v9 =	vld.idx.msk [tilespmem:v9+s28+$0x0], $0xffff;
	v6 =	vmul.f32 v6, v1  }
0x26c: {  	v5 =	vunpack.i.u.bf16.f32 v5;
	v12 =	vld [tilespmem:s0+$0xFFFFFFF0]  }
0x26d: {  	v11 =	vunpack.i.l.bf16.f32 v17;
	v10 =	vunpack.i.l.bf16.f32 v2;
	v5 =	vmul.f32 v5, v1;
	[tilespmem:v0+s2+$0x0] =	vst.idx.add.f32.msk $0xffff, v6  }
0x26e: {  	v17 =	vunpack.i.u.bf16.f32 v17;
	v11 =	vmul.f32 v11, v10;
	v6 =	vld [tilespmem:s30+$0x0]  }
0x26f: {  	v17 =	vmul.f32 v17, v10;
	[tilespmem:v0+s16+$0x0] =	vst.idx.add.f32.msk $0xffff, v5;
	v5 =	vshra.s32 v3, $0x10  }
0x270: {  	[tilespmem:v7+s2+$0x0] =	vst.idx.add.f32.msk $0xffff, v11;
	v3 =	vunpack.i.l.bf16.f32 v9  }
0x271: {  	v11 =	vunpack.i.l.bf16.f32 v12;
	[tilespmem:v7+s16+$0x0] =	vst.idx.add.f32.msk $0xffff, v17;
	v17 =	vunpack.i.l.bf16.f32 v18;
	v3 =	vmul.f32 v3, v4  }
0x272: {  	v9 =	vunpack.i.u.bf16.f32 v9;
	v19 =	vld.idx.msk [tilespmem:v13+s28+$0x0], $0xffff;
	v13 =	vmul.f32 v17, v11  }
0x273: {  	v4 =	vmul.f32 v9, v4;
	v9 =	vunpack.i.u.bf16.f32 v18;
	[tilespmem:v15+s17+$0x0] =	vst.idx.add.f32.msk $0xffff, v3  }
0x274: {  	v9 =	vmul.f32 v9, v11;
	[tilespmem:v5+s2+$0x0] =	vst.idx.add.f32.msk $0xffff, v13  }
0x275: {  	[tilespmem:v15+s18+$0x0] =	vst.idx.add.f32.msk $0xffff, v4  }
0x276: {  	v3 =	vshra.s32 v8, $0x10;
	[tilespmem:v5+s16+$0x0] =	vst.idx.add.f32.msk $0xffff, v9  }
0x277: {  	v4 =	vand.u32 $0xFFFF, v8;
	v9 =	vand.u32 $0xFFFF, v6;
	v13 =	vld.idx.msk [tilespmem:v16+s28+$0x0], $0xffff;
	v16 =	vunpack.i.l.bf16.f32 v19  }
0x278: {  	s5 =	simm.s32 $0x1B990;
	s1 =	simm.s32 $0x20;
	v8 =	vunpack.i.u.bf16.f32 v12;
	v12 =	vld.idx.msk [tilespmem:v14+s28+$0x0], $0xffff;
	v15 =	vunpack.i.u.bf16.f32 v19;
	v14 =	vmul.f32 v16, v10  }
.LBB2_17:
0x279: {  	v16 =	vld [tilespmem:s5+$0xFFFFE0C0];
	v10 =	vmul.f32 v15, v10  }
0x27a: {  	[tilespmem:v7+s17+$0x0] =	vst.idx.add.f32.msk $0xffff, v14  }
0x27b: {  	[tilespmem:v7+s18+$0x0] =	vst.idx.add.f32.msk $0xffff, v10  }
0x27c: {  	v7 =	vunpack.i.u.bf16.f32 v13;
	v10 =	vunpack.i.l.bf16.f32 v13;
	v13 =	vld.idx.msk [tilespmem:v9+s26+$0x0], $0xffff  }
0x27d: {  	v10 =	vmul.f32 v10, v11;
	v7 =	vmul.f32 v7, v11;
	v11 =	vunpack.i.u.bf16.f32 v12;
	v14 =	vld [tilespmem:s5+$0xFFFFE0B0]  }
0x27e: {  	s1 =	sadd.s32 $0x20, s1;
	v12 =	vunpack.i.l.bf16.f32 v12;
	v17 =	vmul.f32 v11, v1;
	v15 =	vld [tilespmem:s5+$0xFFFFFFF0]  }
0x27f: {  	p0 =	slt.u32 s1, $0x1F20;
	v18 =	vand.u32 $0xFFFF, v16;
	[tilespmem:v5+s17+$0x0] =	vst.idx.add.f32.msk $0xffff, v10;
	v10 =	vmul.f32 v12, v1;
	v1 =	vmov v8  }
0x280: {  	v12 =	vshra.s32 v6, $0x10;
	[tilespmem:v5+s18+$0x0] =	vst.idx.add.f32.msk $0xffff, v7  }
0x281: {  	v6 =	vld.idx.msk [tilespmem:v4+s26+$0x0], $0xffff  }
0x282: {  	s0 =	sadd.s32 $0x20, s0;
	v8 =	vunpack.i.u.bf16.f32 v2;
	v7 =	vunpack.i.l.bf16.f32 v13;
	v19 =	vand.u32 $0xFFFF, v14;
	[tilespmem:v0+s17+$0x0] =	vst.idx.add.f32.msk $0xffff, v10  }
0x283: {  	v5 =	vshra.s32 v14, $0x10;
	v10 =	vunpack.i.u.bf16.f32 v13;
	v7 =	vmul.f32 v7, v8;
	v2 =	vld [tilespmem:s0+$0x0]  }
0x284: {  	v20 =	vshra.s32 v15, $0x10;
	v14 =	vand.u32 $0xFFFF, v15;
	v10 =	vmul.f32 v10, v8;
	v11 =	vld.idx.msk [tilespmem:v18+s26+$0x0], $0xffff  }
0x285: {  	[tilespmem:v12+s2+$0x0] =	vst.idx.add.f32.msk $0xffff, v7  }
0x286: {  	[tilespmem:v12+s16+$0x0] =	vst.idx.add.f32.msk $0xffff, v10  }
0x287: {  	v10 =	vunpack.i.u.bf16.f32 v6;
	v6 =	vunpack.i.l.bf16.f32 v6;
	v9 =	vld.idx.msk [tilespmem:v9+s28+$0x0], $0xffff  }
0x288: {  	v7 =	vshra.s32 v16, $0x10;
	v6 =	vmul.f32 v6, v1;
	v15 =	vmul.f32 v10, v1;
	v13 =	vld.idx.msk [tilespmem:v19+s26+$0x0], $0xffff  }
0x289: {  	v16 =	vld [tilespmem:s0+$0xFFFFFFF0]  }
0x28a: {  	v10 =	vunpack.i.l.bf16.f32 v2;
	v21 =	vunpack.i.l.bf16.f32 v11;
	[tilespmem:v3+s2+$0x0] =	vst.idx.add.f32.msk $0xffff, v6  }
0x28b: {  	v11 =	vunpack.i.u.bf16.f32 v11;
	v21 =	vmul.f32 v21, v10;
	[tilespmem:v3+s16+$0x0] =	vst.idx.add.f32.msk $0xffff, v15  }
0x28c: {  	v11 =	vmul.f32 v11, v10;
	v6 =	vld [tilespmem:s5+$0x0]  }
0x28d: {  	v15 =	vunpack.i.l.bf16.f32 v9;
	[tilespmem:v7+s2+$0x0] =	vst.idx.add.f32.msk $0xffff, v21  }
0x28e: {  	v9 =	vunpack.i.u.bf16.f32 v9;
	v21 =	vunpack.i.u.bf16.f32 v13;
	v15 =	vmul.f32 v15, v8;
	[tilespmem:v7+s16+$0x0] =	vst.idx.add.f32.msk $0xffff, v11  }
0x28f: {  	v13 =	vunpack.i.l.bf16.f32 v13;
	v9 =	vmul.f32 v9, v8;
	v11 =	vunpack.i.l.bf16.f32 v16;
	v18 =	vld.idx.msk [tilespmem:v18+s28+$0x0], $0xffff  }
0x290: {  	v8 =	vunpack.i.u.bf16.f32 v16;
	v13 =	vmul.f32 v13, v11;
	v16 =	vmul.f32 v21, v11;
	[tilespmem:v12+s17+$0x0] =	vst.idx.add.f32.msk $0xffff, v15  }
0x291: {  	[tilespmem:v12+s18+$0x0] =	vst.idx.add.f32.msk $0xffff, v9  }
.Ltmp7:
0x292: {  	[tilespmem:v5+s2+$0x0] =	vst.idx.add.f32.msk $0xffff, v13;
	(pc) =	sbr.rel @p0 .LBB2_17-.Ltmp7, $4  }
0x293: {  	[tilespmem:v5+s16+$0x0] =	vst.idx.add.f32.msk $0xffff, v16  }
0x294: {  	v13 =	vld.idx.msk [tilespmem:v19+s28+$0x0], $0xffff  }
0x295: {  	v9 =	vand.u32 $0xFFFF, v6;
	v16 =	vunpack.i.l.bf16.f32 v18;
	v12 =	vld.idx.msk [tilespmem:v4+s28+$0x0], $0xffff;
	v4 =	vmov v14  }
0x296: {  	s5 =	sadd.s32 $0x20, s5;
	v15 =	vunpack.i.u.bf16.f32 v18;
	v14 =	vmul.f32 v16, v10;
	[tilespmem:v0+s18+$0x0] =	vst.idx.add.f32.msk $0xffff, v17;
	v0 =	vmovc v3;
	v3 =	vmov v20  }
0x297: {  	_ =	sdelay $0x2  }
0x298: {  	v10 =	vmul.f32 v15, v10  }
0x299: {  	[tilespmem:v7+s17+$0x0] =	vst.idx.add.f32.msk $0xffff, v14;
	v45 =	vunpack.i.l.bf16.f32 v13  }
0x29a: {  	[tilespmem:v7+s18+$0x0] =	vst.idx.add.f32.msk $0xffff, v10;
	v46 =	vunpack.i.u.bf16.f32 v13;
	v47 =	vmul.f32 v45, v11  }
0x29b: {  	v48 =	vld.idx.msk [tilespmem:v9+s26+$0x0], $0xffff;
	v7 =	vmul.f32 v46, v11  }
0x29c: {  	[tilespmem:v5+s17+$0x0] =	vst.idx.add.f32.msk $0xffff, v47  }
0x29d: {  	[tilespmem:v5+s18+$0x0] =	vst.idx.add.f32.msk $0xffff, v7  }
0x29e: {  	v49 =	vshra.s32 v6, $0x10;
	v50 =	vld.idx.msk [tilespmem:v4+s26+$0x0], $0xffff;
	_ =	sdelay $0x1  }
0x29f: {  	v2 =	vunpack.i.u.bf16.f32 v2;
	v51 =	vunpack.i.l.bf16.f32 v48  }
0x2a0: {  	v52 =	vunpack.i.u.bf16.f32 v48;
	v7 =	vmul.f32 v51, v2  }
0x2a1: {  	v10 =	vmul.f32 v52, v2  }
0x2a2: {  	[tilespmem:v49+s2+$0x0] =	vst.idx.add.f32.msk $0xffff, v7;
	v53 =	vunpack.i.l.bf16.f32 v50  }
0x2a3: {  	[tilespmem:v49+s16+$0x0] =	vst.idx.add.f32.msk $0xffff, v10;
	v6 =	vunpack.i.u.bf16.f32 v50;
	v7 =	vmul.f32 v53, v8  }
0x2a4: {  	v54 =	vld.idx.msk [tilespmem:v9+s28+$0x0], $0xffff;
	v6 =	vmul.f32 v6, v8  }
0x2a5: {  	[tilespmem:v3+s2+$0x0] =	vst.idx.add.f32.msk $0xffff, v7  }
0x2a6: {  	[tilespmem:v3+s16+$0x0] =	vst.idx.add.f32.msk $0xffff, v6  }
0x2a7: {  	v55 =	vld.idx.msk [tilespmem:v4+s28+$0x0], $0xffff  }
0x2a8: {  	v56 =	vunpack.i.l.bf16.f32 v12  }
0x2a9: {  	v58 =	vunpack.i.u.bf16.f32 v12;
	v6 =	vmul.f32 v56, v1  }
0x2aa: {  	s31 =	sadd.s32 $0x1, s31;
	v59 =	vmul.f32 v58, v1;
	v57 =	vunpack.i.l.bf16.f32 v54  }
0x2ab: {  	p0 =	sne.s32 s31, $0xA;
	v9 =	vunpack.i.u.bf16.f32 v54;
	[tilespmem:v0+s17+$0x0] =	vst.idx.add.f32.msk $0xffff, v6;
	v7 =	vmul.f32 v57, v2  }
.Ltmp8:
0x2ac: {  	v2 =	vmul.f32 v9, v2;
	[tilespmem:v0+s18+$0x0] =	vst.idx.add.f32.msk $0xffff, v59;
	v60 =	vunpack.i.l.bf16.f32 v55;
	(pc) =	sbr.rel @p0 .LBB2_14-.Ltmp8, $4  }
0x2ad: {  	[tilespmem:v49+s17+$0x0] =	vst.idx.add.f32.msk $0xffff, v7;
	v61 =	vunpack.i.u.bf16.f32 v55;
	v62 =	vmul.f32 v60, v8  }
0x2ae: {  	[tilespmem:v49+s18+$0x0] =	vst.idx.add.f32.msk $0xffff, v2;
	v63 =	vmul.f32 v61, v8  }
0x2af: {  	[tilespmem:v3+s17+$0x0] =	vst.idx.add.f32.msk $0xffff, v62  }
0x2b0: {  	[tilespmem:v3+s18+$0x0] =	vst.idx.add.f32.msk $0xffff, v63  }
0x2b1: {  	_ =	swait.ge [sflag:s22], $0x1F40  }
0x2b2: {  	[sflag:s22] =	ssyncset.done $0x0  }
0x2b3: {  	[sflag:s22] =	ssyncadd.s32 $0xFFFFE0C0  }
0x2b4: {  	_ =	swait.ge [sflag:s22], $0x1F40  }
0x2b5: {  	[sflag:s22] =	ssyncset.done $0x0  }
0x2b6: {  	[sflag:s22] =	ssyncadd.s32 $0xFFFFE0C0  }
0x2b7: {  	_ =	swait.ge [sflag:s22], $0x1F40  }
0x2b8: {  	[sflag:s22] =	ssyncset.done $0x0  }
0x2b9: {  	s1 =	simm.s32 $0x3;
	s0 =	rddreg [dreg:$0x8];
	[sflag:s22] =	ssyncadd.s32 $0xFFFFE0C0  }
0x2ba: {  	[hbm4b:s0+s2] =	stream.linear.scatter [tilespmem:s2], [sflag:$0x3], $0x2710, $0x38;
	[tilespmem:$0x1F800] =	vst v63  }
0x2bb: {  	_ =	swait.ge [sflag:s1], $0x2710  }
0x2bc: {  	[sflag:s1] =	ssyncset.done $0x0  }
0x2bd: {  	s20 =	rddreg [dreg:$0x9];
	[sflag:s1] =	ssyncadd.s32 $0xFFFFD8F0  }
0x2be: {  	[hbm4b:s20+s2] =	stream.linear.scatter [tilespmem:s16], [sflag:$0x3], $0x2710, $0x38;
	[tilespmem:$0x1F800] =	vst v63  }
0x2bf: {  	_ =	swait.ge [sflag:s1], $0x2710  }
0x2c0: {  	[sflag:s1] =	ssyncset.done $0x0  }
0x2c1: {  	s21 =	rddreg [dreg:$0xa];
	[sflag:s1] =	ssyncadd.s32 $0xFFFFD8F0  }
0x2c2: {  	[hbm4b:s21+s2] =	stream.linear.scatter [tilespmem:s17], [sflag:$0x3], $0x2710, $0x38;
	[tilespmem:$0x1F800] =	vst v63  }
0x2c3: {  	_ =	swait.ge [sflag:s1], $0x2710  }
0x2c4: {  	[sflag:s1] =	ssyncset.done $0x0  }
0x2c5: {  	s30 =	rddreg [dreg:$0xb];
	[sflag:s1] =	ssyncadd.s32 $0xFFFFD8F0  }
0x2c6: {  	[hbm4b:s30+s2] =	stream.linear.scatter [tilespmem:s18], [sflag:$0x3], $0x2710, $0x38;
	[tilespmem:$0x1F800] =	vst v63  }
0x2c7: {  	_ =	swait.ge [sflag:s1], $0x2710  }
0x2c8: {  	s5 =	rddreg [dreg:$0xd]  }
0x2c9: {  	s31 =	rddreg [dreg:$0xc];
	s5 =	sadd.s32 $0x1, s5  }
0x2ca: {  	p0 =	sne.s32 s5, s31  }
.Ltmp9:
0x2cb: {  	_ = 	snop;
	(pc) =	sbr.rel @p0 .LBB2_1-.Ltmp9, $3  }
0x2cc: {  	_ =	sdelay $0x1  }
0x2cd: {  	[sflag:s1] =	ssyncset.done $0x0  }
0x2ce: {  	[sflag:s1] =	ssyncadd.s32 $0xFFFFD8F0  }
0x2cf: {  	_ =	sfence.sel $0x180000  }
0x2d0: {  	[bflag:$0x0] =	sbarrier.arrive $0xFFFF  }
0x2d1: {  	_ =	strace $0x9000004D  }
0x2d2: {  	s0 =	stileid.u32;
	[bflag:$0x2] =	sbarrier.arrive $0xFFFF  }
0x2d3: {  	p0 =	sne.s32 s0, $0x0;
	s0 =	rddreg [dreg:$0x2]  }
0x2d4: {  	s0 =	sadd.s32 @!p0 $0x100000, s0  }
0x2d5: {  	[sflag:s0] =	ssyncadd.tile.s32 @!p0 $0x1;
	_ =	shalt  }
.Lfunc_end2:
_tile_overlayer_lowered:
.L_overlay_start_2:
0x2d6: {  	(tag) =	ssettag $0x2  }
0x2d7: {  	s0 =	rddreg [dreg:$0x0];
	s2 =	stileid.u32  }
0x2d8: {  	s1 =	rddreg [dreg:$0x1];
	p0 =	sne.s32 s2, $0x0  }
0x2d9: {  	s3 =	rddreg [dreg:$0x2];
	[bflag:$0x3] =	sbarrier.arrive $0xFFFF;
	s2 =	simm.s32 @!p0 $0x1C03  }
0x2da: {  	[timem:s3], [sflag:s2] =	dma.local @!p0 [hbm:s0], s1  }
0x2db: {  	s0 =	simm.s32 @!p0 $0x3  }
0x2dc: {  	_ =	swait.ge @!p0 [sflag:s0], s1  }
0x2dd: {  	s1 =	ssub.s32 @!p0 $0x0, s1;
	[sflag:s0] =	ssyncset.done @!p0 $0x0  }
0x2de: {  	[sflag:s0] =	ssyncadd.s32 @!p0 s1  }
0x2df: {  	[bflag:$0x3] =	sbarrier.arrive $0xFFFF  }
0x2e0: {  	_ =	shalt  }

// kernel: kernel.7.cloned.1.call-start
scs
__scs_entry_jumppad:
0x0: {  	(pc) =	sbr.rel $0x88, $3  }
0x1: {  	(tag) =	ssettag $0x0;
	lr =	simm.s32 $0x1  }
0x2: {  	[smem:$0x3F9D] =	sst lr;
	_ =	strace $0xD0000000  }
0x3: {  	_ = 	snop  }
0x4: {  	_ = 	snop  }
0x5: {  	_ = 	snop  }
0x6: {  	_ = 	snop  }
0x7: {  	_ = 	snop  }
__scs_overlays_trampoline_lowered:
0x8: {  	[smem:$0x3FAC] =	sst s0  }
0x9: {  	[smem:$0x3FAD] =	sst s1  }
0xa: {  	[smem:$0x3FAE] =	sst s2  }
0xb: {  	[smem:$0x3FAF] =	sst s3  }
0xc: {  	[smem:$0x3FB0] =	sst s4  }
0xd: {  	[smem:$0x3FB1] =	sst s5  }
0xe: {  	[smem:$0x3FB2] =	sst s6  }
0xf: {  	[smem:$0x3FB3] =	sst s7  }
0x10: {  	[smem:$0x3FB4] =	sst s8  }
0x11: {  	[smem:$0x3FB5] =	sst s9;
	s0 =	simm.s32 @!p0 $0x0  }
0x12: {  	s1 =	sld [smem:$0x3F9B];
	s0 =	simm.s32 @p0 $0x1  }
0x13: {  	[smem:$0x3FB6] =	sst s0;
	s0 =	simm.s32 @!p1 $0x0  }
0x14: {  	s2 =	sld [smem:$0x3F9A];
	s0 =	simm.s32 @p1 $0x1  }
0x15: {  	[smem:$0x3FB7] =	sst s0;
	s0 =	simm.s32 @!p2 $0x0  }
0x16: {  	s3 =	sld [smem:$0x3FDB];
	s0 =	simm.s32 @p2 $0x1  }
0x17: {  	s4 =	simm.s32 $0x1BF5;
	[smem:$0x3FB9] =	sst s0  }
0x18: {  	s0 =	sld [smem:$0x3F9C];
	_ =	swait.ge [sflag:s4], $0x0  }
0x19: {  	s7 =	sld [smem:$0x3F9D]  }
0x1a: {  	s8 =	sadd.s32 $0xFFFFE003, lr  }
0x1b: {  	s9 =	sadd.s32 $0xFFFFFEF7, lr;
	s5 =	simm.s32 $0xFFFFFFFF;
	p2 =	slt.u32 s8, $0xFFFFF086  }
0x1c: {  	p1 =	slt.u32 s9, $0xF7A;
	s5 =	simm.s32 @!p2 $0x0  }
0x1d: {  	s5 =	simm.s32 @p1 $0x1;
	p0 =	seq.s32 s7, s2  }
0x1e: {  	s7 =	smul.u32 @!p0 $0xF7A, s2;
	p2 =	seq.s32 @!p0 s5, $0x0  }
0x1f: {  	s9 =	smul.u32 $0xF7A, s1;
	s8 =	simm.s32 @!p0 $0x1BF5;
	p2 =	por !p2, p0  }
0x20: {  	[sflag:s8] =	ssyncset.s32 @!p0 $0xFFFFF086;
	s6 =	sadd.s32 @!p0 s3, s7;
	s7 =	simm.s32 @!p0 $0x108  }
0x21: {  	s3 =	sadd.s32 s3, s9;
	s6 =	sadd.s32 @!p0 $0x88, s6;
	s7 =	simm.s32 @p2 $0x1082  }
0x22: {  	[simem:s7], [sflag:s8] =	dma.local @!p0 [hbm:s6], $0xF7A  }
0x23: {  	s9 =	sor.u32 $0xD0000000, s2;
	s6 =	simm.s32 $0x108;
	_ =	swait.ge @!p0 [sflag:s8], $0x0  }
0x24: {  	s3 =	sadd.s32 $0x88, s3;
	s6 =	simm.s32 @!p1 $0x1082;
	[sflag:s4] =	ssyncset.s32 $0xFFFFF086  }
0x25: {  	[simem:s6], [sflag:s4] =	dma.local [hbm:s3], $0xF7A  }
0x26: {  	[smem:$0x3F9D] =	sst s1;
	(tag) =	ssettag s2;
	_ =	strace s9  }
0x27: {  	s1 =	sld [smem:$0x3FAD]  }
0x28: {  	s2 =	sld [smem:$0x3FAE]  }
0x29: {  	s4 =	sld [smem:$0x3FB0]  }
0x2a: {  	p0 =	seq.s32 s5, $0x0;
	s5 =	sld [smem:$0x3FB1]  }
0x2b: {  	s6 =	sld [smem:$0x3FB2]  }
0x2c: {  	s7 =	sld [smem:$0x3FB3]  }
0x2d: {  	s3 =	simm.s32 $0x108;
	s8 =	sld [smem:$0x3FB4]  }
0x2e: {  	s3 =	simm.s32 @!p0 $0x1082;
	s9 =	sld [smem:$0x3FB5]  }
0x2f: {  	lr =	sadd.s32 s0, s3;
	s0 =	sld [smem:$0x3FAC]  }
0x30: {  	s3 =	sld [smem:$0x3FAF]  }
0x31: {  	[smem:$0x3FB8] =	sst s10  }
0x32: {  	s10 =	sld [smem:$0x3FB6];
	_ =	sdelay $0x3  }
0x33: {  	p0 =	seq.s32 s10, $0x1;
	s10 =	sld [smem:$0x3FB8];
	_ =	sdelay $0x3  }
0x34: {  	[smem:$0x3FB8] =	sst s10  }
0x35: {  	s10 =	sld [smem:$0x3FB7];
	_ =	sdelay $0x3  }
0x36: {  	p1 =	seq.s32 s10, $0x1;
	s10 =	sld [smem:$0x3FB8];
	_ =	sdelay $0x3  }
0x37: {  	[smem:$0x3FB8] =	sst s10  }
0x38: {  	s10 =	sld [smem:$0x3FB9]  }
0x39: {  	_ = 	snop;
	(pc) =	sbr.ind lr, $3  }
0x3a: {  	_ = 	snop  }
0x3b: {  	_ = 	snop  }
0x3c: {  	p2 =	seq.s32 s10, $0x1;
	s10 =	sld [smem:$0x3FB8]  }
0x3d: {  	_ =	shalt  }
0x3e: {  	_ =	shalt  }
0x3f: {  	_ =	shalt  }
0x40: {  	_ =	shalt  }
0x41: {  	_ =	shalt  }
0x42: {  	_ =	shalt  }
0x43: {  	_ =	shalt  }
0x44: {  	_ =	shalt  }
0x45: {  	_ =	shalt  }
0x46: {  	_ =	shalt  }
0x47: {  	_ =	shalt  }
0x48: {  	_ =	shalt  }
0x49: {  	_ =	shalt  }
0x4a: {  	_ =	shalt  }
0x4b: {  	_ =	shalt  }
0x4c: {  	_ =	shalt  }
0x4d: {  	_ =	shalt  }
0x4e: {  	_ =	shalt  }
0x4f: {  	_ =	shalt  }
0x50: {  	_ =	shalt  }
0x51: {  	_ =	shalt  }
0x52: {  	_ =	shalt  }
0x53: {  	_ =	shalt  }
0x54: {  	_ =	shalt  }
0x55: {  	_ =	shalt  }
0x56: {  	_ =	shalt  }
0x57: {  	_ =	shalt  }
0x58: {  	_ =	shalt  }
0x59: {  	_ =	shalt  }
0x5a: {  	_ =	shalt  }
0x5b: {  	_ =	shalt  }
0x5c: {  	_ =	shalt  }
0x5d: {  	_ =	shalt  }
0x5e: {  	_ =	shalt  }
0x5f: {  	_ =	shalt  }
0x60: {  	_ =	shalt  }
0x61: {  	_ =	shalt  }
0x62: {  	_ =	shalt  }
0x63: {  	_ =	shalt  }
0x64: {  	_ =	shalt  }
0x65: {  	_ =	shalt  }
0x66: {  	_ =	shalt  }
0x67: {  	_ =	shalt  }
0x68: {  	_ =	shalt  }
0x69: {  	_ =	shalt  }
0x6a: {  	_ =	shalt  }
0x6b: {  	_ =	shalt  }
0x6c: {  	_ =	shalt  }
0x6d: {  	_ =	shalt  }
0x6e: {  	_ =	shalt  }
0x6f: {  	_ =	shalt  }
0x70: {  	_ =	shalt  }
0x71: {  	_ =	shalt  }
0x72: {  	_ =	shalt  }
0x73: {  	_ =	shalt  }
0x74: {  	_ =	shalt  }
0x75: {  	_ =	shalt  }
0x76: {  	_ =	shalt  }
0x77: {  	_ =	shalt  }
0x78: {  	_ =	shalt  }
0x79: {  	_ =	shalt  }
0x7a: {  	_ =	shalt  }
0x7b: {  	_ =	shalt  }
0x7c: {  	_ =	shalt  }
0x7d: {  	_ =	shalt  }
0x7e: {  	_ =	shalt  }
0x7f: {  	_ =	shalt  }
0x80: {  	_ =	shalt  }
0x81: {  	_ =	shalt  }
0x82: {  	_ =	shalt  }
0x83: {  	_ =	shalt  }
0x84: {  	_ =	shalt  }
0x85: {  	_ =	shalt  }
0x86: {  	_ =	shalt  }
0x87: {  	_ =	shalt  }
.Lfunc_end0:
.L_simem_size_0:
called_computation_lowered:
.L_overlay_start_0:
0x88: {  	s2 =	sld [smem:$0x3FD9]  }
0x89: {  	s3 =	sld [smem:$0x3FFE];
	_ =	sdelay $0x1  }
0x8a: {  	s1 =	srdreg.scid  }
0x8b: {  	s0 =	sand.u32 $0x1, s1  }
0x8c: {  	s17 =	sshll.u32 s0, $0xA;
	s2 =	sadd.s32 s3, s2  }
0x8d: {  	s2 =	sadd.s32 s2, s17  }
0x8e: {  	[smem:$0x3FC4] =	sst s2  }
0x8f: {  	_ = 	snop  }
0x90: {  	s2 =	sld [smem:$0x3FC7]  }
0x91: {  	s18 =	sld [smem:$0x3FD0];
	(tm) =	ssettm $0x1  }
0x92: {  	s4 =	sld [smem:$0x3FFB];
	_ =	sdelay $0x3  }
0x93: {  	_ =	strace s4  }
0x94: {  	s4 =	sld [smem:$0x3FFC];
	_ =	sdelay $0x3  }
0x95: {  	_ =	strace s4  }
0x96: {  	s4 =	sld [smem:$0x3FFD];
	_ =	sdelay $0x3  }
0x97: {  	_ =	strace s4  }
0x98: {  	_ =	strace $0x8FFFFFFF  }
0x99: {  	s19 =	sld [smem:$0x3FDB];
	_ =	sdelay $0x1  }
0x9a: {  	s5 =	simm.s32 $_scs_section_size  }
0x9b: {  	s6 =	simm.s32 $_size__tile_overlayer_lowered;
	s7 =	simm.s32 $_tile_overlayer_lowered  }
0x9c: {  	s22 =	simm.s32 $0x1BFF;
	s21 =	sshll.u32 s7, $0x1;
	s4 =	sadd.s32 s5, s19  }
0x9d: {  	s8 =	simm.s32 $0x0;
	s20 =	sshll.u32 s6, $0x1;
	s6 =	sadd.s32 s21, s4  }
0x9e: {  	[timem:s8], [sflag:s22] =	dma.local [hbm:s6], s20  }
0x9f: {  	_ =	swait.ge [sflag:s22], s20  }
0xa0: {  	s5 =	ssub.s32 $0x0, s20;
	[sflag:s22] =	ssyncset.done $0x0  }
0xa1: {  	[sflag:s22] =	ssyncadd.s32 s5;
	_ =	sdelay $0x1  }
0xa2: {  	s23 =	simm.s32 $0x1B8B  }
0xa3: {  	_ =	swait.ge [sflag:s23], $0x1  }
0xa4: {  	[sflag:s23] =	ssyncset.done $0x0  }
0xa5: {  	s25 =	simm.s32 $0x1B8E;
	s24 =	sld [smem:$0x3FFE];
	[sflag:s23] =	ssyncadd.s32 $0xFFFFFFFF  }
0xa6: {  	s26 =	simm.s32 $execute0_lowered;
	[smem:$0x3FD2] =	sst s25  }
0xa7: {  	s6 =	sshll.u32 s26, $0x1;
	_ =	strace $0x80000046;
	[dreg:$0x1] =	wrdreg $0xFFFFFFFF  }
0xa8: {  	s28 =	simm.s32 $_size_execute0_lowered;
	s4 =	sadd.s32 s4, s6;
	[dreg:$0x0] =	wrdreg $0x0  }
0xa9: {  	s6 =	sshll.u32 s28, $0x1;
	[dreg:$0x2] =	wrdreg s4  }
0xaa: {  	[dreg:$0x3] =	wrdreg s6  }
0xab: {  	[dreg:$0x4] =	wrdreg $0xC0  }
0xac: {  	_ =	task [dreg:s8], $0x5FFFF  }
0xad: {  	[dreg:$0x1] =	wrdreg $0xFFFFFFFF  }
0xae: {  	[dreg:$0x0] =	wrdreg $0x60  }
0xaf: {  	[dreg:$0x2] =	wrdreg s24  }
0xb0: {  	[dreg:$0x3] =	wrdreg s18  }
0xb1: {  	[dreg:$0x4] =	wrdreg s2  }
0xb2: {  	[dreg:$0x5] =	wrdreg $0x9  }
0xb3: {  	_ =	task.clear_ibuf [dreg:s8], $0x6FFFF;
	_ =	strace $0x90000046  }
0xb4: {  	s29 =	simm.s32 $0x9;
	_ =	strace $0x80000048  }
0xb5: {  	_ =	swait.ge [sflag:s29], $0x1  }
0xb6: {  	[sflag:s29] =	ssyncadd.s32 $0xFFFFFFFF  }
0xb7: {  	_ =	strace $0x90000048  }
0xb8: {  	_ =	sfence  }
0xb9: {  	s30 =	sld [smem:$0x0];
	_ =	sdelay $0x2  }
0xba: {  	s31 =	sshll.u32 s1, $0xD;
	s1 =	sshrl.u32 s1, $0x2  }
0xbb: {  	s3 =	sand.u32 $0x4000, s31;
	s1 =	sadd.s32 s1, s30  }
0xbc: {  	s0 =	sor.u32 s3, s0;
	s1 =	sshll.u32 s1, $0x11  }
0xbd: {  	s0 =	sor.u32 s1, s0  }
0xbe: {  	s0 =	sadd.s32 $0x8F2B, s0  }
0xbf: {  	[sflag:s0] =	ssyncadd.remote.s32 $0x1  }
0xc0: {  	_ =	sfence.sel $0xFFFF  }
0xc1: {  	[dreg:$0x0] =	wrdreg $0xFFFFFFFF;
	(pc) =	sbr.abs _section_cstart, $3  }
0xc2: {  	[dreg:$0x1] =	wrdreg $0xFFFFFFFF  }
0xc3: {  	_ =	task.clear_ibuf [dreg:s8], $0x2FFFF;
	_ =	strace $0x9FFFFFFF  }
0xc4: {  	(tm) =	ssettm $0x7FFFFFFF  }
0xc5: {  	_ =	shalt  }
tec
execute0_lowered:
.L_overlay_start_1:
0x0: {  	(tag) =	ssettag $0x1  }
0x1: {  	s3 =	rddreg [dreg:$0x0]  }
0x2: {  	s4 =	rddreg [dreg:$0x1];
	s1 =	srdreg.scid  }
0x3: {  	s0 =	stileid.u32;
	s5 =	rddreg [dreg:$0x2]  }
0x4: {  	s10 =	simm.s32 $0x2780;
	s11 =	simm.s32 $0x4F00;
	s12 =	simm.s32 $0x7680  }
0x5: {  	s13 =	simm.s32 $0x9E00;
	s6 =	sand.u32 $0x1, s1;
	s2 =	sshll.u32 s0, $0x1  }
0x6: {  	s14 =	simm.s32 $0x0;
	s7 =	sor.u32 s6, s2;
	s2 =	simm.s32 $0x0  }
0x7: {  	s6 =	ssub.s32 $0x2, s6;
	s7 =	smul.u32 $0x4E2, s7;
	[smem:$0x7FF] =	sst s2  }
0x8: {  	s1 =	rddreg [dreg:$0x3];
	s8 =	sshrl.u32 s6, $0x1;
	_ =	strace $0x80000047  }
0x9: {  	s8 =	ssub.s32 s6, s8;
	s9 =	sadd.s32 s7, s3;
	s4 =	sadd.s32 s4, s7  }
0xa: {  	s5 =	sadd.s32 s5, s7;
	s8 =	smax.u32 s8, $0x1;
	s3 =	sadd.s32 $0xC00, s9  }
0xb: {  	v0 =	vimm.f32 $0.0e+00;
	s6 =	sadd.s32 $0xAA00, s9;
	s7 =	sadd.s32 $0x14800, s9;
	s9 =	simm.s32 $0x1  }
.LBB2_1:
0xc: {  	[tilespmem:s2], [sflag:$0x1] =	stream.linear.gather [hbm4b:s3+s2], $0x2710, $0x38;
	[tilespmem:$0xC580] =	vst v63  }
0xd: {  	_ =	swait.ge [sflag:s9], $0x2710  }
0xe: {  	[sflag:s9] =	ssyncset.done $0x0  }
0xf: {  	[sflag:s9] =	ssyncadd.s32 $0xFFFFD8F0  }
0x10: {  	[tilespmem:s10], [sflag:$0x1] =	stream.linear.gather [hbm4b:s4+s2], $0x2710, $0x38;
	[tilespmem:$0xC580] =	vst v63  }
0x11: {  	_ =	swait.ge [sflag:s9], $0x2710  }
0x12: {  	[sflag:s9] =	ssyncset.done $0x0  }
0x13: {  	[sflag:s9] =	ssyncadd.s32 $0xFFFFD8F0  }
0x14: {  	[tilespmem:s11], [sflag:$0x1] =	stream.linear.gather [hbm4b:s5+s2], $0x2710, $0x38;
	[tilespmem:$0xC580] =	vst v63  }
0x15: {  	_ =	swait.ge [sflag:s9], $0x2710  }
0x16: {  	[sflag:s9] =	ssyncset.done $0x0  }
0x17: {  	s15 =	simm.s32 $0x76A0;
	[sflag:s9] =	ssyncadd.s32 $0xFFFFD8F0  }
0x18: {  	[tilespmem:s15+$0xFFFFFFE0] =	vst v0  }
0x19: {  	[tilespmem:s15+$0x10] =	vst v0  }
0x1a: {  	s16 =	simm.s32 $0x0;
	[tilespmem:s15+$0x0] =	vst v0  }
.LBB2_2:
0x1b: {  	s16 =	sadd.s32 $0x40, s16  }
0x1c: {  	[tilespmem:s15+$0xFFFFFFF0] =	vst v0;
	s15 =	sadd.s32 $0x40, s15;
	p0 =	slt.u32 s16, $0x26C0  }
.Ltmp0:
0x1d: {  	[tilespmem:s15+$0xFFFFFFE0] =	vst v0;
	(pc) =	sbr.rel @p0 .LBB2_2-.Ltmp0, $3  }
0x1e: {  	_ =	sdelay $0x1  }
0x1f: {  	[tilespmem:s15+$0x10] =	vst v0  }
0x20: {  	[tilespmem:s15+$0x0] =	vst v0  }
0x21: {  	[tilespmem:s15+$0xFFFFFFF0] =	vst v0  }
0x22: {  	s15 =	simm.s32 $0x4F20;
	[tilespmem:$0x9D80] =	vst v0  }
0x23: {  	s16 =	simm.s32 $0x27A0;
	v3 =	vld [tilespmem:s15+$0x0]  }
0x24: {  	v1 =	vld [tilespmem:s16+$0xFFFFFFE0]  }
0x25: {  	v2 =	vld [tilespmem:s16+$0xFFFFFFF0]  }
0x26: {  	v5 =	vld [tilespmem:s16+$0x0]  }
0x27: {  	s17 =	simm.s32 $0x20;
	v6 =	vld [tilespmem:s16+$0x10]  }
0x28: {  	v8 =	vld [tilespmem:s17+$0xFFFFFFF0]  }
0x29: {  	v9 =	vld [tilespmem:s15+$0x10]  }
0x2a: {  	v10 =	vld [tilespmem:s17+$0x0]  }
0x2b: {  	v11 =	vld [tilespmem:s17+$0xFFFFFFE0]  }
0x2c: {  	v7 =	vld [tilespmem:s15+$0xFFFFFFF0]  }
0x2d: {  	v4 =	vld [tilespmem:s17+$0x10]  }
0x2e: {  	v12 =	vshll.u32 v5, $0x10;
	[tilespmem:v5+s12+$0x0] =	vst.idx.add.f32.msk $0xffff, v3  }
0x2f: {  	s19 =	simm.s32 $0x27E0;
	s16 =	simm.s32 $0x9E20;
	v13 =	vshll.u32 v1, $0x10;
	v10 =	vor.u32 v10, v12;
	v3 =	vshll.u32 v2, $0x10;
	[tilespmem:v6+s12+$0x0] =	vst.idx.add.f32.msk $0xffff, v9  }
0x30: {  	s20 =	simm.s32 $0x60;
	s18 =	simm.s32 $0x9E20;
	s17 =	simm.s32 $0x0;
	v6 =	vshll.u32 v6, $0x10;
	v5 =	vld [tilespmem:s15+$0xFFFFFFE0];
	v8 =	vor.u32 v8, v3;
	v3 =	vor.u32 v11, v13;
	[tilespmem:s16+$0x0] =	vst v10  }
.LBB2_4:
0x31: {  	s17 =	sadd.s32 $0x40, s17;
	[tilespmem:v2+s12+$0x0] =	vst.idx.add.f32.msk $0xffff, v7;
	s16 =	sadd.s32 $0x40, s16;
	s15 =	sadd.s32 $0x40, s15  }
0x32: {  	v9 =	vld [tilespmem:s15+$0x0];
	p0 =	slt.u32 s17, $0x26C0;
	[tilespmem:s18+$0xFFFFFFF0] =	vst v8;
	v2 =	vor.u32 v4, v6  }
0x33: {  	v4 =	vld [tilespmem:s19+$0xFFFFFFE0];
	[tilespmem:s18+$0x10] =	vst v2  }
0x34: {  	v2 =	vld [tilespmem:s19+$0xFFFFFFF0]  }
0x35: {  	v10 =	vld [tilespmem:s19+$0x0]  }
0x36: {  	v11 =	vld [tilespmem:s19+$0x10]  }
0x37: {  	v8 =	vld [tilespmem:s20+$0xFFFFFFF0]  }
0x38: {  	v12 =	vld [tilespmem:s15+$0x10]  }
0x39: {  	[tilespmem:v1+s12+$0x0] =	vst.idx.add.f32.msk $0xffff, v5;
	v1 =	vmov v4  }
0x3a: {  	v5 =	vld [tilespmem:s20+$0x0];
	[tilespmem:s18+$0xFFFFFFE0] =	vst v3;
	s18 =	smov.u32 s16  }
0x3b: {  	v13 =	vshll.u32 v10, $0x10;
	v3 =	vld [tilespmem:s20+$0xFFFFFFE0];
	v6 =	vshll.u32 v11, $0x10  }
.Ltmp1:
0x3c: {  	v4 =	vshll.u32 v2, $0x10;
	v7 =	vld [tilespmem:s15+$0xFFFFFFF0];
	(pc) =	sbr.rel @p0 .LBB2_4-.Ltmp1, $4  }
0x3d: {  	v14 =	vshll.u32 v1, $0x10;
	v8 =	vor.u32 v8, v4;
	v4 =	vld [tilespmem:s20+$0x10]  }
0x3e: {  	[tilespmem:v10+s12+$0x0] =	vst.idx.add.f32.msk $0xffff, v9  }
0x3f: {  	v9 =	vor.u32 v5, v13;
	[tilespmem:v11+s12+$0x0] =	vst.idx.add.f32.msk $0xffff, v12  }
0x40: {  	s19 =	sadd.s32 $0x40, s19;
	s20 =	sadd.s32 $0x40, s20;
	v5 =	vld [tilespmem:s15+$0xFFFFFFE0];
	v3 =	vor.u32 v3, v14;
	[tilespmem:s16+$0x0] =	vst v9  }
0x41: {  	_ =	sdelay $0x3  }
0x42: {  	[tilespmem:v2+s12+$0x0] =	vst.idx.add.f32.msk $0xffff, v7  }
0x43: {  	[tilespmem:s18+$0xFFFFFFF0] =	vst v8;
	v2 =	vor.u32 v4, v6  }
0x44: {  	[tilespmem:s18+$0x10] =	vst v2  }
0x45: {  	[tilespmem:v1+s12+$0x0] =	vst.idx.add.f32.msk $0xffff, v5  }
0x46: {  	[tilespmem:s18+$0xFFFFFFE0] =	vst v3  }
0x47: {  	v1 =	vld [tilespmem:$0x4E80];
	_ =	sdelay $0x1  }
0x48: {  	v2 =	vld [tilespmem:$0x2700]  }
0x49: {  	v3 =	vld [tilespmem:$0x7600];
	_ =	sdelay $0x3  }
0x4a: {  	v63 =	vshll.u32 v1, $0x10  }
0x4b: {  	[tilespmem:v1+s12+$0x0] =	vst.idx.add.f32.msk $0xffff, v3;
	v1 =	vor.u32 v2, v63  }
0x4c: {  	[tilespmem:$0xC500] =	vst v1  }
0x4d: {  	[hbm4b:s6+s2] =	stream.linear.scatter [tilespmem:s12], [sflag:$0x1], $0x2710, $0x38;
	[tilespmem:$0xC580] =	vst v63  }
0x4e: {  	s14 =	sadd.s32 $0x1, s14;
	_ =	swait.ge [sflag:s9], $0x2710  }
0x4f: {  	p0 =	sne.s32 s14, s8;
	[sflag:s9] =	ssyncset.done $0x0  }
.Ltmp2:
0x50: {  	[sflag:s9] =	ssyncadd.s32 $0xFFFFD8F0;
	(pc) =	sbr.rel @p0 .LBB2_1-.Ltmp2, $4  }
0x51: {  	[hbm4b:s7+s2] =	stream.linear.scatter [tilespmem:s13], [sflag:$0x1], $0x2710, $0x38;
	[tilespmem:$0xC580] =	vst v63  }
0x52: {  	_ =	swait.ge [sflag:s9], $0x2710  }
0x53: {  	[sflag:s9] =	ssyncset.done $0x0  }
0x54: {  	[sflag:s9] =	ssyncadd.s32 $0xFFFFD8F0  }
0x55: {  	_ =	sfence.sel $0x180000  }
0x56: {  	[bflag:$0x0] =	sbarrier.arrive $0xFFFF  }
0x57: {  	p0 =	sne.s32 s0, $0x0;
	_ =	strace $0x90000047  }
0x58: {  	s0 =	sadd.s32 @!p0 $0x100000, s1;
	[bflag:$0x2] =	sbarrier.arrive $0xFFFF  }
0x59: {  	[sflag:s0] =	ssyncadd.tile.s32 @!p0 $0x1;
	_ =	shalt  }
.Lfunc_end2:
_tile_overlayer_lowered:
.L_overlay_start_2:
0x5a: {  	(tag) =	ssettag $0x2  }
0x5b: {  	s0 =	rddreg [dreg:$0x0];
	s2 =	stileid.u32  }
0x5c: {  	s1 =	rddreg [dreg:$0x1];
	p0 =	sne.s32 s2, $0x0  }
0x5d: {  	s3 =	rddreg [dreg:$0x2];
	[bflag:$0x3] =	sbarrier.arrive $0xFFFF;
	s2 =	simm.s32 @!p0 $0x1C01  }
0x5e: {  	[timem:s3], [sflag:s2] =	dma.local @!p0 [hbm:s0], s1  }
0x5f: {  	s0 =	simm.s32 @!p0 $0x1  }
0x60: {  	_ =	swait.ge @!p0 [sflag:s0], s1  }
0x61: {  	s1 =	ssub.s32 @!p0 $0x0, s1;
	[sflag:s0] =	ssyncset.done @!p0 $0x0  }
0x62: {  	[sflag:s0] =	ssyncadd.s32 @!p0 s1  }
0x63: {  	[bflag:$0x3] =	sbarrier.arrive $0xFFFF  }
0x64: {  	_ =	shalt  }

</sc_bundles>
